<compile_context>
chip_gen: v7x
topology: tpu7x:2x2x1
jax: 0.10.2.dev20260603
libtpu: 0.0.44.dev20260713+nightly
codegen_flags: <defaults>
</compile_context>

<pallas_src>
import functools

import jax
import jax.numpy as jnp
from jax import lax
from jax.experimental import pallas as pl
from jax.experimental.pallas import tpu as pltpu
from jax.experimental.pallas import tpu_sc as plsc

_N = 10000
_E = 320000
_D = 128
_G = 64
_EPS = 1e-5

_NC = 2
_NS = 16
_NW = _NC * _NS
_EPW = _E // _NW
_CH = 80
_NCHUNK = _EPW // _CH
_BCH = 25
_NBLK = _NCHUNK // _BCH
_NPAD = 10240
_RPT = _NPAD // _NS

_mesh = lambda: plsc.VectorSubcoreMesh(core_axis_name="c", subcore_axis_name="s")



@functools.partial(
    pl.kernel,
    out_type=jax.ShapeDtypeStruct((_NC, _NPAD, _D), jnp.float32),
    mesh=_mesh(),
    scratch_types=[
        pltpu.VMEM((_NCHUNK, _CH), jnp.int32),
        pltpu.VMEM((_CH, _D), jnp.float32),
        pltpu.VMEM_SHARED((_NPAD, _D), jnp.float32),
        pltpu.SemaphoreType.DMA,
    ],
)
def _deg_kernel(dst_hbm, ones_hbm, zeros_hbm, out_hbm, dst_v, ones_v, acc,
                deg_sem):
    c = lax.axis_index("c")
    s = lax.axis_index("s")
    wid = c * _NS + s
    pltpu.sync_copy(zeros_hbm, acc.at[pl.ds(s * _RPT, _RPT)])
    pltpu.sync_copy(dst_hbm.at[wid], dst_v)
    pltpu.sync_copy(ones_hbm, ones_v)
    plsc.subcore_barrier()

    def scat(j):
        return pltpu.async_copy(ones_v, acc.at[dst_v.at[j]], deg_sem, add=True)

    def scatw(j):
        pltpu.make_async_copy(ones_v, acc.at[dst_v.at[j]], deg_sem).wait()

    for k in range(4):
        scat(k)

    def body(j, carry):
        scatw(j - 4)
        scat(j)
        return carry

    lax.fori_loop(4, _NCHUNK, body, 0)
    for k in range(4):
        scatw(_NCHUNK - 4 + k)
    plsc.subcore_barrier()
    pltpu.sync_copy(acc.at[pl.ds(s * _RPT, _RPT)],
                    out_hbm.at[c, pl.ds(s * _RPT, _RPT)])


@functools.partial(
    pl.kernel,
    out_type=jax.ShapeDtypeStruct((_NC, _NPAD, _D), jnp.float32),
    mesh=_mesh(),
    scratch_types=[
        pltpu.VMEM((_BCH, _CH), jnp.int32),
        pltpu.VMEM((_BCH, _CH), jnp.int32),
        pltpu.VMEM((_CH, _D), jnp.float32),
        pltpu.VMEM((_CH, _D), jnp.float32),
        pltpu.VMEM_SHARED((_NPAD, _D), jnp.float32),
        pltpu.SemaphoreType.DMA,
        pltpu.SemaphoreType.DMA,
        pltpu.SemaphoreType.DMA,
        pltpu.SemaphoreType.DMA,
    ],
)
def _segsum_kernel(hp_hbm, src_hbm, dst_hbm, zeros_hbm, out_hbm,
                   src_v, dst_v, rows_a, rows_b, acc,
                   sga, sgb, ssa, ssb):
    c = lax.axis_index("c")
    s = lax.axis_index("s")
    wid = c * _NS + s
    pltpu.sync_copy(zeros_hbm, acc.at[pl.ds(s * _RPT, _RPT)])
    plsc.subcore_barrier()

    def gather(j, buf, sem):
        return pltpu.make_async_copy(hp_hbm.at[src_v.at[j]], buf, sem)

    def scat(j, buf, sem):
        pltpu.async_copy(buf, acc.at[dst_v.at[j]], sem, add=True)

    def scatw(j, buf, sem):
        pltpu.make_async_copy(buf, acc.at[dst_v.at[j]], sem).wait()

    def block(b, carry):
        pltpu.sync_copy(src_hbm.at[wid, b], src_v)
        pltpu.sync_copy(dst_hbm.at[wid, b], dst_v)
        gather(0, rows_a, sga).start()
        gather(1, rows_b, sgb).start()
        gather(0, rows_a, sga).wait()
        scat(0, rows_a, ssa)
        gather(1, rows_b, sgb).wait()
        scat(1, rows_b, ssb)

        def body(p, carry):
            ja = 2 * p
            scatw(ja - 2, rows_a, ssa)
            gather(ja, rows_a, sga).start()
            scatw(ja - 1, rows_b, ssb)
            gather(ja + 1, rows_b, sgb).start()
            gather(ja, rows_a, sga).wait()
            scat(ja, rows_a, ssa)
            gather(ja + 1, rows_b, sgb).wait()
            scat(ja + 1, rows_b, ssb)
            return carry

        lax.fori_loop(1, (_BCH - 1) // 2, body, 0)
        scatw(_BCH - 3, rows_a, ssa)
        gather(_BCH - 1, rows_a, sga).start()
        gather(_BCH - 1, rows_a, sga).wait()
        scat(_BCH - 1, rows_a, ssa)
        scatw(_BCH - 2, rows_b, ssb)
        scatw(_BCH - 1, rows_a, ssa)
        return carry

    lax.fori_loop(0, _NBLK, block, 0)
    plsc.subcore_barrier()
    pltpu.sync_copy(acc.at[pl.ds(s * _RPT, _RPT)],
                    out_hbm.at[c, pl.ds(s * _RPT, _RPT)])



def _tc1_body(x_ref, wi_ref, dinv_ref, hp1_ref, dinvb_ref):
    dinv_b = dinv_ref[...] * jnp.ones((1, _D), jnp.float32)
    m1 = jnp.dot(x_ref[...], wi_ref[...], preferred_element_type=jnp.float32)
    dinvb_ref[...] = dinv_b
    hp1_ref[...] = dinv_b * m1


def _tc2_body(s_ref, hp_ref, dinvb_ref, b_ref, w_ref, out_ref):
    conv = dinvb_ref[...] * (s_ref[0][:_N] + s_ref[1][:_N] + hp_ref[...]) + b_ref[...]
    h = jnp.maximum(conv, 0.0)
    out_ref[...] = dinvb_ref[...] * jnp.dot(
        h, w_ref[...], preferred_element_type=jnp.float32)


def _bn_cols(h, g, b):
    m = jnp.mean(h, axis=0, keepdims=True)
    v = jnp.mean((h - m) ** 2, axis=0, keepdims=True)
    return (h - m) / jnp.sqrt(v + _EPS) * g + b


def _tc3_body(s_ref, hp_ref, dinvb_ref, b_ref, g_ref, be_ref, w_ref, out_ref):
    conv = dinvb_ref[...] * (s_ref[0][:_N] + s_ref[1][:_N] + hp_ref[...]) + b_ref[...]
    h = _bn_cols(jnp.maximum(conv, 0.0), g_ref[...], be_ref[...])
    out_ref[...] = dinvb_ref[...] * jnp.dot(
        h, w_ref[...], preferred_element_type=jnp.float32)


def _tc4_body(s_ref, hp_ref, dinvb_ref, b2_ref, g2_ref, be2_ref, batch_ref,
              fw1_ref, fb1_ref, g1h_ref, b1h_ref,
              fw2_ref, fb2_ref, g2h_ref, b2h_ref,
              wout_ref, bout_ref, out_ref):
    conv = dinvb_ref[...] * (s_ref[0][:_N] + s_ref[1][:_N] + hp_ref[...]) + b2_ref[...]
    h = _bn_cols(jnp.maximum(conv, 0.0), g2_ref[...], be2_ref[...])
    gids = lax.broadcasted_iota(jnp.int32, (_G, _N), 0)
    onehot = jnp.where(gids == batch_ref[...], 1.0, 0.0)
    hg = jnp.dot(onehot, h, preferred_element_type=jnp.float32,
                 precision=lax.Precision.HIGHEST)
    z = jnp.maximum(jnp.dot(hg, fw1_ref[...],
                            preferred_element_type=jnp.float32) + fb1_ref[...], 0.0)
    z = _bn_cols(z, g1h_ref[...], b1h_ref[...])
    z = jnp.maximum(jnp.dot(z, fw2_ref[...],
                            preferred_element_type=jnp.float32) + fb2_ref[...], 0.0)
    z = _bn_cols(z, g2h_ref[...], b2h_ref[...])
    out_ref[...] = jnp.dot(z, wout_ref[...],
                           preferred_element_type=jnp.float32) + bout_ref[...]


def _sds(shape):
    return jax.ShapeDtypeStruct(shape, jnp.float32)



def kernel(x, edge_index, batch, Wi, bi, W1, b1, g1, be1, W2, b2, g2, be2,
           fcW1, fcb1, bn1g, bn1b, fcW2, fcb2, bn2g, bn2b, Wout, bout):
    src3 = edge_index[0].reshape(_NW, _NBLK, _BCH, _CH)
    dst3 = edge_index[1].reshape(_NW, _NBLK, _BCH, _CH)
    dstd = edge_index[1].reshape(_NW, _NCHUNK, _CH)
    onesD = jnp.ones((_CH, _D), jnp.float32)
    zerosD = jnp.zeros((_RPT, _D), jnp.float32)
    r = lambda v: v.reshape(1, -1)

    degp = _deg_kernel(dstd, onesD, zerosD)
    deg = 1.0 + degp[0, :_N, 0] + degp[1, :_N, 0]
    dinv = (deg ** -0.5).reshape(_N, 1)
    hp1, dinvb = pl.pallas_call(
        _tc1_body, out_shape=[_sds((_N, _D)), _sds((_N, _D))])(x, Wi, dinv)

    s1 = _segsum_kernel(hp1, src3, dst3, zerosD)
    hp2 = pl.pallas_call(_tc2_body, out_shape=_sds((_N, _D)))(
        s1, hp1, dinvb, r(bi), W1)

    s2 = _segsum_kernel(hp2, src3, dst3, zerosD)
    hp3 = pl.pallas_call(_tc3_body, out_shape=_sds((_N, _D)))(
        s2, hp2, dinvb, r(b1), r(g1), r(be1), W2)

    s3 = _segsum_kernel(hp3, src3, dst3, zerosD)
    woutp = jnp.concatenate([Wout, jnp.zeros((Wout.shape[0], 7), jnp.float32)], axis=1)
    boutp = jnp.concatenate([bout, jnp.zeros((7,), jnp.float32)]).reshape(1, 8)
    out8 = pl.pallas_call(_tc4_body, out_shape=_sds((_G, 8)))(
        s3, hp3, dinvb, r(b2), r(g2), r(be2), r(batch),
        fcW1, r(fcb1), r(bn1g), r(bn1b),
        fcW2, r(fcb2), r(bn2g), r(bn2b), woutp, boutp)
    return out8[:, :1]

# --- scband reference (transcript-rebuilt; emitter-appended) ---
"""Pipeline reference for scband-gcn-simple-18107582120395 (READ-ONLY COPY).

The authoritative reference and input builder live on the scoring server;
editing this copy changes nothing except your own understanding.
"""

import jax, jax.numpy as jnp
import numpy as np

N = 10000
E = 320000
D = 128
H = 128
L = 128
G = 64
EPS = 1e-5


def setup_inputs(seed: int = 0) -> dict:
    key = jax.random.key(seed)
    ks = jax.random.split(key, 24)
    inp = {}
    inp["x"] = jax.random.normal(ks[0], (N, D), dtype=jnp.float32)
    inp["edge_index"] = jax.random.randint(ks[1], (2, E), 0, N, dtype=jnp.int32)
    inp["batch"] = jnp.sort(jax.random.randint(ks[2], (N,), 0, G, dtype=jnp.int32))
    s = 1.0 / np.sqrt(D)
    inp["Wi"] = jax.random.normal(ks[3], (D, H), dtype=jnp.float32) * s
    inp["bi"] = jnp.zeros((H,), dtype=jnp.float32)
    sh = 1.0 / np.sqrt(H)
    inp["W1"] = jax.random.normal(ks[4], (H, H), dtype=jnp.float32) * sh
    inp["b1"] = jnp.zeros((H,), dtype=jnp.float32)
    inp["g1"] = jnp.ones((H,), dtype=jnp.float32)
    inp["be1"] = jnp.zeros((H,), dtype=jnp.float32)
    inp["W2"] = jax.random.normal(ks[5], (H, H), dtype=jnp.float32) * sh
    inp["b2"] = jnp.zeros((H,), dtype=jnp.float32)
    inp["g2"] = jnp.ones((H,), dtype=jnp.float32)
    inp["be2"] = jnp.zeros((H,), dtype=jnp.float32)
    inp["fcW1"] = jax.random.normal(ks[6], (H, L), dtype=jnp.float32) * sh
    inp["fcb1"] = jnp.zeros((L,), dtype=jnp.float32)
    inp["bn1g"] = jnp.ones((L,), dtype=jnp.float32)
    inp["bn1b"] = jnp.zeros((L,), dtype=jnp.float32)
    sl = 1.0 / np.sqrt(L)
    inp["fcW2"] = jax.random.normal(ks[7], (L, L), dtype=jnp.float32) * sl
    inp["fcb2"] = jnp.zeros((L,), dtype=jnp.float32)
    inp["bn2g"] = jnp.ones((L,), dtype=jnp.float32)
    inp["bn2b"] = jnp.zeros((L,), dtype=jnp.float32)
    inp["Wout"] = jax.random.normal(ks[8], (L, 1), dtype=jnp.float32) * sl
    inp["bout"] = jnp.zeros((1,), dtype=jnp.float32)
    return inp


def _gcn_conv(x, W, b, src, dst, norm):
    h = x @ W
    msg = h[src] * norm[:, None]
    out = jax.ops.segment_sum(msg, dst, num_segments=N)
    return out + b


def _bn(h, g, b):
    m = jnp.mean(h, axis=0)
    v = jnp.var(h, axis=0)
    return (h - m) / jnp.sqrt(v + EPS) * g + b


def reference(x, edge_index, batch, Wi, bi, W1, b1, g1, be1, W2, b2, g2, be2, fcW1, fcb1, bn1g, bn1b, fcW2, fcb2, bn2g, bn2b, Wout, bout):
    # add self loops (GCNConv default)
    loop = jnp.arange(N, dtype=edge_index.dtype)
    src = jnp.concatenate([edge_index[0], loop])
    dst = jnp.concatenate([edge_index[1], loop])
    ones = jnp.ones(src.shape[0], dtype=x.dtype)
    deg = jax.ops.segment_sum(ones, dst, num_segments=N)
    dinv = jnp.where(deg > 0, deg ** -0.5, 0.0)
    norm = dinv[src] * dinv[dst]

    h = jax.nn.relu(_gcn_conv(x, Wi, bi, src, dst, norm))
    h = _bn(jax.nn.relu(_gcn_conv(h, W1, b1, src, dst, norm)), g1, be1)
    h = _bn(jax.nn.relu(_gcn_conv(h, W2, b2, src, dst, norm)), g2, be2)
    # global_add_pool
    h = jax.ops.segment_sum(h, batch, num_segments=G)
    h = _bn(jax.nn.relu(h @ fcW1 + fcb1), bn1g, bn1b)
    h = _bn(jax.nn.relu(h @ fcW2 + fcb2), bn2g, bn2b)
    return h @ Wout + bout

if __name__ == "__main__":
    import jax
    _d = setup_inputs()
    print(jax.jit(kernel)(*tuple(_d.values())))

</pallas_src>

<mosaic_0001>
#map = affine_map<(d0, d1) -> (0, 0)>
#map1 = affine_map<(d0, d1) -> (0, 0, 0, 0)>
#map2 = affine_map<(d0, d1) -> (0, 0, 0)>
module attributes {stable_mosaic.version = 14 : i64} {
  func.func @_segsum_kernel(%arg0: i32, %arg1: i32, %arg2: memref<10000x128xf32, #tpu.memory_space<hbm>>, %arg3: memref<32x5x25x80xi32, #tpu.memory_space<hbm>>, %arg4: memref<32x5x25x80xi32, #tpu.memory_space<hbm>>, %arg5: memref<640x128xf32, #tpu.memory_space<hbm>>, %arg6: memref<2x10240x128xf32, #tpu.memory_space<hbm>>, %arg7: memref<25x80xi32, #tpu.memory_space<vmem>>, %arg8: memref<25x80xi32, #tpu.memory_space<vmem>>, %arg9: memref<80x128xf32, #tpu.memory_space<vmem>>, %arg10: memref<80x128xf32, #tpu.memory_space<vmem>>, %arg11: memref<10240x128xf32, #tpu.memory_space<vmem_shared>>, %arg12: memref<!tpu.dma_semaphore, #tpu.memory_space<semaphore_mem>>, %arg13: memref<!tpu.dma_semaphore, #tpu.memory_space<semaphore_mem>>, %arg14: memref<!tpu.dma_semaphore, #tpu.memory_space<semaphore_mem>>, %arg15: memref<!tpu.dma_semaphore, #tpu.memory_space<semaphore_mem>>) attributes {dimension_semantics = [#tpu.dimension_semantics<core_parallel>, #tpu.dimension_semantics<subcore_parallel>], iteration_bounds = array<i64: 2, 16>, scalar_prefetch = 0 : i64, scratch_operands = 9 : i64, tpu.core_type = #tpu.core_type<sc_vector_subcore>, window_params = [{transform_indices = #map}, {transform_indices = #map1}, {transform_indices = #map1}, {transform_indices = #map}, {transform_indices = #map2}]} {
    %mul3A = arith.constant 16 : i32
    %mul3A_0 = arith.muli %arg0, %mul3A : i32
    %add3A = arith.addi %mul3A_0, %arg1 : i32
    %mul3A_1 = arith.constant 640 : i32
    %mul3A_2 = arith.muli %arg1, %mul3A_1 : i32
    "tpu.region"() ({
      %run_scoped3A = tpu.sem_alloc : memref<!tpu.dma_semaphore, #tpu.memory_space<semaphore_mem>>
      %dma_start3A = arith.constant 0 : i32
      %dma_start3A_13 = tpu.memref_slice %arg11[%mul3A_2, %dma_start3A] : memref<10240x128xf32, #tpu.memory_space<vmem_shared>> -> memref<640x128xf32, #tpu.memory_space<vmem_shared>>
      tpu.enqueue_dma source(%arg5 : memref<640x128xf32, #tpu.memory_space<hbm>>) target(%dma_start3A_13 : memref<640x128xf32, #tpu.memory_space<vmem_shared>>) target_semaphore(%run_scoped3A : memref<!tpu.dma_semaphore, #tpu.memory_space<semaphore_mem>>)
      %dma_wait3A = arith.constant 0 : i32
      %dma_wait3A_14 = tpu.memref_slice %arg11[%mul3A_2, %dma_wait3A] : memref<10240x128xf32, #tpu.memory_space<vmem_shared>> -> memref<640x128xf32, #tpu.memory_space<vmem_shared>>
      tpu.wait_dma2 semaphore(%run_scoped3A : memref<!tpu.dma_semaphore, #tpu.memory_space<semaphore_mem>>) src(%arg5 : memref<640x128xf32, #tpu.memory_space<hbm>>) dst(%dma_wait3A_14 : memref<640x128xf32, #tpu.memory_space<vmem_shared>>)
      tpu.yield
    }) : () -> ()
    %barrier3A = arith.constant 0 : index
    tpu.barrier barrier_id(%barrier3A)
    %scan3A = arith.constant 0 : i32
    %scan3A_3 = arith.constant 0 : i32
    %scan3A_4 = arith.constant 5 : i32
    %scan3A_5 = arith.addi %scan3A_3, %scan3A_4 : i32
    %scan3A_6 = arith.constant 1 : i32
    scf.for %scan3A_13 = %scan3A_3 to %scan3A_5 step %scan3A_6  : i32 {
      "tpu.region"() ({
        %run_scoped3A = tpu.sem_alloc : memref<!tpu.dma_semaphore, #tpu.memory_space<semaphore_mem>>
        %dma_start3A_102 = arith.constant 0 : i32
        %dma_start3A_103 = arith.constant 0 : i32
        %dma_start3A_104 = tpu.memref_slice %arg3[%add3A, %scan3A_13, %dma_start3A_102, %dma_start3A_103] : memref<32x5x25x80xi32, #tpu.memory_space<hbm>> -> memref<1x1x25x80xi32, #tpu.memory_space<hbm>>
        %dma_start3A_105 = tpu.memref_squeeze %dma_start3A_104 : memref<1x1x25x80xi32, #tpu.memory_space<hbm>> -> memref<25x80xi32, #tpu.memory_space<hbm>>
        %dma_start3A_106 = arith.constant 0 : i32
        %dma_start3A_107 = arith.constant 0 : i32
        %dma_start3A_108 = tpu.memref_slice %arg3[%add3A, %scan3A_13, %dma_start3A_106, %dma_start3A_107] : memref<32x5x25x80xi32, #tpu.memory_space<hbm>> -> memref<1x1x25x80xi32, #tpu.memory_space<hbm>>
        %dma_start3A_109 = tpu.memref_squeeze %dma_start3A_108 : memref<1x1x25x80xi32, #tpu.memory_space<hbm>> -> memref<25x80xi32, #tpu.memory_space<hbm>>
        tpu.enqueue_dma source(%dma_start3A_109 : memref<25x80xi32, #tpu.memory_space<hbm>>) target(%arg7 : memref<25x80xi32, #tpu.memory_space<vmem>>) target_semaphore(%run_scoped3A : memref<!tpu.dma_semaphore, #tpu.memory_space<semaphore_mem>>)
        %dma_wait3A_110 = arith.constant 0 : i32
        %dma_wait3A_111 = arith.constant 0 : i32
        %dma_wait3A_112 = tpu.memref_slice %arg3[%add3A, %scan3A_13, %dma_wait3A_110, %dma_wait3A_111] : memref<32x5x25x80xi32, #tpu.memory_space<hbm>> -> memref<1x1x25x80xi32, #tpu.memory_space<hbm>>
        %dma_wait3A_113 = tpu.memref_squeeze %dma_wait3A_112 : memref<1x1x25x80xi32, #tpu.memory_space<hbm>> -> memref<25x80xi32, #tpu.memory_space<hbm>>
        %dma_wait3A_114 = arith.constant 0 : i32
        %dma_wait3A_115 = arith.constant 0 : i32
        %dma_wait3A_116 = tpu.memref_slice %arg3[%add3A, %scan3A_13, %dma_wait3A_114, %dma_wait3A_115] : memref<32x5x25x80xi32, #tpu.memory_space<hbm>> -> memref<1x1x25x80xi32, #tpu.memory_space<hbm>>
        %dma_wait3A_117 = tpu.memref_squeeze %dma_wait3A_116 : memref<1x1x25x80xi32, #tpu.memory_space<hbm>> -> memref<25x80xi32, #tpu.memory_space<hbm>>
        tpu.wait_dma2 semaphore(%run_scoped3A : memref<!tpu.dma_semaphore, #tpu.memory_space<semaphore_mem>>) src(%dma_wait3A_117 : memref<25x80xi32, #tpu.memory_space<hbm>>) dst(%arg7 : memref<25x80xi32, #tpu.memory_space<vmem>>)
        tpu.yield
      }) : () -> ()
      "tpu.region"() ({
        %run_scoped3A = tpu.sem_alloc : memref<!tpu.dma_semaphore, #tpu.memory_space<semaphore_mem>>
        %dma_start3A_102 = arith.constant 0 : i32
        %dma_start3A_103 = arith.constant 0 : i32
        %dma_start3A_104 = tpu.memref_slice %arg4[%add3A, %scan3A_13, %dma_start3A_102, %dma_start3A_103] : memref<32x5x25x80xi32, #tpu.memory_space<hbm>> -> memref<1x1x25x80xi32, #tpu.memory_space<hbm>>
        %dma_start3A_105 = tpu.memref_squeeze %dma_start3A_104 : memref<1x1x25x80xi32, #tpu.memory_space<hbm>> -> memref<25x80xi32, #tpu.memory_space<hbm>>
        %dma_start3A_106 = arith.constant 0 : i32
        %dma_start3A_107 = arith.constant 0 : i32
        %dma_start3A_108 = tpu.memref_slice %arg4[%add3A, %scan3A_13, %dma_start3A_106, %dma_start3A_107] : memref<32x5x25x80xi32, #tpu.memory_space<hbm>> -> memref<1x1x25x80xi32, #tpu.memory_space<hbm>>
        %dma_start3A_109 = tpu.memref_squeeze %dma_start3A_108 : memref<1x1x25x80xi32, #tpu.memory_space<hbm>> -> memref<25x80xi32, #tpu.memory_space<hbm>>
        tpu.enqueue_dma source(%dma_start3A_109 : memref<25x80xi32, #tpu.memory_space<hbm>>) target(%arg8 : memref<25x80xi32, #tpu.memory_space<vmem>>) target_semaphore(%run_scoped3A : memref<!tpu.dma_semaphore, #tpu.memory_space<semaphore_mem>>)
        %dma_wait3A_110 = arith.constant 0 : i32
        %dma_wait3A_111 = arith.constant 0 : i32
        %dma_wait3A_112 = tpu.memref_slice %arg4[%add3A, %scan3A_13, %dma_wait3A_110, %dma_wait3A_111] : memref<32x5x25x80xi32, #tpu.memory_space<hbm>> -> memref<1x1x25x80xi32, #tpu.memory_space<hbm>>
        %dma_wait3A_113 = tpu.memref_squeeze %dma_wait3A_112 : memref<1x1x25x80xi32, #tpu.memory_space<hbm>> -> memref<25x80xi32, #tpu.memory_space<hbm>>
        %dma_wait3A_114 = arith.constant 0 : i32
        %dma_wait3A_115 = arith.constant 0 : i32
        %dma_wait3A_116 = tpu.memref_slice %arg4[%add3A, %scan3A_13, %dma_wait3A_114, %dma_wait3A_115] : memref<32x5x25x80xi32, #tpu.memory_space<hbm>> -> memref<1x1x25x80xi32, #tpu.memory_space<hbm>>
        %dma_wait3A_117 = tpu.memref_squeeze %dma_wait3A_116 : memref<1x1x25x80xi32, #tpu.memory_space<hbm>> -> memref<25x80xi32, #tpu.memory_space<hbm>>
        tpu.wait_dma2 semaphore(%run_scoped3A : memref<!tpu.dma_semaphore, #tpu.memory_space<semaphore_mem>>) src(%dma_wait3A_117 : memref<25x80xi32, #tpu.memory_space<hbm>>) dst(%arg8 : memref<25x80xi32, #tpu.memory_space<vmem>>)
        tpu.yield
      }) : () -> ()
      %dma_start3A = arith.constant 0 : i32
      %dma_start3A_14 = arith.constant 0 : i32
      %dma_start3A_15 = tpu.memref_slice %arg7[%dma_start3A, %dma_start3A_14] : memref<25x80xi32, #tpu.memory_space<vmem>> -> memref<1x80xi32, #tpu.memory_space<vmem>>
      %dma_start3A_16 = tpu.memref_squeeze %dma_start3A_15 : memref<1x80xi32, #tpu.memory_space<vmem>> -> memref<80xi32, #tpu.memory_space<vmem>>
      %dma_start3A_17 = arith.constant 0 : i32
      %dma_start3A_18 = arith.constant 0 : i32
      %dma_start3A_19 = tpu.memref_slice %arg2[%dma_start3A_17, %dma_start3A_18] : memref<10000x128xf32, #tpu.memory_space<hbm>> -> memref<10000x128xf32, #tpu.memory_space<hbm>>
      tpu.enqueue_indirect_dma source(%dma_start3A_19 : memref<10000x128xf32, #tpu.memory_space<hbm>>) target(%arg9 : memref<80x128xf32, #tpu.memory_space<vmem>>) offsets(%dma_start3A_16 : memref<80xi32, #tpu.memory_space<vmem>>) semaphore(%arg12 : memref<!tpu.dma_semaphore, #tpu.memory_space<semaphore_mem>>)
      %dma_start3A_20 = arith.constant 1 : i32
      %dma_start3A_21 = arith.constant 0 : i32
      %dma_start3A_22 = tpu.memref_slice %arg7[%dma_start3A_20, %dma_start3A_21] : memref<25x80xi32, #tpu.memory_space<vmem>> -> memref<1x80xi32, #tpu.memory_space<vmem>>
      %dma_start3A_23 = tpu.memref_squeeze %dma_start3A_22 : memref<1x80xi32, #tpu.memory_space<vmem>> -> memref<80xi32, #tpu.memory_space<vmem>>
      %dma_start3A_24 = arith.constant 0 : i32
      %dma_start3A_25 = arith.constant 0 : i32
      %dma_start3A_26 = tpu.memref_slice %arg2[%dma_start3A_24, %dma_start3A_25] : memref<10000x128xf32, #tpu.memory_space<hbm>> -> memref<10000x128xf32, #tpu.memory_space<hbm>>
      tpu.enqueue_indirect_dma source(%dma_start3A_26 : memref<10000x128xf32, #tpu.memory_space<hbm>>) target(%arg10 : memref<80x128xf32, #tpu.memory_space<vmem>>) offsets(%dma_start3A_23 : memref<80xi32, #tpu.memory_space<vmem>>) semaphore(%arg13 : memref<!tpu.dma_semaphore, #tpu.memory_space<semaphore_mem>>)
      %dma_wait3A = arith.constant 0 : i32
      %dma_wait3A_27 = arith.constant 0 : i32
      %dma_wait3A_28 = tpu.memref_slice %arg7[%dma_wait3A, %dma_wait3A_27] : memref<25x80xi32, #tpu.memory_space<vmem>> -> memref<1x80xi32, #tpu.memory_space<vmem>>
      %dma_wait3A_29 = tpu.memref_squeeze %dma_wait3A_28 : memref<1x80xi32, #tpu.memory_space<vmem>> -> memref<80xi32, #tpu.memory_space<vmem>>
      %dma_wait3A_30 = arith.constant 0 : i32
      %dma_wait3A_31 = arith.constant 0 : i32
      %dma_wait3A_32 = tpu.memref_slice %arg2[%dma_wait3A_30, %dma_wait3A_31] : memref<10000x128xf32, #tpu.memory_space<hbm>> -> memref<10000x128xf32, #tpu.memory_space<hbm>>
      tpu.wait_indirect_dma semaphore(%arg12 : memref<!tpu.dma_semaphore, #tpu.memory_space<semaphore_mem>>) src(%dma_wait3A_32 : memref<10000x128xf32, #tpu.memory_space<hbm>>) dst(%arg9 : memref<80x128xf32, #tpu.memory_space<vmem>>)
      %dma_start3A_33 = arith.constant 0 : i32
      %dma_start3A_34 = arith.constant 0 : i32
      %dma_start3A_35 = tpu.memref_slice %arg8[%dma_start3A_33, %dma_start3A_34] : memref<25x80xi32, #tpu.memory_space<vmem>> -> memref<1x80xi32, #tpu.memory_space<vmem>>
      %dma_start3A_36 = tpu.memref_squeeze %dma_start3A_35 : memref<1x80xi32, #tpu.memory_space<vmem>> -> memref<80xi32, #tpu.memory_space<vmem>>
      %dma_start3A_37 = arith.constant 0 : i32
      %dma_start3A_38 = arith.constant 0 : i32
      %dma_start3A_39 = tpu.memref_slice %arg11[%dma_start3A_37, %dma_start3A_38] : memref<10240x128xf32, #tpu.memory_space<vmem_shared>> -> memref<10240x128xf32, #tpu.memory_space<vmem_shared>>
      tpu.enqueue_indirect_dma source(%arg9 : memref<80x128xf32, #tpu.memory_space<vmem>>) target(%dma_start3A_39 : memref<10240x128xf32, #tpu.memory_space<vmem_shared>>) offsets(%dma_start3A_36 : memref<80xi32, #tpu.memory_space<vmem>>) semaphore(%arg14 : memref<!tpu.dma_semaphore, #tpu.memory_space<semaphore_mem>>) {add = true}
      %dma_wait3A_40 = arith.constant 1 : i32
      %dma_wait3A_41 = arith.constant 0 : i32
      %dma_wait3A_42 = tpu.memref_slice %arg7[%dma_wait3A_40, %dma_wait3A_41] : memref<25x80xi32, #tpu.memory_space<vmem>> -> memref<1x80xi32, #tpu.memory_space<vmem>>
      %dma_wait3A_43 = tpu.memref_squeeze %dma_wait3A_42 : memref<1x80xi32, #tpu.memory_space<vmem>> -> memref<80xi32, #tpu.memory_space<vmem>>
      %dma_wait3A_44 = arith.constant 0 : i32
      %dma_wait3A_45 = arith.constant 0 : i32
      %dma_wait3A_46 = tpu.memref_slice %arg2[%dma_wait3A_44, %dma_wait3A_45] : memref<10000x128xf32, #tpu.memory_space<hbm>> -> memref<10000x128xf32, #tpu.memory_space<hbm>>
      tpu.wait_indirect_dma semaphore(%arg13 : memref<!tpu.dma_semaphore, #tpu.memory_space<semaphore_mem>>) src(%dma_wait3A_46 : memref<10000x128xf32, #tpu.memory_space<hbm>>) dst(%arg10 : memref<80x128xf32, #tpu.memory_space<vmem>>)
      %dma_start3A_47 = arith.constant 1 : i32
      %dma_start3A_48 = arith.constant 0 : i32
      %dma_start3A_49 = tpu.memref_slice %arg8[%dma_start3A_47, %dma_start3A_48] : memref<25x80xi32, #tpu.memory_space<vmem>> -> memref<1x80xi32, #tpu.memory_space<vmem>>
      %dma_start3A_50 = tpu.memref_squeeze %dma_start3A_49 : memref<1x80xi32, #tpu.memory_space<vmem>> -> memref<80xi32, #tpu.memory_space<vmem>>
      %dma_start3A_51 = arith.constant 0 : i32
      %dma_start3A_52 = arith.constant 0 : i32
      %dma_start3A_53 = tpu.memref_slice %arg11[%dma_start3A_51, %dma_start3A_52] : memref<10240x128xf32, #tpu.memory_space<vmem_shared>> -> memref<10240x128xf32, #tpu.memory_space<vmem_shared>>
      tpu.enqueue_indirect_dma source(%arg10 : memref<80x128xf32, #tpu.memory_space<vmem>>) target(%dma_start3A_53 : memref<10240x128xf32, #tpu.memory_space<vmem_shared>>) offsets(%dma_start3A_50 : memref<80xi32, #tpu.memory_space<vmem>>) semaphore(%arg15 : memref<!tpu.dma_semaphore, #tpu.memory_space<semaphore_mem>>) {add = true}
      %scan3A_54 = arith.constant 0 : i32
      %scan3A_55 = arith.constant 1 : i32
      %scan3A_56 = arith.constant 11 : i32
      %scan3A_57 = arith.addi %scan3A_55, %scan3A_56 : i32
      %scan3A_58 = arith.constant 1 : i32
      scf.for %scan3A_102 = %scan3A_55 to %scan3A_57 step %scan3A_58  : i32 {
        %mul3A_103 = arith.constant 2 : i32
        %mul3A_104 = arith.muli %mul3A_103, %scan3A_102 : i32
        %sub3A = arith.constant 2 : i32
        %sub3A_105 = arith.subi %mul3A_104, %sub3A : i32
        %dma_wait3A_106 = arith.constant 0 : i32
        %dma_wait3A_107 = tpu.memref_slice %arg8[%sub3A_105, %dma_wait3A_106] : memref<25x80xi32, #tpu.memory_space<vmem>> -> memref<1x80xi32, #tpu.memory_space<vmem>>
        %dma_wait3A_108 = tpu.memref_squeeze %dma_wait3A_107 : memref<1x80xi32, #tpu.memory_space<vmem>> -> memref<80xi32, #tpu.memory_space<vmem>>
        %dma_wait3A_109 = arith.constant 0 : i32
        %dma_wait3A_110 = arith.constant 0 : i32
        %dma_wait3A_111 = tpu.memref_slice %arg11[%dma_wait3A_109, %dma_wait3A_110] : memref<10240x128xf32, #tpu.memory_space<vmem_shared>> -> memref<10240x128xf32, #tpu.memory_space<vmem_shared>>
        tpu.wait_indirect_dma semaphore(%arg14 : memref<!tpu.dma_semaphore, #tpu.memory_space<semaphore_mem>>) src(%arg9 : memref<80x128xf32, #tpu.memory_space<vmem>>) dst(%dma_wait3A_111 : memref<10240x128xf32, #tpu.memory_space<vmem_shared>>)
        %dma_start3A_112 = arith.constant 0 : i32
        %dma_start3A_113 = tpu.memref_slice %arg7[%mul3A_104, %dma_start3A_112] : memref<25x80xi32, #tpu.memory_space<vmem>> -> memref<1x80xi32, #tpu.memory_space<vmem>>
        %dma_start3A_114 = tpu.memref_squeeze %dma_start3A_113 : memref<1x80xi32, #tpu.memory_space<vmem>> -> memref<80xi32, #tpu.memory_space<vmem>>
        %dma_start3A_115 = arith.constant 0 : i32
        %dma_start3A_116 = arith.constant 0 : i32
        %dma_start3A_117 = tpu.memref_slice %arg2[%dma_start3A_115, %dma_start3A_116] : memref<10000x128xf32, #tpu.memory_space<hbm>> -> memref<10000x128xf32, #tpu.memory_space<hbm>>
        tpu.enqueue_indirect_dma source(%dma_start3A_117 : memref<10000x128xf32, #tpu.memory_space<hbm>>) target(%arg9 : memref<80x128xf32, #tpu.memory_space<vmem>>) offsets(%dma_start3A_114 : memref<80xi32, #tpu.memory_space<vmem>>) semaphore(%arg12 : memref<!tpu.dma_semaphore, #tpu.memory_space<semaphore_mem>>)
        %sub3A_118 = arith.constant 1 : i32
        %sub3A_119 = arith.subi %mul3A_104, %sub3A_118 : i32
        %dma_wait3A_120 = arith.constant 0 : i32
        %dma_wait3A_121 = tpu.memref_slice %arg8[%sub3A_119, %dma_wait3A_120] : memref<25x80xi32, #tpu.memory_space<vmem>> -> memref<1x80xi32, #tpu.memory_space<vmem>>
        %dma_wait3A_122 = tpu.memref_squeeze %dma_wait3A_121 : memref<1x80xi32, #tpu.memory_space<vmem>> -> memref<80xi32, #tpu.memory_space<vmem>>
        %dma_wait3A_123 = arith.constant 0 : i32
        %dma_wait3A_124 = arith.constant 0 : i32
        %dma_wait3A_125 = tpu.memref_slice %arg11[%dma_wait3A_123, %dma_wait3A_124] : memref<10240x128xf32, #tpu.memory_space<vmem_shared>> -> memref<10240x128xf32, #tpu.memory_space<vmem_shared>>
        tpu.wait_indirect_dma semaphore(%arg15 : memref<!tpu.dma_semaphore, #tpu.memory_space<semaphore_mem>>) src(%arg10 : memref<80x128xf32, #tpu.memory_space<vmem>>) dst(%dma_wait3A_125 : memref<10240x128xf32, #tpu.memory_space<vmem_shared>>)
        %add3A_126 = arith.constant 1 : i32
        %add3A_127 = arith.addi %mul3A_104, %add3A_126 : i32
        %dma_start3A_128 = arith.constant 0 : i32
        %dma_start3A_129 = tpu.memref_slice %arg7[%add3A_127, %dma_start3A_128] : memref<25x80xi32, #tpu.memory_space<vmem>> -> memref<1x80xi32, #tpu.memory_space<vmem>>
        %dma_start3A_130 = tpu.memref_squeeze %dma_start3A_129 : memref<1x80xi32, #tpu.memory_space<vmem>> -> memref<80xi32, #tpu.memory_space<vmem>>
        %dma_start3A_131 = arith.constant 0 : i32
        %dma_start3A_132 = arith.constant 0 : i32
        %dma_start3A_133 = tpu.memref_slice %arg2[%dma_start3A_131, %dma_start3A_132] : memref<10000x128xf32, #tpu.memory_space<hbm>> -> memref<10000x128xf32, #tpu.memory_space<hbm>>
        tpu.enqueue_indirect_dma source(%dma_start3A_133 : memref<10000x128xf32, #tpu.memory_space<hbm>>) target(%arg10 : memref<80x128xf32, #tpu.memory_space<vmem>>) offsets(%dma_start3A_130 : memref<80xi32, #tpu.memory_space<vmem>>) semaphore(%arg13 : memref<!tpu.dma_semaphore, #tpu.memory_space<semaphore_mem>>)
        %dma_wait3A_134 = arith.constant 0 : i32
        %dma_wait3A_135 = tpu.memref_slice %arg7[%mul3A_104, %dma_wait3A_134] : memref<25x80xi32, #tpu.memory_space<vmem>> -> memref<1x80xi32, #tpu.memory_space<vmem>>
        %dma_wait3A_136 = tpu.memref_squeeze %dma_wait3A_135 : memref<1x80xi32, #tpu.memory_space<vmem>> -> memref<80xi32, #tpu.memory_space<vmem>>
        %dma_wait3A_137 = arith.constant 0 : i32
        %dma_wait3A_138 = arith.constant 0 : i32
        %dma_wait3A_139 = tpu.memref_slice %arg2[%dma_wait3A_137, %dma_wait3A_138] : memref<10000x128xf32, #tpu.memory_space<hbm>> -> memref<10000x128xf32, #tpu.memory_space<hbm>>
        tpu.wait_indirect_dma semaphore(%arg12 : memref<!tpu.dma_semaphore, #tpu.memory_space<semaphore_mem>>) src(%dma_wait3A_139 : memref<10000x128xf32, #tpu.memory_space<hbm>>) dst(%arg9 : memref<80x128xf32, #tpu.memory_space<vmem>>)
        %dma_start3A_140 = arith.constant 0 : i32
        %dma_start3A_141 = tpu.memref_slice %arg8[%mul3A_104, %dma_start3A_140] : memref<25x80xi32, #tpu.memory_space<vmem>> -> memref<1x80xi32, #tpu.memory_space<vmem>>
        %dma_start3A_142 = tpu.memref_squeeze %dma_start3A_141 : memref<1x80xi32, #tpu.memory_space<vmem>> -> memref<80xi32, #tpu.memory_space<vmem>>
        %dma_start3A_143 = arith.constant 0 : i32
        %dma_start3A_144 = arith.constant 0 : i32
        %dma_start3A_145 = tpu.memref_slice %arg11[%dma_start3A_143, %dma_start3A_144] : memref<10240x128xf32, #tpu.memory_space<vmem_shared>> -> memref<10240x128xf32, #tpu.memory_space<vmem_shared>>
        tpu.enqueue_indirect_dma source(%arg9 : memref<80x128xf32, #tpu.memory_space<vmem>>) target(%dma_start3A_145 : memref<10240x128xf32, #tpu.memory_space<vmem_shared>>) offsets(%dma_start3A_142 : memref<80xi32, #tpu.memory_space<vmem>>) semaphore(%arg14 : memref<!tpu.dma_semaphore, #tpu.memory_space<semaphore_mem>>) {add = true}
        %add3A_146 = arith.constant 1 : i32
        %add3A_147 = arith.addi %mul3A_104, %add3A_146 : i32
        %dma_wait3A_148 = arith.constant 0 : i32
        %dma_wait3A_149 = tpu.memref_slice %arg7[%add3A_147, %dma_wait3A_148] : memref<25x80xi32, #tpu.memory_space<vmem>> -> memref<1x80xi32, #tpu.memory_space<vmem>>
        %dma_wait3A_150 = tpu.memref_squeeze %dma_wait3A_149 : memref<1x80xi32, #tpu.memory_space<vmem>> -> memref<80xi32, #tpu.memory_space<vmem>>
        %dma_wait3A_151 = arith.constant 0 : i32
        %dma_wait3A_152 = arith.constant 0 : i32
        %dma_wait3A_153 = tpu.memref_slice %arg2[%dma_wait3A_151, %dma_wait3A_152] : memref<10000x128xf32, #tpu.memory_space<hbm>> -> memref<10000x128xf32, #tpu.memory_space<hbm>>
        tpu.wait_indirect_dma semaphore(%arg13 : memref<!tpu.dma_semaphore, #tpu.memory_space<semaphore_mem>>) src(%dma_wait3A_153 : memref<10000x128xf32, #tpu.memory_space<hbm>>) dst(%arg10 : memref<80x128xf32, #tpu.memory_space<vmem>>)
        %add3A_154 = arith.constant 1 : i32
        %add3A_155 = arith.addi %mul3A_104, %add3A_154 : i32
        %dma_start3A_156 = arith.constant 0 : i32
        %dma_start3A_157 = tpu.memref_slice %arg8[%add3A_155, %dma_start3A_156] : memref<25x80xi32, #tpu.memory_space<vmem>> -> memref<1x80xi32, #tpu.memory_space<vmem>>
        %dma_start3A_158 = tpu.memref_squeeze %dma_start3A_157 : memref<1x80xi32, #tpu.memory_space<vmem>> -> memref<80xi32, #tpu.memory_space<vmem>>
        %dma_start3A_159 = arith.constant 0 : i32
        %dma_start3A_160 = arith.constant 0 : i32
        %dma_start3A_161 = tpu.memref_slice %arg11[%dma_start3A_159, %dma_start3A_160] : memref<10240x128xf32, #tpu.memory_space<vmem_shared>> -> memref<10240x128xf32, #tpu.memory_space<vmem_shared>>
        tpu.enqueue_indirect_dma source(%arg10 : memref<80x128xf32, #tpu.memory_space<vmem>>) target(%dma_start3A_161 : memref<10240x128xf32, #tpu.memory_space<vmem_shared>>) offsets(%dma_start3A_158 : memref<80xi32, #tpu.memory_space<vmem>>) semaphore(%arg15 : memref<!tpu.dma_semaphore, #tpu.memory_space<semaphore_mem>>) {add = true}
      }
      %scan3A_59 = arith.constant 11 : i32
      %dma_wait3A_60 = arith.constant 22 : i32
      %dma_wait3A_61 = arith.constant 0 : i32
      %dma_wait3A_62 = tpu.memref_slice %arg8[%dma_wait3A_60, %dma_wait3A_61] : memref<25x80xi32, #tpu.memory_space<vmem>> -> memref<1x80xi32, #tpu.memory_space<vmem>>
      %dma_wait3A_63 = tpu.memref_squeeze %dma_wait3A_62 : memref<1x80xi32, #tpu.memory_space<vmem>> -> memref<80xi32, #tpu.memory_space<vmem>>
      %dma_wait3A_64 = arith.constant 0 : i32
      %dma_wait3A_65 = arith.constant 0 : i32
      %dma_wait3A_66 = tpu.memref_slice %arg11[%dma_wait3A_64, %dma_wait3A_65] : memref<10240x128xf32, #tpu.memory_space<vmem_shared>> -> memref<10240x128xf32, #tpu.memory_space<vmem_shared>>
      tpu.wait_indirect_dma semaphore(%arg14 : memref<!tpu.dma_semaphore, #tpu.memory_space<semaphore_mem>>) src(%arg9 : memref<80x128xf32, #tpu.memory_space<vmem>>) dst(%dma_wait3A_66 : memref<10240x128xf32, #tpu.memory_space<vmem_shared>>)
      %dma_start3A_67 = arith.constant 24 : i32
      %dma_start3A_68 = arith.constant 0 : i32
      %dma_start3A_69 = tpu.memref_slice %arg7[%dma_start3A_67, %dma_start3A_68] : memref<25x80xi32, #tpu.memory_space<vmem>> -> memref<1x80xi32, #tpu.memory_space<vmem>>
      %dma_start3A_70 = tpu.memref_squeeze %dma_start3A_69 : memref<1x80xi32, #tpu.memory_space<vmem>> -> memref<80xi32, #tpu.memory_space<vmem>>
      %dma_start3A_71 = arith.constant 0 : i32
      %dma_start3A_72 = arith.constant 0 : i32
      %dma_start3A_73 = tpu.memref_slice %arg2[%dma_start3A_71, %dma_start3A_72] : memref<10000x128xf32, #tpu.memory_space<hbm>> -> memref<10000x128xf32, #tpu.memory_space<hbm>>
      tpu.enqueue_indirect_dma source(%dma_start3A_73 : memref<10000x128xf32, #tpu.memory_space<hbm>>) target(%arg9 : memref<80x128xf32, #tpu.memory_space<vmem>>) offsets(%dma_start3A_70 : memref<80xi32, #tpu.memory_space<vmem>>) semaphore(%arg12 : memref<!tpu.dma_semaphore, #tpu.memory_space<semaphore_mem>>)
      %dma_wait3A_74 = arith.constant 24 : i32
      %dma_wait3A_75 = arith.constant 0 : i32
      %dma_wait3A_76 = tpu.memref_slice %arg7[%dma_wait3A_74, %dma_wait3A_75] : memref<25x80xi32, #tpu.memory_space<vmem>> -> memref<1x80xi32, #tpu.memory_space<vmem>>
      %dma_wait3A_77 = tpu.memref_squeeze %dma_wait3A_76 : memref<1x80xi32, #tpu.memory_space<vmem>> -> memref<80xi32, #tpu.memory_space<vmem>>
      %dma_wait3A_78 = arith.constant 0 : i32
      %dma_wait3A_79 = arith.constant 0 : i32
      %dma_wait3A_80 = tpu.memref_slice %arg2[%dma_wait3A_78, %dma_wait3A_79] : memref<10000x128xf32, #tpu.memory_space<hbm>> -> memref<10000x128xf32, #tpu.memory_space<hbm>>
      tpu.wait_indirect_dma semaphore(%arg12 : memref<!tpu.dma_semaphore, #tpu.memory_space<semaphore_mem>>) src(%dma_wait3A_80 : memref<10000x128xf32, #tpu.memory_space<hbm>>) dst(%arg9 : memref<80x128xf32, #tpu.memory_space<vmem>>)
      %dma_start3A_81 = arith.constant 24 : i32
      %dma_start3A_82 = arith.constant 0 : i32
      %dma_start3A_83 = tpu.memref_slice %arg8[%dma_start3A_81, %dma_start3A_82] : memref<25x80xi32, #tpu.memory_space<vmem>> -> memref<1x80xi32, #tpu.memory_space<vmem>>
      %dma_start3A_84 = tpu.memref_squeeze %dma_start3A_83 : memref<1x80xi32, #tpu.memory_space<vmem>> -> memref<80xi32, #tpu.memory_space<vmem>>
      %dma_start3A_85 = arith.constant 0 : i32
      %dma_start3A_86 = arith.constant 0 : i32
      %dma_start3A_87 = tpu.memref_slice %arg11[%dma_start3A_85, %dma_start3A_86] : memref<10240x128xf32, #tpu.memory_space<vmem_shared>> -> memref<10240x128xf32, #tpu.memory_space<vmem_shared>>
      tpu.enqueue_indirect_dma source(%arg9 : memref<80x128xf32, #tpu.memory_space<vmem>>) target(%dma_start3A_87 : memref<10240x128xf32, #tpu.memory_space<vmem_shared>>) offsets(%dma_start3A_84 : memref<80xi32, #tpu.memory_space<vmem>>) semaphore(%arg14 : memref<!tpu.dma_semaphore, #tpu.memory_space<semaphore_mem>>) {add = true}
      %dma_wait3A_88 = arith.constant 23 : i32
      %dma_wait3A_89 = arith.constant 0 : i32
      %dma_wait3A_90 = tpu.memref_slice %arg8[%dma_wait3A_88, %dma_wait3A_89] : memref<25x80xi32, #tpu.memory_space<vmem>> -> memref<1x80xi32, #tpu.memory_space<vmem>>
      %dma_wait3A_91 = tpu.memref_squeeze %dma_wait3A_90 : memref<1x80xi32, #tpu.memory_space<vmem>> -> memref<80xi32, #tpu.memory_space<vmem>>
      %dma_wait3A_92 = arith.constant 0 : i32
      %dma_wait3A_93 = arith.constant 0 : i32
      %dma_wait3A_94 = tpu.memref_slice %arg11[%dma_wait3A_92, %dma_wait3A_93] : memref<10240x128xf32, #tpu.memory_space<vmem_shared>> -> memref<10240x128xf32, #tpu.memory_space<vmem_shared>>
      tpu.wait_indirect_dma semaphore(%arg15 : memref<!tpu.dma_semaphore, #tpu.memory_space<semaphore_mem>>) src(%arg10 : memref<80x128xf32, #tpu.memory_space<vmem>>) dst(%dma_wait3A_94 : memref<10240x128xf32, #tpu.memory_space<vmem_shared>>)
      %dma_wait3A_95 = arith.constant 24 : i32
      %dma_wait3A_96 = arith.constant 0 : i32
      %dma_wait3A_97 = tpu.memref_slice %arg8[%dma_wait3A_95, %dma_wait3A_96] : memref<25x80xi32, #tpu.memory_space<vmem>> -> memref<1x80xi32, #tpu.memory_space<vmem>>
      %dma_wait3A_98 = tpu.memref_squeeze %dma_wait3A_97 : memref<1x80xi32, #tpu.memory_space<vmem>> -> memref<80xi32, #tpu.memory_space<vmem>>
      %dma_wait3A_99 = arith.constant 0 : i32
      %dma_wait3A_100 = arith.constant 0 : i32
      %dma_wait3A_101 = tpu.memref_slice %arg11[%dma_wait3A_99, %dma_wait3A_100] : memref<10240x128xf32, #tpu.memory_space<vmem_shared>> -> memref<10240x128xf32, #tpu.memory_space<vmem_shared>>
      tpu.wait_indirect_dma semaphore(%arg14 : memref<!tpu.dma_semaphore, #tpu.memory_space<semaphore_mem>>) src(%arg9 : memref<80x128xf32, #tpu.memory_space<vmem>>) dst(%dma_wait3A_101 : memref<10240x128xf32, #tpu.memory_space<vmem_shared>>)
    }
    %scan3A_7 = arith.constant 5 : i32
    %barrier3A_8 = arith.constant 0 : index
    tpu.barrier barrier_id(%barrier3A_8)
    %mul3A_9 = arith.constant 640 : i32
    %mul3A_10 = arith.muli %arg1, %mul3A_9 : i32
    %mul3A_11 = arith.constant 640 : i32
    %mul3A_12 = arith.muli %arg1, %mul3A_11 : i32
    "tpu.region"() ({
      %run_scoped3A = tpu.sem_alloc : memref<!tpu.dma_semaphore, #tpu.memory_space<semaphore_mem>>
      %dma_start3A = arith.constant 0 : i32
      %dma_start3A_13 = tpu.memref_slice %arg6[%arg0, %mul3A_12, %dma_start3A] : memref<2x10240x128xf32, #tpu.memory_space<hbm>> -> memref<1x640x128xf32, #tpu.memory_space<hbm>>
      %dma_start3A_14 = tpu.memref_squeeze %dma_start3A_13 : memref<1x640x128xf32, #tpu.memory_space<hbm>> -> memref<640x128xf32, #tpu.memory_space<hbm>>
      %dma_start3A_15 = arith.constant 0 : i32
      %dma_start3A_16 = tpu.memref_slice %arg11[%mul3A_10, %dma_start3A_15] : memref<10240x128xf32, #tpu.memory_space<vmem_shared>> -> memref<640x128xf32, #tpu.memory_space<vmem_shared>>
      tpu.enqueue_dma source(%dma_start3A_16 : memref<640x128xf32, #tpu.memory_space<vmem_shared>>) target(%dma_start3A_14 : memref<640x128xf32, #tpu.memory_space<hbm>>) target_semaphore(%run_scoped3A : memref<!tpu.dma_semaphore, #tpu.memory_space<semaphore_mem>>)
      %dma_wait3A = arith.constant 0 : i32
      %dma_wait3A_17 = tpu.memref_slice %arg6[%arg0, %mul3A_12, %dma_wait3A] : memref<2x10240x128xf32, #tpu.memory_space<hbm>> -> memref<1x640x128xf32, #tpu.memory_space<hbm>>
      %dma_wait3A_18 = tpu.memref_squeeze %dma_wait3A_17 : memref<1x640x128xf32, #tpu.memory_space<hbm>> -> memref<640x128xf32, #tpu.memory_space<hbm>>
      %dma_wait3A_19 = arith.constant 0 : i32
      %dma_wait3A_20 = tpu.memref_slice %arg11[%mul3A_10, %dma_wait3A_19] : memref<10240x128xf32, #tpu.memory_space<vmem_shared>> -> memref<640x128xf32, #tpu.memory_space<vmem_shared>>
      tpu.wait_dma2 semaphore(%run_scoped3A : memref<!tpu.dma_semaphore, #tpu.memory_space<semaphore_mem>>) src(%dma_wait3A_20 : memref<640x128xf32, #tpu.memory_space<vmem_shared>>) dst(%dma_wait3A_18 : memref<640x128xf32, #tpu.memory_space<hbm>>)
      tpu.yield
    }) : () -> ()
    return
  }
}

#map = affine_map<(d0, d1) -> (0, 0, 0)>
#map1 = affine_map<(d0, d1) -> (0, 0)>
module attributes {stable_mosaic.version = 14 : i64} {
  func.func @_deg_kernel(%arg0: i32, %arg1: i32, %arg2: memref<32x125x80xi32, #tpu.memory_space<hbm>>, %arg3: memref<80x128xf32, #tpu.memory_space<hbm>>, %arg4: memref<640x128xf32, #tpu.memory_space<hbm>>, %arg5: memref<2x10240x128xf32, #tpu.memory_space<hbm>>, %arg6: memref<125x80xi32, #tpu.memory_space<vmem>>, %arg7: memref<80x128xf32, #tpu.memory_space<vmem>>, %arg8: memref<10240x128xf32, #tpu.memory_space<vmem_shared>>, %arg9: memref<!tpu.dma_semaphore, #tpu.memory_space<semaphore_mem>>) attributes {dimension_semantics = [#tpu.dimension_semantics<core_parallel>, #tpu.dimension_semantics<subcore_parallel>], iteration_bounds = array<i64: 2, 16>, scalar_prefetch = 0 : i64, scratch_operands = 4 : i64, tpu.core_type = #tpu.core_type<sc_vector_subcore>, window_params = [{transform_indices = #map}, {transform_indices = #map1}, {transform_indices = #map1}, {transform_indices = #map}]} {
    %mul3A = arith.constant 16 : i32
    %mul3A_0 = arith.muli %arg0, %mul3A : i32
    %add3A = arith.addi %mul3A_0, %arg1 : i32
    %mul3A_1 = arith.constant 640 : i32
    %mul3A_2 = arith.muli %arg1, %mul3A_1 : i32
    "tpu.region"() ({
      %run_scoped3A = tpu.sem_alloc : memref<!tpu.dma_semaphore, #tpu.memory_space<semaphore_mem>>
      %dma_start3A_67 = arith.constant 0 : i32
      %dma_start3A_68 = tpu.memref_slice %arg8[%mul3A_2, %dma_start3A_67] : memref<10240x128xf32, #tpu.memory_space<vmem_shared>> -> memref<640x128xf32, #tpu.memory_space<vmem_shared>>
      tpu.enqueue_dma source(%arg4 : memref<640x128xf32, #tpu.memory_space<hbm>>) target(%dma_start3A_68 : memref<640x128xf32, #tpu.memory_space<vmem_shared>>) target_semaphore(%run_scoped3A : memref<!tpu.dma_semaphore, #tpu.memory_space<semaphore_mem>>)
      %dma_wait3A_69 = arith.constant 0 : i32
      %dma_wait3A_70 = tpu.memref_slice %arg8[%mul3A_2, %dma_wait3A_69] : memref<10240x128xf32, #tpu.memory_space<vmem_shared>> -> memref<640x128xf32, #tpu.memory_space<vmem_shared>>
      tpu.wait_dma2 semaphore(%run_scoped3A : memref<!tpu.dma_semaphore, #tpu.memory_space<semaphore_mem>>) src(%arg4 : memref<640x128xf32, #tpu.memory_space<hbm>>) dst(%dma_wait3A_70 : memref<640x128xf32, #tpu.memory_space<vmem_shared>>)
      tpu.yield
    }) : () -> ()
    "tpu.region"() ({
      %run_scoped3A = tpu.sem_alloc : memref<!tpu.dma_semaphore, #tpu.memory_space<semaphore_mem>>
      %dma_start3A_67 = arith.constant 0 : i32
      %dma_start3A_68 = arith.constant 0 : i32
      %dma_start3A_69 = tpu.memref_slice %arg2[%add3A, %dma_start3A_67, %dma_start3A_68] : memref<32x125x80xi32, #tpu.memory_space<hbm>> -> memref<1x125x80xi32, #tpu.memory_space<hbm>>
      %dma_start3A_70 = tpu.memref_squeeze %dma_start3A_69 : memref<1x125x80xi32, #tpu.memory_space<hbm>> -> memref<125x80xi32, #tpu.memory_space<hbm>>
      %dma_start3A_71 = arith.constant 0 : i32
      %dma_start3A_72 = arith.constant 0 : i32
      %dma_start3A_73 = tpu.memref_slice %arg2[%add3A, %dma_start3A_71, %dma_start3A_72] : memref<32x125x80xi32, #tpu.memory_space<hbm>> -> memref<1x125x80xi32, #tpu.memory_space<hbm>>
      %dma_start3A_74 = tpu.memref_squeeze %dma_start3A_73 : memref<1x125x80xi32, #tpu.memory_space<hbm>> -> memref<125x80xi32, #tpu.memory_space<hbm>>
      tpu.enqueue_dma source(%dma_start3A_74 : memref<125x80xi32, #tpu.memory_space<hbm>>) target(%arg6 : memref<125x80xi32, #tpu.memory_space<vmem>>) target_semaphore(%run_scoped3A : memref<!tpu.dma_semaphore, #tpu.memory_space<semaphore_mem>>)
      %dma_wait3A_75 = arith.constant 0 : i32
      %dma_wait3A_76 = arith.constant 0 : i32
      %dma_wait3A_77 = tpu.memref_slice %arg2[%add3A, %dma_wait3A_75, %dma_wait3A_76] : memref<32x125x80xi32, #tpu.memory_space<hbm>> -> memref<1x125x80xi32, #tpu.memory_space<hbm>>
      %dma_wait3A_78 = tpu.memref_squeeze %dma_wait3A_77 : memref<1x125x80xi32, #tpu.memory_space<hbm>> -> memref<125x80xi32, #tpu.memory_space<hbm>>
      %dma_wait3A_79 = arith.constant 0 : i32
      %dma_wait3A_80 = arith.constant 0 : i32
      %dma_wait3A_81 = tpu.memref_slice %arg2[%add3A, %dma_wait3A_79, %dma_wait3A_80] : memref<32x125x80xi32, #tpu.memory_space<hbm>> -> memref<1x125x80xi32, #tpu.memory_space<hbm>>
      %dma_wait3A_82 = tpu.memref_squeeze %dma_wait3A_81 : memref<1x125x80xi32, #tpu.memory_space<hbm>> -> memref<125x80xi32, #tpu.memory_space<hbm>>
      tpu.wait_dma2 semaphore(%run_scoped3A : memref<!tpu.dma_semaphore, #tpu.memory_space<semaphore_mem>>) src(%dma_wait3A_82 : memref<125x80xi32, #tpu.memory_space<hbm>>) dst(%arg6 : memref<125x80xi32, #tpu.memory_space<vmem>>)
      tpu.yield
    }) : () -> ()
    "tpu.region"() ({
      %run_scoped3A = tpu.sem_alloc : memref<!tpu.dma_semaphore, #tpu.memory_space<semaphore_mem>>
      tpu.enqueue_dma source(%arg3 : memref<80x128xf32, #tpu.memory_space<hbm>>) target(%arg7 : memref<80x128xf32, #tpu.memory_space<vmem>>) target_semaphore(%run_scoped3A : memref<!tpu.dma_semaphore, #tpu.memory_space<semaphore_mem>>)
      tpu.wait_dma2 semaphore(%run_scoped3A : memref<!tpu.dma_semaphore, #tpu.memory_space<semaphore_mem>>) src(%arg3 : memref<80x128xf32, #tpu.memory_space<hbm>>) dst(%arg7 : memref<80x128xf32, #tpu.memory_space<vmem>>)
      tpu.yield
    }) : () -> ()
    %barrier3A = arith.constant 0 : index
    tpu.barrier barrier_id(%barrier3A)
    %dma_start3A = arith.constant 0 : i32
    %dma_start3A_3 = arith.constant 0 : i32
    %dma_start3A_4 = tpu.memref_slice %arg6[%dma_start3A, %dma_start3A_3] : memref<125x80xi32, #tpu.memory_space<vmem>> -> memref<1x80xi32, #tpu.memory_space<vmem>>
    %dma_start3A_5 = tpu.memref_squeeze %dma_start3A_4 : memref<1x80xi32, #tpu.memory_space<vmem>> -> memref<80xi32, #tpu.memory_space<vmem>>
    %dma_start3A_6 = arith.constant 0 : i32
    %dma_start3A_7 = arith.constant 0 : i32
    %dma_start3A_8 = tpu.memref_slice %arg8[%dma_start3A_6, %dma_start3A_7] : memref<10240x128xf32, #tpu.memory_space<vmem_shared>> -> memref<10240x128xf32, #tpu.memory_space<vmem_shared>>
    tpu.enqueue_indirect_dma source(%arg7 : memref<80x128xf32, #tpu.memory_space<vmem>>) target(%dma_start3A_8 : memref<10240x128xf32, #tpu.memory_space<vmem_shared>>) offsets(%dma_start3A_5 : memref<80xi32, #tpu.memory_space<vmem>>) semaphore(%arg9 : memref<!tpu.dma_semaphore, #tpu.memory_space<semaphore_mem>>) {add = true}
    %dma_start3A_9 = arith.constant 1 : i32
    %dma_start3A_10 = arith.constant 0 : i32
    %dma_start3A_11 = tpu.memref_slice %arg6[%dma_start3A_9, %dma_start3A_10] : memref<125x80xi32, #tpu.memory_space<vmem>> -> memref<1x80xi32, #tpu.memory_space<vmem>>
    %dma_start3A_12 = tpu.memref_squeeze %dma_start3A_11 : memref<1x80xi32, #tpu.memory_space<vmem>> -> memref<80xi32, #tpu.memory_space<vmem>>
    %dma_start3A_13 = arith.constant 0 : i32
    %dma_start3A_14 = arith.constant 0 : i32
    %dma_start3A_15 = tpu.memref_slice %arg8[%dma_start3A_13, %dma_start3A_14] : memref<10240x128xf32, #tpu.memory_space<vmem_shared>> -> memref<10240x128xf32, #tpu.memory_space<vmem_shared>>
    tpu.enqueue_indirect_dma source(%arg7 : memref<80x128xf32, #tpu.memory_space<vmem>>) target(%dma_start3A_15 : memref<10240x128xf32, #tpu.memory_space<vmem_shared>>) offsets(%dma_start3A_12 : memref<80xi32, #tpu.memory_space<vmem>>) semaphore(%arg9 : memref<!tpu.dma_semaphore, #tpu.memory_space<semaphore_mem>>) {add = true}
    %dma_start3A_16 = arith.constant 2 : i32
    %dma_start3A_17 = arith.constant 0 : i32
    %dma_start3A_18 = tpu.memref_slice %arg6[%dma_start3A_16, %dma_start3A_17] : memref<125x80xi32, #tpu.memory_space<vmem>> -> memref<1x80xi32, #tpu.memory_space<vmem>>
    %dma_start3A_19 = tpu.memref_squeeze %dma_start3A_18 : memref<1x80xi32, #tpu.memory_space<vmem>> -> memref<80xi32, #tpu.memory_space<vmem>>
    %dma_start3A_20 = arith.constant 0 : i32
    %dma_start3A_21 = arith.constant 0 : i32
    %dma_start3A_22 = tpu.memref_slice %arg8[%dma_start3A_20, %dma_start3A_21] : memref<10240x128xf32, #tpu.memory_space<vmem_shared>> -> memref<10240x128xf32, #tpu.memory_space<vmem_shared>>
    tpu.enqueue_indirect_dma source(%arg7 : memref<80x128xf32, #tpu.memory_space<vmem>>) target(%dma_start3A_22 : memref<10240x128xf32, #tpu.memory_space<vmem_shared>>) offsets(%dma_start3A_19 : memref<80xi32, #tpu.memory_space<vmem>>) semaphore(%arg9 : memref<!tpu.dma_semaphore, #tpu.memory_space<semaphore_mem>>) {add = true}
    %dma_start3A_23 = arith.constant 3 : i32
    %dma_start3A_24 = arith.constant 0 : i32
    %dma_start3A_25 = tpu.memref_slice %arg6[%dma_start3A_23, %dma_start3A_24] : memref<125x80xi32, #tpu.memory_space<vmem>> -> memref<1x80xi32, #tpu.memory_space<vmem>>
    %dma_start3A_26 = tpu.memref_squeeze %dma_start3A_25 : memref<1x80xi32, #tpu.memory_space<vmem>> -> memref<80xi32, #tpu.memory_space<vmem>>
    %dma_start3A_27 = arith.constant 0 : i32
    %dma_start3A_28 = arith.constant 0 : i32
    %dma_start3A_29 = tpu.memref_slice %arg8[%dma_start3A_27, %dma_start3A_28] : memref<10240x128xf32, #tpu.memory_space<vmem_shared>> -> memref<10240x128xf32, #tpu.memory_space<vmem_shared>>
    tpu.enqueue_indirect_dma source(%arg7 : memref<80x128xf32, #tpu.memory_space<vmem>>) target(%dma_start3A_29 : memref<10240x128xf32, #tpu.memory_space<vmem_shared>>) offsets(%dma_start3A_26 : memref<80xi32, #tpu.memory_space<vmem>>) semaphore(%arg9 : memref<!tpu.dma_semaphore, #tpu.memory_space<semaphore_mem>>) {add = true}
    %scan3A = arith.constant 0 : i32
    %scan3A_30 = arith.constant 4 : i32
    %scan3A_31 = arith.constant 121 : i32
    %scan3A_32 = arith.addi %scan3A_30, %scan3A_31 : i32
    %scan3A_33 = arith.constant 1 : i32
    scf.for %scan3A_67 = %scan3A_30 to %scan3A_32 step %scan3A_33  : i32 {
      %sub3A = arith.constant 4 : i32
      %sub3A_68 = arith.subi %scan3A_67, %sub3A : i32
      %dma_wait3A_69 = arith.constant 0 : i32
      %dma_wait3A_70 = tpu.memref_slice %arg6[%sub3A_68, %dma_wait3A_69] : memref<125x80xi32, #tpu.memory_space<vmem>> -> memref<1x80xi32, #tpu.memory_space<vmem>>
      %dma_wait3A_71 = tpu.memref_squeeze %dma_wait3A_70 : memref<1x80xi32, #tpu.memory_space<vmem>> -> memref<80xi32, #tpu.memory_space<vmem>>
      %dma_wait3A_72 = arith.constant 0 : i32
      %dma_wait3A_73 = arith.constant 0 : i32
      %dma_wait3A_74 = tpu.memref_slice %arg8[%dma_wait3A_72, %dma_wait3A_73] : memref<10240x128xf32, #tpu.memory_space<vmem_shared>> -> memref<10240x128xf32, #tpu.memory_space<vmem_shared>>
      tpu.wait_indirect_dma semaphore(%arg9 : memref<!tpu.dma_semaphore, #tpu.memory_space<semaphore_mem>>) src(%arg7 : memref<80x128xf32, #tpu.memory_space<vmem>>) dst(%dma_wait3A_74 : memref<10240x128xf32, #tpu.memory_space<vmem_shared>>)
      %dma_start3A_75 = arith.constant 0 : i32
      %dma_start3A_76 = tpu.memref_slice %arg6[%scan3A_67, %dma_start3A_75] : memref<125x80xi32, #tpu.memory_space<vmem>> -> memref<1x80xi32, #tpu.memory_space<vmem>>
      %dma_start3A_77 = tpu.memref_squeeze %dma_start3A_76 : memref<1x80xi32, #tpu.memory_space<vmem>> -> memref<80xi32, #tpu.memory_space<vmem>>
      %dma_start3A_78 = arith.constant 0 : i32
      %dma_start3A_79 = arith.constant 0 : i32
      %dma_start3A_80 = tpu.memref_slice %arg8[%dma_start3A_78, %dma_start3A_79] : memref<10240x128xf32, #tpu.memory_space<vmem_shared>> -> memref<10240x128xf32, #tpu.memory_space<vmem_shared>>
      tpu.enqueue_indirect_dma source(%arg7 : memref<80x128xf32, #tpu.memory_space<vmem>>) target(%dma_start3A_80 : memref<10240x128xf32, #tpu.memory_space<vmem_shared>>) offsets(%dma_start3A_77 : memref<80xi32, #tpu.memory_space<vmem>>) semaphore(%arg9 : memref<!tpu.dma_semaphore, #tpu.memory_space<semaphore_mem>>) {add = true}
    }
    %scan3A_34 = arith.constant 121 : i32
    %dma_wait3A = arith.constant 121 : i32
    %dma_wait3A_35 = arith.constant 0 : i32
    %dma_wait3A_36 = tpu.memref_slice %arg6[%dma_wait3A, %dma_wait3A_35] : memref<125x80xi32, #tpu.memory_space<vmem>> -> memref<1x80xi32, #tpu.memory_space<vmem>>
    %dma_wait3A_37 = tpu.memref_squeeze %dma_wait3A_36 : memref<1x80xi32, #tpu.memory_space<vmem>> -> memref<80xi32, #tpu.memory_space<vmem>>
    %dma_wait3A_38 = arith.constant 0 : i32
    %dma_wait3A_39 = arith.constant 0 : i32
    %dma_wait3A_40 = tpu.memref_slice %arg8[%dma_wait3A_38, %dma_wait3A_39] : memref<10240x128xf32, #tpu.memory_space<vmem_shared>> -> memref<10240x128xf32, #tpu.memory_space<vmem_shared>>
    tpu.wait_indirect_dma semaphore(%arg9 : memref<!tpu.dma_semaphore, #tpu.memory_space<semaphore_mem>>) src(%arg7 : memref<80x128xf32, #tpu.memory_space<vmem>>) dst(%dma_wait3A_40 : memref<10240x128xf32, #tpu.memory_space<vmem_shared>>)
    %dma_wait3A_41 = arith.constant 122 : i32
    %dma_wait3A_42 = arith.constant 0 : i32
    %dma_wait3A_43 = tpu.memref_slice %arg6[%dma_wait3A_41, %dma_wait3A_42] : memref<125x80xi32, #tpu.memory_space<vmem>> -> memref<1x80xi32, #tpu.memory_space<vmem>>
    %dma_wait3A_44 = tpu.memref_squeeze %dma_wait3A_43 : memref<1x80xi32, #tpu.memory_space<vmem>> -> memref<80xi32, #tpu.memory_space<vmem>>
    %dma_wait3A_45 = arith.constant 0 : i32
    %dma_wait3A_46 = arith.constant 0 : i32
    %dma_wait3A_47 = tpu.memref_slice %arg8[%dma_wait3A_45, %dma_wait3A_46] : memref<10240x128xf32, #tpu.memory_space<vmem_shared>> -> memref<10240x128xf32, #tpu.memory_space<vmem_shared>>
    tpu.wait_indirect_dma semaphore(%arg9 : memref<!tpu.dma_semaphore, #tpu.memory_space<semaphore_mem>>) src(%arg7 : memref<80x128xf32, #tpu.memory_space<vmem>>) dst(%dma_wait3A_47 : memref<10240x128xf32, #tpu.memory_space<vmem_shared>>)
    %dma_wait3A_48 = arith.constant 123 : i32
    %dma_wait3A_49 = arith.constant 0 : i32
    %dma_wait3A_50 = tpu.memref_slice %arg6[%dma_wait3A_48, %dma_wait3A_49] : memref<125x80xi32, #tpu.memory_space<vmem>> -> memref<1x80xi32, #tpu.memory_space<vmem>>
    %dma_wait3A_51 = tpu.memref_squeeze %dma_wait3A_50 : memref<1x80xi32, #tpu.memory_space<vmem>> -> memref<80xi32, #tpu.memory_space<vmem>>
    %dma_wait3A_52 = arith.constant 0 : i32
    %dma_wait3A_53 = arith.constant 0 : i32
    %dma_wait3A_54 = tpu.memref_slice %arg8[%dma_wait3A_52, %dma_wait3A_53] : memref<10240x128xf32, #tpu.memory_space<vmem_shared>> -> memref<10240x128xf32, #tpu.memory_space<vmem_shared>>
    tpu.wait_indirect_dma semaphore(%arg9 : memref<!tpu.dma_semaphore, #tpu.memory_space<semaphore_mem>>) src(%arg7 : memref<80x128xf32, #tpu.memory_space<vmem>>) dst(%dma_wait3A_54 : memref<10240x128xf32, #tpu.memory_space<vmem_shared>>)
    %dma_wait3A_55 = arith.constant 124 : i32
    %dma_wait3A_56 = arith.constant 0 : i32
    %dma_wait3A_57 = tpu.memref_slice %arg6[%dma_wait3A_55, %dma_wait3A_56] : memref<125x80xi32, #tpu.memory_space<vmem>> -> memref<1x80xi32, #tpu.memory_space<vmem>>
    %dma_wait3A_58 = tpu.memref_squeeze %dma_wait3A_57 : memref<1x80xi32, #tpu.memory_space<vmem>> -> memref<80xi32, #tpu.memory_space<vmem>>
    %dma_wait3A_59 = arith.constant 0 : i32
    %dma_wait3A_60 = arith.constant 0 : i32
    %dma_wait3A_61 = tpu.memref_slice %arg8[%dma_wait3A_59, %dma_wait3A_60] : memref<10240x128xf32, #tpu.memory_space<vmem_shared>> -> memref<10240x128xf32, #tpu.memory_space<vmem_shared>>
    tpu.wait_indirect_dma semaphore(%arg9 : memref<!tpu.dma_semaphore, #tpu.memory_space<semaphore_mem>>) src(%arg7 : memref<80x128xf32, #tpu.memory_space<vmem>>) dst(%dma_wait3A_61 : memref<10240x128xf32, #tpu.memory_space<vmem_shared>>)
    %barrier3A_62 = arith.constant 0 : index
    tpu.barrier barrier_id(%barrier3A_62)
    %mul3A_63 = arith.constant 640 : i32
    %mul3A_64 = arith.muli %arg1, %mul3A_63 : i32
    %mul3A_65 = arith.constant 640 : i32
    %mul3A_66 = arith.muli %arg1, %mul3A_65 : i32
    "tpu.region"() ({
      %run_scoped3A = tpu.sem_alloc : memref<!tpu.dma_semaphore, #tpu.memory_space<semaphore_mem>>
      %dma_start3A_67 = arith.constant 0 : i32
      %dma_start3A_68 = tpu.memref_slice %arg5[%arg0, %mul3A_66, %dma_start3A_67] : memref<2x10240x128xf32, #tpu.memory_space<hbm>> -> memref<1x640x128xf32, #tpu.memory_space<hbm>>
      %dma_start3A_69 = tpu.memref_squeeze %dma_start3A_68 : memref<1x640x128xf32, #tpu.memory_space<hbm>> -> memref<640x128xf32, #tpu.memory_space<hbm>>
      %dma_start3A_70 = arith.constant 0 : i32
      %dma_start3A_71 = tpu.memref_slice %arg8[%mul3A_64, %dma_start3A_70] : memref<10240x128xf32, #tpu.memory_space<vmem_shared>> -> memref<640x128xf32, #tpu.memory_space<vmem_shared>>
      tpu.enqueue_dma source(%dma_start3A_71 : memref<640x128xf32, #tpu.memory_space<vmem_shared>>) target(%dma_start3A_69 : memref<640x128xf32, #tpu.memory_space<hbm>>) target_semaphore(%run_scoped3A : memref<!tpu.dma_semaphore, #tpu.memory_space<semaphore_mem>>)
      %dma_wait3A_72 = arith.constant 0 : i32
      %dma_wait3A_73 = tpu.memref_slice %arg5[%arg0, %mul3A_66, %dma_wait3A_72] : memref<2x10240x128xf32, #tpu.memory_space<hbm>> -> memref<1x640x128xf32, #tpu.memory_space<hbm>>
      %dma_wait3A_74 = tpu.memref_squeeze %dma_wait3A_73 : memref<1x640x128xf32, #tpu.memory_space<hbm>> -> memref<640x128xf32, #tpu.memory_space<hbm>>
      %dma_wait3A_75 = arith.constant 0 : i32
      %dma_wait3A_76 = tpu.memref_slice %arg8[%mul3A_64, %dma_wait3A_75] : memref<10240x128xf32, #tpu.memory_space<vmem_shared>> -> memref<640x128xf32, #tpu.memory_space<vmem_shared>>
      tpu.wait_dma2 semaphore(%run_scoped3A : memref<!tpu.dma_semaphore, #tpu.memory_space<semaphore_mem>>) src(%dma_wait3A_76 : memref<640x128xf32, #tpu.memory_space<vmem_shared>>) dst(%dma_wait3A_74 : memref<640x128xf32, #tpu.memory_space<hbm>>)
      tpu.yield
    }) : () -> ()
    return
  }
}

#map = affine_map<(d0, d1) -> (0, 0)>
#map1 = affine_map<(d0, d1) -> (0, 0, 0, 0)>
#map2 = affine_map<(d0, d1) -> (0, 0, 0)>
module attributes {stable_mosaic.version = 14 : i64} {
  func.func @_segsum_kernel(%arg0: i32, %arg1: i32, %arg2: memref<10000x128xf32, #tpu.memory_space<hbm>>, %arg3: memref<32x5x25x80xi32, #tpu.memory_space<hbm>>, %arg4: memref<32x5x25x80xi32, #tpu.memory_space<hbm>>, %arg5: memref<640x128xf32, #tpu.memory_space<hbm>>, %arg6: memref<2x10240x128xf32, #tpu.memory_space<hbm>>, %arg7: memref<25x80xi32, #tpu.memory_space<vmem>>, %arg8: memref<25x80xi32, #tpu.memory_space<vmem>>, %arg9: memref<80x128xf32, #tpu.memory_space<vmem>>, %arg10: memref<80x128xf32, #tpu.memory_space<vmem>>, %arg11: memref<10240x128xf32, #tpu.memory_space<vmem_shared>>, %arg12: memref<!tpu.dma_semaphore, #tpu.memory_space<semaphore_mem>>, %arg13: memref<!tpu.dma_semaphore, #tpu.memory_space<semaphore_mem>>, %arg14: memref<!tpu.dma_semaphore, #tpu.memory_space<semaphore_mem>>, %arg15: memref<!tpu.dma_semaphore, #tpu.memory_space<semaphore_mem>>) attributes {dimension_semantics = [#tpu.dimension_semantics<core_parallel>, #tpu.dimension_semantics<subcore_parallel>], iteration_bounds = array<i64: 2, 16>, scalar_prefetch = 0 : i64, scratch_operands = 9 : i64, tpu.core_type = #tpu.core_type<sc_vector_subcore>, window_params = [{transform_indices = #map}, {transform_indices = #map1}, {transform_indices = #map1}, {transform_indices = #map}, {transform_indices = #map2}]} {
    %mul3A = arith.constant 16 : i32
    %mul3A_0 = arith.muli %arg0, %mul3A : i32
    %add3A = arith.addi %mul3A_0, %arg1 : i32
    %mul3A_1 = arith.constant 640 : i32
    %mul3A_2 = arith.muli %arg1, %mul3A_1 : i32
    "tpu.region"() ({
      %run_scoped3A = tpu.sem_alloc : memref<!tpu.dma_semaphore, #tpu.memory_space<semaphore_mem>>
      %dma_start3A = arith.constant 0 : i32
      %dma_start3A_13 = tpu.memref_slice %arg11[%mul3A_2, %dma_start3A] : memref<10240x128xf32, #tpu.memory_space<vmem_shared>> -> memref<640x128xf32, #tpu.memory_space<vmem_shared>>
      tpu.enqueue_dma source(%arg5 : memref<640x128xf32, #tpu.memory_space<hbm>>) target(%dma_start3A_13 : memref<640x128xf32, #tpu.memory_space<vmem_shared>>) target_semaphore(%run_scoped3A : memref<!tpu.dma_semaphore, #tpu.memory_space<semaphore_mem>>)
      %dma_wait3A = arith.constant 0 : i32
      %dma_wait3A_14 = tpu.memref_slice %arg11[%mul3A_2, %dma_wait3A] : memref<10240x128xf32, #tpu.memory_space<vmem_shared>> -> memref<640x128xf32, #tpu.memory_space<vmem_shared>>
      tpu.wait_dma2 semaphore(%run_scoped3A : memref<!tpu.dma_semaphore, #tpu.memory_space<semaphore_mem>>) src(%arg5 : memref<640x128xf32, #tpu.memory_space<hbm>>) dst(%dma_wait3A_14 : memref<640x128xf32, #tpu.memory_space<vmem_shared>>)
      tpu.yield
    }) : () -> ()
    %barrier3A = arith.constant 0 : index
    tpu.barrier barrier_id(%barrier3A)
    %scan3A = arith.constant 0 : i32
    %scan3A_3 = arith.constant 0 : i32
    %scan3A_4 = arith.constant 5 : i32
    %scan3A_5 = arith.addi %scan3A_3, %scan3A_4 : i32
    %scan3A_6 = arith.constant 1 : i32
    scf.for %scan3A_13 = %scan3A_3 to %scan3A_5 step %scan3A_6  : i32 {
      "tpu.region"() ({
        %run_scoped3A = tpu.sem_alloc : memref<!tpu.dma_semaphore, #tpu.memory_space<semaphore_mem>>
        %dma_start3A_102 = arith.constant 0 : i32
        %dma_start3A_103 = arith.constant 0 : i32
        %dma_start3A_104 = tpu.memref_slice %arg3[%add3A, %scan3A_13, %dma_start3A_102, %dma_start3A_103] : memref<32x5x25x80xi32, #tpu.memory_space<hbm>> -> memref<1x1x25x80xi32, #tpu.memory_space<hbm>>
        %dma_start3A_105 = tpu.memref_squeeze %dma_start3A_104 : memref<1x1x25x80xi32, #tpu.memory_space<hbm>> -> memref<25x80xi32, #tpu.memory_space<hbm>>
        %dma_start3A_106 = arith.constant 0 : i32
        %dma_start3A_107 = arith.constant 0 : i32
        %dma_start3A_108 = tpu.memref_slice %arg3[%add3A, %scan3A_13, %dma_start3A_106, %dma_start3A_107] : memref<32x5x25x80xi32, #tpu.memory_space<hbm>> -> memref<1x1x25x80xi32, #tpu.memory_space<hbm>>
        %dma_start3A_109 = tpu.memref_squeeze %dma_start3A_108 : memref<1x1x25x80xi32, #tpu.memory_space<hbm>> -> memref<25x80xi32, #tpu.memory_space<hbm>>
        tpu.enqueue_dma source(%dma_start3A_109 : memref<25x80xi32, #tpu.memory_space<hbm>>) target(%arg7 : memref<25x80xi32, #tpu.memory_space<vmem>>) target_semaphore(%run_scoped3A : memref<!tpu.dma_semaphore, #tpu.memory_space<semaphore_mem>>)
        %dma_wait3A_110 = arith.constant 0 : i32
        %dma_wait3A_111 = arith.constant 0 : i32
        %dma_wait3A_112 = tpu.memref_slice %arg3[%add3A, %scan3A_13, %dma_wait3A_110, %dma_wait3A_111] : memref<32x5x25x80xi32, #tpu.memory_space<hbm>> -> memref<1x1x25x80xi32, #tpu.memory_space<hbm>>
        %dma_wait3A_113 = tpu.memref_squeeze %dma_wait3A_112 : memref<1x1x25x80xi32, #tpu.memory_space<hbm>> -> memref<25x80xi32, #tpu.memory_space<hbm>>
        %dma_wait3A_114 = arith.constant 0 : i32
        %dma_wait3A_115 = arith.constant 0 : i32
        %dma_wait3A_116 = tpu.memref_slice %arg3[%add3A, %scan3A_13, %dma_wait3A_114, %dma_wait3A_115] : memref<32x5x25x80xi32, #tpu.memory_space<hbm>> -> memref<1x1x25x80xi32, #tpu.memory_space<hbm>>
        %dma_wait3A_117 = tpu.memref_squeeze %dma_wait3A_116 : memref<1x1x25x80xi32, #tpu.memory_space<hbm>> -> memref<25x80xi32, #tpu.memory_space<hbm>>
        tpu.wait_dma2 semaphore(%run_scoped3A : memref<!tpu.dma_semaphore, #tpu.memory_space<semaphore_mem>>) src(%dma_wait3A_117 : memref<25x80xi32, #tpu.memory_space<hbm>>) dst(%arg7 : memref<25x80xi32, #tpu.memory_space<vmem>>)
        tpu.yield
      }) : () -> ()
      "tpu.region"() ({
        %run_scoped3A = tpu.sem_alloc : memref<!tpu.dma_semaphore, #tpu.memory_space<semaphore_mem>>
        %dma_start3A_102 = arith.constant 0 : i32
        %dma_start3A_103 = arith.constant 0 : i32
        %dma_start3A_104 = tpu.memref_slice %arg4[%add3A, %scan3A_13, %dma_start3A_102, %dma_start3A_103] : memref<32x5x25x80xi32, #tpu.memory_space<hbm>> -> memref<1x1x25x80xi32, #tpu.memory_space<hbm>>
        %dma_start3A_105 = tpu.memref_squeeze %dma_start3A_104 : memref<1x1x25x80xi32, #tpu.memory_space<hbm>> -> memref<25x80xi32, #tpu.memory_space<hbm>>
        %dma_start3A_106 = arith.constant 0 : i32
        %dma_start3A_107 = arith.constant 0 : i32
        %dma_start3A_108 = tpu.memref_slice %arg4[%add3A, %scan3A_13, %dma_start3A_106, %dma_start3A_107] : memref<32x5x25x80xi32, #tpu.memory_space<hbm>> -> memref<1x1x25x80xi32, #tpu.memory_space<hbm>>
        %dma_start3A_109 = tpu.memref_squeeze %dma_start3A_108 : memref<1x1x25x80xi32, #tpu.memory_space<hbm>> -> memref<25x80xi32, #tpu.memory_space<hbm>>
        tpu.enqueue_dma source(%dma_start3A_109 : memref<25x80xi32, #tpu.memory_space<hbm>>) target(%arg8 : memref<25x80xi32, #tpu.memory_space<vmem>>) target_semaphore(%run_scoped3A : memref<!tpu.dma_semaphore, #tpu.memory_space<semaphore_mem>>)
        %dma_wait3A_110 = arith.constant 0 : i32
        %dma_wait3A_111 = arith.constant 0 : i32
        %dma_wait3A_112 = tpu.memref_slice %arg4[%add3A, %scan3A_13, %dma_wait3A_110, %dma_wait3A_111] : memref<32x5x25x80xi32, #tpu.memory_space<hbm>> -> memref<1x1x25x80xi32, #tpu.memory_space<hbm>>
        %dma_wait3A_113 = tpu.memref_squeeze %dma_wait3A_112 : memref<1x1x25x80xi32, #tpu.memory_space<hbm>> -> memref<25x80xi32, #tpu.memory_space<hbm>>
        %dma_wait3A_114 = arith.constant 0 : i32
        %dma_wait3A_115 = arith.constant 0 : i32
        %dma_wait3A_116 = tpu.memref_slice %arg4[%add3A, %scan3A_13, %dma_wait3A_114, %dma_wait3A_115] : memref<32x5x25x80xi32, #tpu.memory_space<hbm>> -> memref<1x1x25x80xi32, #tpu.memory_space<hbm>>
        %dma_wait3A_117 = tpu.memref_squeeze %dma_wait3A_116 : memref<1x1x25x80xi32, #tpu.memory_space<hbm>> -> memref<25x80xi32, #tpu.memory_space<hbm>>
        tpu.wait_dma2 semaphore(%run_scoped3A : memref<!tpu.dma_semaphore, #tpu.memory_space<semaphore_mem>>) src(%dma_wait3A_117 : memref<25x80xi32, #tpu.memory_space<hbm>>) dst(%arg8 : memref<25x80xi32, #tpu.memory_space<vmem>>)
        tpu.yield
      }) : () -> ()
      %dma_start3A = arith.constant 0 : i32
      %dma_start3A_14 = arith.constant 0 : i32
      %dma_start3A_15 = tpu.memref_slice %arg7[%dma_start3A, %dma_start3A_14] : memref<25x80xi32, #tpu.memory_space<vmem>> -> memref<1x80xi32, #tpu.memory_space<vmem>>
      %dma_start3A_16 = tpu.memref_squeeze %dma_start3A_15 : memref<1x80xi32, #tpu.memory_space<vmem>> -> memref<80xi32, #tpu.memory_space<vmem>>
      %dma_start3A_17 = arith.constant 0 : i32
      %dma_start3A_18 = arith.constant 0 : i32
      %dma_start3A_19 = tpu.memref_slice %arg2[%dma_start3A_17, %dma_start3A_18] : memref<10000x128xf32, #tpu.memory_space<hbm>> -> memref<10000x128xf32, #tpu.memory_space<hbm>>
      tpu.enqueue_indirect_dma source(%dma_start3A_19 : memref<10000x128xf32, #tpu.memory_space<hbm>>) target(%arg9 : memref<80x128xf32, #tpu.memory_space<vmem>>) offsets(%dma_start3A_16 : memref<80xi32, #tpu.memory_space<vmem>>) semaphore(%arg12 : memref<!tpu.dma_semaphore, #tpu.memory_space<semaphore_mem>>)
      %dma_start3A_20 = arith.constant 1 : i32
      %dma_start3A_21 = arith.constant 0 : i32
      %dma_start3A_22 = tpu.memref_slice %arg7[%dma_start3A_20, %dma_start3A_21] : memref<25x80xi32, #tpu.memory_space<vmem>> -> memref<1x80xi32, #tpu.memory_space<vmem>>
      %dma_start3A_23 = tpu.memref_squeeze %dma_start3A_22 : memref<1x80xi32, #tpu.memory_space<vmem>> -> memref<80xi32, #tpu.memory_space<vmem>>
      %dma_start3A_24 = arith.constant 0 : i32
      %dma_start3A_25 = arith.constant 0 : i32
      %dma_start3A_26 = tpu.memref_slice %arg2[%dma_start3A_24, %dma_start3A_25] : memref<10000x128xf32, #tpu.memory_space<hbm>> -> memref<10000x128xf32, #tpu.memory_space<hbm>>
      tpu.enqueue_indirect_dma source(%dma_start3A_26 : memref<10000x128xf32, #tpu.memory_space<hbm>>) target(%arg10 : memref<80x128xf32, #tpu.memory_space<vmem>>) offsets(%dma_start3A_23 : memref<80xi32, #tpu.memory_space<vmem>>) semaphore(%arg13 : memref<!tpu.dma_semaphore, #tpu.memory_space<semaphore_mem>>)
      %dma_wait3A = arith.constant 0 : i32
      %dma_wait3A_27 = arith.constant 0 : i32
      %dma_wait3A_28 = tpu.memref_slice %arg7[%dma_wait3A, %dma_wait3A_27] : memref<25x80xi32, #tpu.memory_space<vmem>> -> memref<1x80xi32, #tpu.memory_space<vmem>>
      %dma_wait3A_29 = tpu.memref_squeeze %dma_wait3A_28 : memref<1x80xi32, #tpu.memory_space<vmem>> -> memref<80xi32, #tpu.memory_space<vmem>>
      %dma_wait3A_30 = arith.constant 0 : i32
      %dma_wait3A_31 = arith.constant 0 : i32
      %dma_wait3A_32 = tpu.memref_slice %arg2[%dma_wait3A_30, %dma_wait3A_31] : memref<10000x128xf32, #tpu.memory_space<hbm>> -> memref<10000x128xf32, #tpu.memory_space<hbm>>
      tpu.wait_indirect_dma semaphore(%arg12 : memref<!tpu.dma_semaphore, #tpu.memory_space<semaphore_mem>>) src(%dma_wait3A_32 : memref<10000x128xf32, #tpu.memory_space<hbm>>) dst(%arg9 : memref<80x128xf32, #tpu.memory_space<vmem>>)
      %dma_start3A_33 = arith.constant 0 : i32
      %dma_start3A_34 = arith.constant 0 : i32
      %dma_start3A_35 = tpu.memref_slice %arg8[%dma_start3A_33, %dma_start3A_34] : memref<25x80xi32, #tpu.memory_space<vmem>> -> memref<1x80xi32, #tpu.memory_space<vmem>>
      %dma_start3A_36 = tpu.memref_squeeze %dma_start3A_35 : memref<1x80xi32, #tpu.memory_space<vmem>> -> memref<80xi32, #tpu.memory_space<vmem>>
      %dma_start3A_37 = arith.constant 0 : i32
      %dma_start3A_38 = arith.constant 0 : i32
      %dma_start3A_39 = tpu.memref_slice %arg11[%dma_start3A_37, %dma_start3A_38] : memref<10240x128xf32, #tpu.memory_space<vmem_shared>> -> memref<10240x128xf32, #tpu.memory_space<vmem_shared>>
      tpu.enqueue_indirect_dma source(%arg9 : memref<80x128xf32, #tpu.memory_space<vmem>>) target(%dma_start3A_39 : memref<10240x128xf32, #tpu.memory_space<vmem_shared>>) offsets(%dma_start3A_36 : memref<80xi32, #tpu.memory_space<vmem>>) semaphore(%arg14 : memref<!tpu.dma_semaphore, #tpu.memory_space<semaphore_mem>>) {add = true}
      %dma_wait3A_40 = arith.constant 1 : i32
      %dma_wait3A_41 = arith.constant 0 : i32
      %dma_wait3A_42 = tpu.memref_slice %arg7[%dma_wait3A_40, %dma_wait3A_41] : memref<25x80xi32, #tpu.memory_space<vmem>> -> memref<1x80xi32, #tpu.memory_space<vmem>>
      %dma_wait3A_43 = tpu.memref_squeeze %dma_wait3A_42 : memref<1x80xi32, #tpu.memory_space<vmem>> -> memref<80xi32, #tpu.memory_space<vmem>>
      %dma_wait3A_44 = arith.constant 0 : i32
      %dma_wait3A_45 = arith.constant 0 : i32
      %dma_wait3A_46 = tpu.memref_slice %arg2[%dma_wait3A_44, %dma_wait3A_45] : memref<10000x128xf32, #tpu.memory_space<hbm>> -> memref<10000x128xf32, #tpu.memory_space<hbm>>
      tpu.wait_indirect_dma semaphore(%arg13 : memref<!tpu.dma_semaphore, #tpu.memory_space<semaphore_mem>>) src(%dma_wait3A_46 : memref<10000x128xf32, #tpu.memory_space<hbm>>) dst(%arg10 : memref<80x128xf32, #tpu.memory_space<vmem>>)
      %dma_start3A_47 = arith.constant 1 : i32
      %dma_start3A_48 = arith.constant 0 : i32
      %dma_start3A_49 = tpu.memref_slice %arg8[%dma_start3A_47, %dma_start3A_48] : memref<25x80xi32, #tpu.memory_space<vmem>> -> memref<1x80xi32, #tpu.memory_space<vmem>>
      %dma_start3A_50 = tpu.memref_squeeze %dma_start3A_49 : memref<1x80xi32, #tpu.memory_space<vmem>> -> memref<80xi32, #tpu.memory_space<vmem>>
      %dma_start3A_51 = arith.constant 0 : i32
      %dma_start3A_52 = arith.constant 0 : i32
      %dma_start3A_53 = tpu.memref_slice %arg11[%dma_start3A_51, %dma_start3A_52] : memref<10240x128xf32, #tpu.memory_space<vmem_shared>> -> memref<10240x128xf32, #tpu.memory_space<vmem_shared>>
      tpu.enqueue_indirect_dma source(%arg10 : memref<80x128xf32, #tpu.memory_space<vmem>>) target(%dma_start3A_53 : memref<10240x128xf32, #tpu.memory_space<vmem_shared>>) offsets(%dma_start3A_50 : memref<80xi32, #tpu.memory_space<vmem>>) semaphore(%arg15 : memref<!tpu.dma_semaphore, #tpu.memory_space<semaphore_mem>>) {add = true}
      %scan3A_54 = arith.constant 0 : i32
      %scan3A_55 = arith.constant 1 : i32
      %scan3A_56 = arith.constant 11 : i32
      %scan3A_57 = arith.addi %scan3A_55, %scan3A_56 : i32
      %scan3A_58 = arith.constant 1 : i32
      scf.for %scan3A_102 = %scan3A_55 to %scan3A_57 step %scan3A_58  : i32 {
        %mul3A_103 = arith.constant 2 : i32
        %mul3A_104 = arith.muli %mul3A_103, %scan3A_102 : i32
        %sub3A = arith.constant 2 : i32
        %sub3A_105 = arith.subi %mul3A_104, %sub3A : i32
        %dma_wait3A_106 = arith.constant 0 : i32
        %dma_wait3A_107 = tpu.memref_slice %arg8[%sub3A_105, %dma_wait3A_106] : memref<25x80xi32, #tpu.memory_space<vmem>> -> memref<1x80xi32, #tpu.memory_space<vmem>>
        %dma_wait3A_108 = tpu.memref_squeeze %dma_wait3A_107 : memref<1x80xi32, #tpu.memory_space<vmem>> -> memref<80xi32, #tpu.memory_space<vmem>>
        %dma_wait3A_109 = arith.constant 0 : i32
        %dma_wait3A_110 = arith.constant 0 : i32
        %dma_wait3A_111 = tpu.memref_slice %arg11[%dma_wait3A_109, %dma_wait3A_110] : memref<10240x128xf32, #tpu.memory_space<vmem_shared>> -> memref<10240x128xf32, #tpu.memory_space<vmem_shared>>
        tpu.wait_indirect_dma semaphore(%arg14 : memref<!tpu.dma_semaphore, #tpu.memory_space<semaphore_mem>>) src(%arg9 : memref<80x128xf32, #tpu.memory_space<vmem>>) dst(%dma_wait3A_111 : memref<10240x128xf32, #tpu.memory_space<vmem_shared>>)
        %dma_start3A_112 = arith.constant 0 : i32
        %dma_start3A_113 = tpu.memref_slice %arg7[%mul3A_104, %dma_start3A_112] : memref<25x80xi32, #tpu.memory_space<vmem>> -> memref<1x80xi32, #tpu.memory_space<vmem>>
        %dma_start3A_114 = tpu.memref_squeeze %dma_start3A_113 : memref<1x80xi32, #tpu.memory_space<vmem>> -> memref<80xi32, #tpu.memory_space<vmem>>
        %dma_start3A_115 = arith.constant 0 : i32
        %dma_start3A_116 = arith.constant 0 : i32
        %dma_start3A_117 = tpu.memref_slice %arg2[%dma_start3A_115, %dma_start3A_116] : memref<10000x128xf32, #tpu.memory_space<hbm>> -> memref<10000x128xf32, #tpu.memory_space<hbm>>
        tpu.enqueue_indirect_dma source(%dma_start3A_117 : memref<10000x128xf32, #tpu.memory_space<hbm>>) target(%arg9 : memref<80x128xf32, #tpu.memory_space<vmem>>) offsets(%dma_start3A_114 : memref<80xi32, #tpu.memory_space<vmem>>) semaphore(%arg12 : memref<!tpu.dma_semaphore, #tpu.memory_space<semaphore_mem>>)
        %sub3A_118 = arith.constant 1 : i32
        %sub3A_119 = arith.subi %mul3A_104, %sub3A_118 : i32
        %dma_wait3A_120 = arith.constant 0 : i32
        %dma_wait3A_121 = tpu.memref_slice %arg8[%sub3A_119, %dma_wait3A_120] : memref<25x80xi32, #tpu.memory_space<vmem>> -> memref<1x80xi32, #tpu.memory_space<vmem>>
        %dma_wait3A_122 = tpu.memref_squeeze %dma_wait3A_121 : memref<1x80xi32, #tpu.memory_space<vmem>> -> memref<80xi32, #tpu.memory_space<vmem>>
        %dma_wait3A_123 = arith.constant 0 : i32
        %dma_wait3A_124 = arith.constant 0 : i32
        %dma_wait3A_125 = tpu.memref_slice %arg11[%dma_wait3A_123, %dma_wait3A_124] : memref<10240x128xf32, #tpu.memory_space<vmem_shared>> -> memref<10240x128xf32, #tpu.memory_space<vmem_shared>>
        tpu.wait_indirect_dma semaphore(%arg15 : memref<!tpu.dma_semaphore, #tpu.memory_space<semaphore_mem>>) src(%arg10 : memref<80x128xf32, #tpu.memory_space<vmem>>) dst(%dma_wait3A_125 : memref<10240x128xf32, #tpu.memory_space<vmem_shared>>)
        %add3A_126 = arith.constant 1 : i32
        %add3A_127 = arith.addi %mul3A_104, %add3A_126 : i32
        %dma_start3A_128 = arith.constant 0 : i32
        %dma_start3A_129 = tpu.memref_slice %arg7[%add3A_127, %dma_start3A_128] : memref<25x80xi32, #tpu.memory_space<vmem>> -> memref<1x80xi32, #tpu.memory_space<vmem>>
        %dma_start3A_130 = tpu.memref_squeeze %dma_start3A_129 : memref<1x80xi32, #tpu.memory_space<vmem>> -> memref<80xi32, #tpu.memory_space<vmem>>
        %dma_start3A_131 = arith.constant 0 : i32
        %dma_start3A_132 = arith.constant 0 : i32
        %dma_start3A_133 = tpu.memref_slice %arg2[%dma_start3A_131, %dma_start3A_132] : memref<10000x128xf32, #tpu.memory_space<hbm>> -> memref<10000x128xf32, #tpu.memory_space<hbm>>
        tpu.enqueue_indirect_dma source(%dma_start3A_133 : memref<10000x128xf32, #tpu.memory_space<hbm>>) target(%arg10 : memref<80x128xf32, #tpu.memory_space<vmem>>) offsets(%dma_start3A_130 : memref<80xi32, #tpu.memory_space<vmem>>) semaphore(%arg13 : memref<!tpu.dma_semaphore, #tpu.memory_space<semaphore_mem>>)
        %dma_wait3A_134 = arith.constant 0 : i32
        %dma_wait3A_135 = tpu.memref_slice %arg7[%mul3A_104, %dma_wait3A_134] : memref<25x80xi32, #tpu.memory_space<vmem>> -> memref<1x80xi32, #tpu.memory_space<vmem>>
        %dma_wait3A_136 = tpu.memref_squeeze %dma_wait3A_135 : memref<1x80xi32, #tpu.memory_space<vmem>> -> memref<80xi32, #tpu.memory_space<vmem>>
        %dma_wait3A_137 = arith.constant 0 : i32
        %dma_wait3A_138 = arith.constant 0 : i32
        %dma_wait3A_139 = tpu.memref_slice %arg2[%dma_wait3A_137, %dma_wait3A_138] : memref<10000x128xf32, #tpu.memory_space<hbm>> -> memref<10000x128xf32, #tpu.memory_space<hbm>>
        tpu.wait_indirect_dma semaphore(%arg12 : memref<!tpu.dma_semaphore, #tpu.memory_space<semaphore_mem>>) src(%dma_wait3A_139 : memref<10000x128xf32, #tpu.memory_space<hbm>>) dst(%arg9 : memref<80x128xf32, #tpu.memory_space<vmem>>)
        %dma_start3A_140 = arith.constant 0 : i32
        %dma_start3A_141 = tpu.memref_slice %arg8[%mul3A_104, %dma_start3A_140] : memref<25x80xi32, #tpu.memory_space<vmem>> -> memref<1x80xi32, #tpu.memory_space<vmem>>
        %dma_start3A_142 = tpu.memref_squeeze %dma_start3A_141 : memref<1x80xi32, #tpu.memory_space<vmem>> -> memref<80xi32, #tpu.memory_space<vmem>>
        %dma_start3A_143 = arith.constant 0 : i32
        %dma_start3A_144 = arith.constant 0 : i32
        %dma_start3A_145 = tpu.memref_slice %arg11[%dma_start3A_143, %dma_start3A_144] : memref<10240x128xf32, #tpu.memory_space<vmem_shared>> -> memref<10240x128xf32, #tpu.memory_space<vmem_shared>>
        tpu.enqueue_indirect_dma source(%arg9 : memref<80x128xf32, #tpu.memory_space<vmem>>) target(%dma_start3A_145 : memref<10240x128xf32, #tpu.memory_space<vmem_shared>>) offsets(%dma_start3A_142 : memref<80xi32, #tpu.memory_space<vmem>>) semaphore(%arg14 : memref<!tpu.dma_semaphore, #tpu.memory_space<semaphore_mem>>) {add = true}
        %add3A_146 = arith.constant 1 : i32
        %add3A_147 = arith.addi %mul3A_104, %add3A_146 : i32
        %dma_wait3A_148 = arith.constant 0 : i32
        %dma_wait3A_149 = tpu.memref_slice %arg7[%add3A_147, %dma_wait3A_148] : memref<25x80xi32, #tpu.memory_space<vmem>> -> memref<1x80xi32, #tpu.memory_space<vmem>>
        %dma_wait3A_150 = tpu.memref_squeeze %dma_wait3A_149 : memref<1x80xi32, #tpu.memory_space<vmem>> -> memref<80xi32, #tpu.memory_space<vmem>>
        %dma_wait3A_151 = arith.constant 0 : i32
        %dma_wait3A_152 = arith.constant 0 : i32
        %dma_wait3A_153 = tpu.memref_slice %arg2[%dma_wait3A_151, %dma_wait3A_152] : memref<10000x128xf32, #tpu.memory_space<hbm>> -> memref<10000x128xf32, #tpu.memory_space<hbm>>
        tpu.wait_indirect_dma semaphore(%arg13 : memref<!tpu.dma_semaphore, #tpu.memory_space<semaphore_mem>>) src(%dma_wait3A_153 : memref<10000x128xf32, #tpu.memory_space<hbm>>) dst(%arg10 : memref<80x128xf32, #tpu.memory_space<vmem>>)
        %add3A_154 = arith.constant 1 : i32
        %add3A_155 = arith.addi %mul3A_104, %add3A_154 : i32
        %dma_start3A_156 = arith.constant 0 : i32
        %dma_start3A_157 = tpu.memref_slice %arg8[%add3A_155, %dma_start3A_156] : memref<25x80xi32, #tpu.memory_space<vmem>> -> memref<1x80xi32, #tpu.memory_space<vmem>>
        %dma_start3A_158 = tpu.memref_squeeze %dma_start3A_157 : memref<1x80xi32, #tpu.memory_space<vmem>> -> memref<80xi32, #tpu.memory_space<vmem>>
        %dma_start3A_159 = arith.constant 0 : i32
        %dma_start3A_160 = arith.constant 0 : i32
        %dma_start3A_161 = tpu.memref_slice %arg11[%dma_start3A_159, %dma_start3A_160] : memref<10240x128xf32, #tpu.memory_space<vmem_shared>> -> memref<10240x128xf32, #tpu.memory_space<vmem_shared>>
        tpu.enqueue_indirect_dma source(%arg10 : memref<80x128xf32, #tpu.memory_space<vmem>>) target(%dma_start3A_161 : memref<10240x128xf32, #tpu.memory_space<vmem_shared>>) offsets(%dma_start3A_158 : memref<80xi32, #tpu.memory_space<vmem>>) semaphore(%arg15 : memref<!tpu.dma_semaphore, #tpu.memory_space<semaphore_mem>>) {add = true}
      }
      %scan3A_59 = arith.constant 11 : i32
      %dma_wait3A_60 = arith.constant 22 : i32
      %dma_wait3A_61 = arith.constant 0 : i32
      %dma_wait3A_62 = tpu.memref_slice %arg8[%dma_wait3A_60, %dma_wait3A_61] : memref<25x80xi32, #tpu.memory_space<vmem>> -> memref<1x80xi32, #tpu.memory_space<vmem>>
      %dma_wait3A_63 = tpu.memref_squeeze %dma_wait3A_62 : memref<1x80xi32, #tpu.memory_space<vmem>> -> memref<80xi32, #tpu.memory_space<vmem>>
      %dma_wait3A_64 = arith.constant 0 : i32
      %dma_wait3A_65 = arith.constant 0 : i32
      %dma_wait3A_66 = tpu.memref_slice %arg11[%dma_wait3A_64, %dma_wait3A_65] : memref<10240x128xf32, #tpu.memory_space<vmem_shared>> -> memref<10240x128xf32, #tpu.memory_space<vmem_shared>>
      tpu.wait_indirect_dma semaphore(%arg14 : memref<!tpu.dma_semaphore, #tpu.memory_space<semaphore_mem>>) src(%arg9 : memref<80x128xf32, #tpu.memory_space<vmem>>) dst(%dma_wait3A_66 : memref<10240x128xf32, #tpu.memory_space<vmem_shared>>)
      %dma_start3A_67 = arith.constant 24 : i32
      %dma_start3A_68 = arith.constant 0 : i32
      %dma_start3A_69 = tpu.memref_slice %arg7[%dma_start3A_67, %dma_start3A_68] : memref<25x80xi32, #tpu.memory_space<vmem>> -> memref<1x80xi32, #tpu.memory_space<vmem>>
      %dma_start3A_70 = tpu.memref_squeeze %dma_start3A_69 : memref<1x80xi32, #tpu.memory_space<vmem>> -> memref<80xi32, #tpu.memory_space<vmem>>
      %dma_start3A_71 = arith.constant 0 : i32
      %dma_start3A_72 = arith.constant 0 : i32
      %dma_start3A_73 = tpu.memref_slice %arg2[%dma_start3A_71, %dma_start3A_72] : memref<10000x128xf32, #tpu.memory_space<hbm>> -> memref<10000x128xf32, #tpu.memory_space<hbm>>
      tpu.enqueue_indirect_dma source(%dma_start3A_73 : memref<10000x128xf32, #tpu.memory_space<hbm>>) target(%arg9 : memref<80x128xf32, #tpu.memory_space<vmem>>) offsets(%dma_start3A_70 : memref<80xi32, #tpu.memory_space<vmem>>) semaphore(%arg12 : memref<!tpu.dma_semaphore, #tpu.memory_space<semaphore_mem>>)
      %dma_wait3A_74 = arith.constant 24 : i32
      %dma_wait3A_75 = arith.constant 0 : i32
      %dma_wait3A_76 = tpu.memref_slice %arg7[%dma_wait3A_74, %dma_wait3A_75] : memref<25x80xi32, #tpu.memory_space<vmem>> -> memref<1x80xi32, #tpu.memory_space<vmem>>
      %dma_wait3A_77 = tpu.memref_squeeze %dma_wait3A_76 : memref<1x80xi32, #tpu.memory_space<vmem>> -> memref<80xi32, #tpu.memory_space<vmem>>
      %dma_wait3A_78 = arith.constant 0 : i32
      %dma_wait3A_79 = arith.constant 0 : i32
      %dma_wait3A_80 = tpu.memref_slice %arg2[%dma_wait3A_78, %dma_wait3A_79] : memref<10000x128xf32, #tpu.memory_space<hbm>> -> memref<10000x128xf32, #tpu.memory_space<hbm>>
      tpu.wait_indirect_dma semaphore(%arg12 : memref<!tpu.dma_semaphore, #tpu.memory_space<semaphore_mem>>) src(%dma_wait3A_80 : memref<10000x128xf32, #tpu.memory_space<hbm>>) dst(%arg9 : memref<80x128xf32, #tpu.memory_space<vmem>>)
      %dma_start3A_81 = arith.constant 24 : i32
      %dma_start3A_82 = arith.constant 0 : i32
      %dma_start3A_83 = tpu.memref_slice %arg8[%dma_start3A_81, %dma_start3A_82] : memref<25x80xi32, #tpu.memory_space<vmem>> -> memref<1x80xi32, #tpu.memory_space<vmem>>
      %dma_start3A_84 = tpu.memref_squeeze %dma_start3A_83 : memref<1x80xi32, #tpu.memory_space<vmem>> -> memref<80xi32, #tpu.memory_space<vmem>>
      %dma_start3A_85 = arith.constant 0 : i32
      %dma_start3A_86 = arith.constant 0 : i32
      %dma_start3A_87 = tpu.memref_slice %arg11[%dma_start3A_85, %dma_start3A_86] : memref<10240x128xf32, #tpu.memory_space<vmem_shared>> -> memref<10240x128xf32, #tpu.memory_space<vmem_shared>>
      tpu.enqueue_indirect_dma source(%arg9 : memref<80x128xf32, #tpu.memory_space<vmem>>) target(%dma_start3A_87 : memref<10240x128xf32, #tpu.memory_space<vmem_shared>>) offsets(%dma_start3A_84 : memref<80xi32, #tpu.memory_space<vmem>>) semaphore(%arg14 : memref<!tpu.dma_semaphore, #tpu.memory_space<semaphore_mem>>) {add = true}
      %dma_wait3A_88 = arith.constant 23 : i32
      %dma_wait3A_89 = arith.constant 0 : i32
      %dma_wait3A_90 = tpu.memref_slice %arg8[%dma_wait3A_88, %dma_wait3A_89] : memref<25x80xi32, #tpu.memory_space<vmem>> -> memref<1x80xi32, #tpu.memory_space<vmem>>
      %dma_wait3A_91 = tpu.memref_squeeze %dma_wait3A_90 : memref<1x80xi32, #tpu.memory_space<vmem>> -> memref<80xi32, #tpu.memory_space<vmem>>
      %dma_wait3A_92 = arith.constant 0 : i32
      %dma_wait3A_93 = arith.constant 0 : i32
      %dma_wait3A_94 = tpu.memref_slice %arg11[%dma_wait3A_92, %dma_wait3A_93] : memref<10240x128xf32, #tpu.memory_space<vmem_shared>> -> memref<10240x128xf32, #tpu.memory_space<vmem_shared>>
      tpu.wait_indirect_dma semaphore(%arg15 : memref<!tpu.dma_semaphore, #tpu.memory_space<semaphore_mem>>) src(%arg10 : memref<80x128xf32, #tpu.memory_space<vmem>>) dst(%dma_wait3A_94 : memref<10240x128xf32, #tpu.memory_space<vmem_shared>>)
      %dma_wait3A_95 = arith.constant 24 : i32
      %dma_wait3A_96 = arith.constant 0 : i32
      %dma_wait3A_97 = tpu.memref_slice %arg8[%dma_wait3A_95, %dma_wait3A_96] : memref<25x80xi32, #tpu.memory_space<vmem>> -> memref<1x80xi32, #tpu.memory_space<vmem>>
      %dma_wait3A_98 = tpu.memref_squeeze %dma_wait3A_97 : memref<1x80xi32, #tpu.memory_space<vmem>> -> memref<80xi32, #tpu.memory_space<vmem>>
      %dma_wait3A_99 = arith.constant 0 : i32
      %dma_wait3A_100 = arith.constant 0 : i32
      %dma_wait3A_101 = tpu.memref_slice %arg11[%dma_wait3A_99, %dma_wait3A_100] : memref<10240x128xf32, #tpu.memory_space<vmem_shared>> -> memref<10240x128xf32, #tpu.memory_space<vmem_shared>>
      tpu.wait_indirect_dma semaphore(%arg14 : memref<!tpu.dma_semaphore, #tpu.memory_space<semaphore_mem>>) src(%arg9 : memref<80x128xf32, #tpu.memory_space<vmem>>) dst(%dma_wait3A_101 : memref<10240x128xf32, #tpu.memory_space<vmem_shared>>)
    }
    %scan3A_7 = arith.constant 5 : i32
    %barrier3A_8 = arith.constant 0 : index
    tpu.barrier barrier_id(%barrier3A_8)
    %mul3A_9 = arith.constant 640 : i32
    %mul3A_10 = arith.muli %arg1, %mul3A_9 : i32
    %mul3A_11 = arith.constant 640 : i32
    %mul3A_12 = arith.muli %arg1, %mul3A_11 : i32
    "tpu.region"() ({
      %run_scoped3A = tpu.sem_alloc : memref<!tpu.dma_semaphore, #tpu.memory_space<semaphore_mem>>
      %dma_start3A = arith.constant 0 : i32
      %dma_start3A_13 = tpu.memref_slice %arg6[%arg0, %mul3A_12, %dma_start3A] : memref<2x10240x128xf32, #tpu.memory_space<hbm>> -> memref<1x640x128xf32, #tpu.memory_space<hbm>>
      %dma_start3A_14 = tpu.memref_squeeze %dma_start3A_13 : memref<1x640x128xf32, #tpu.memory_space<hbm>> -> memref<640x128xf32, #tpu.memory_space<hbm>>
      %dma_start3A_15 = arith.constant 0 : i32
      %dma_start3A_16 = tpu.memref_slice %arg11[%mul3A_10, %dma_start3A_15] : memref<10240x128xf32, #tpu.memory_space<vmem_shared>> -> memref<640x128xf32, #tpu.memory_space<vmem_shared>>
      tpu.enqueue_dma source(%dma_start3A_16 : memref<640x128xf32, #tpu.memory_space<vmem_shared>>) target(%dma_start3A_14 : memref<640x128xf32, #tpu.memory_space<hbm>>) target_semaphore(%run_scoped3A : memref<!tpu.dma_semaphore, #tpu.memory_space<semaphore_mem>>)
      %dma_wait3A = arith.constant 0 : i32
      %dma_wait3A_17 = tpu.memref_slice %arg6[%arg0, %mul3A_12, %dma_wait3A] : memref<2x10240x128xf32, #tpu.memory_space<hbm>> -> memref<1x640x128xf32, #tpu.memory_space<hbm>>
      %dma_wait3A_18 = tpu.memref_squeeze %dma_wait3A_17 : memref<1x640x128xf32, #tpu.memory_space<hbm>> -> memref<640x128xf32, #tpu.memory_space<hbm>>
      %dma_wait3A_19 = arith.constant 0 : i32
      %dma_wait3A_20 = tpu.memref_slice %arg11[%mul3A_10, %dma_wait3A_19] : memref<10240x128xf32, #tpu.memory_space<vmem_shared>> -> memref<640x128xf32, #tpu.memory_space<vmem_shared>>
      tpu.wait_dma2 semaphore(%run_scoped3A : memref<!tpu.dma_semaphore, #tpu.memory_space<semaphore_mem>>) src(%dma_wait3A_20 : memref<640x128xf32, #tpu.memory_space<vmem_shared>>) dst(%dma_wait3A_18 : memref<640x128xf32, #tpu.memory_space<hbm>>)
      tpu.yield
    }) : () -> ()
    return
  }
}

#map = affine_map<(d0, d1) -> (0, 0)>
#map1 = affine_map<(d0, d1) -> (0, 0, 0, 0)>
#map2 = affine_map<(d0, d1) -> (0, 0, 0)>
module attributes {stable_mosaic.version = 14 : i64} {
  func.func @_segsum_kernel(%arg0: i32, %arg1: i32, %arg2: memref<10000x128xf32, #tpu.memory_space<hbm>>, %arg3: memref<32x5x25x80xi32, #tpu.memory_space<hbm>>, %arg4: memref<32x5x25x80xi32, #tpu.memory_space<hbm>>, %arg5: memref<640x128xf32, #tpu.memory_space<hbm>>, %arg6: memref<2x10240x128xf32, #tpu.memory_space<hbm>>, %arg7: memref<25x80xi32, #tpu.memory_space<vmem>>, %arg8: memref<25x80xi32, #tpu.memory_space<vmem>>, %arg9: memref<80x128xf32, #tpu.memory_space<vmem>>, %arg10: memref<80x128xf32, #tpu.memory_space<vmem>>, %arg11: memref<10240x128xf32, #tpu.memory_space<vmem_shared>>, %arg12: memref<!tpu.dma_semaphore, #tpu.memory_space<semaphore_mem>>, %arg13: memref<!tpu.dma_semaphore, #tpu.memory_space<semaphore_mem>>, %arg14: memref<!tpu.dma_semaphore, #tpu.memory_space<semaphore_mem>>, %arg15: memref<!tpu.dma_semaphore, #tpu.memory_space<semaphore_mem>>) attributes {dimension_semantics = [#tpu.dimension_semantics<core_parallel>, #tpu.dimension_semantics<subcore_parallel>], iteration_bounds = array<i64: 2, 16>, scalar_prefetch = 0 : i64, scratch_operands = 9 : i64, tpu.core_type = #tpu.core_type<sc_vector_subcore>, window_params = [{transform_indices = #map}, {transform_indices = #map1}, {transform_indices = #map1}, {transform_indices = #map}, {transform_indices = #map2}]} {
    %mul3A = arith.constant 16 : i32
    %mul3A_0 = arith.muli %arg0, %mul3A : i32
    %add3A = arith.addi %mul3A_0, %arg1 : i32
    %mul3A_1 = arith.constant 640 : i32
    %mul3A_2 = arith.muli %arg1, %mul3A_1 : i32
    "tpu.region"() ({
      %run_scoped3A = tpu.sem_alloc : memref<!tpu.dma_semaphore, #tpu.memory_space<semaphore_mem>>
      %dma_start3A = arith.constant 0 : i32
      %dma_start3A_13 = tpu.memref_slice %arg11[%mul3A_2, %dma_start3A] : memref<10240x128xf32, #tpu.memory_space<vmem_shared>> -> memref<640x128xf32, #tpu.memory_space<vmem_shared>>
      tpu.enqueue_dma source(%arg5 : memref<640x128xf32, #tpu.memory_space<hbm>>) target(%dma_start3A_13 : memref<640x128xf32, #tpu.memory_space<vmem_shared>>) target_semaphore(%run_scoped3A : memref<!tpu.dma_semaphore, #tpu.memory_space<semaphore_mem>>)
      %dma_wait3A = arith.constant 0 : i32
      %dma_wait3A_14 = tpu.memref_slice %arg11[%mul3A_2, %dma_wait3A] : memref<10240x128xf32, #tpu.memory_space<vmem_shared>> -> memref<640x128xf32, #tpu.memory_space<vmem_shared>>
      tpu.wait_dma2 semaphore(%run_scoped3A : memref<!tpu.dma_semaphore, #tpu.memory_space<semaphore_mem>>) src(%arg5 : memref<640x128xf32, #tpu.memory_space<hbm>>) dst(%dma_wait3A_14 : memref<640x128xf32, #tpu.memory_space<vmem_shared>>)
      tpu.yield
    }) : () -> ()
    %barrier3A = arith.constant 0 : index
    tpu.barrier barrier_id(%barrier3A)
    %scan3A = arith.constant 0 : i32
    %scan3A_3 = arith.constant 0 : i32
    %scan3A_4 = arith.constant 5 : i32
    %scan3A_5 = arith.addi %scan3A_3, %scan3A_4 : i32
    %scan3A_6 = arith.constant 1 : i32
    scf.for %scan3A_13 = %scan3A_3 to %scan3A_5 step %scan3A_6  : i32 {
      "tpu.region"() ({
        %run_scoped3A = tpu.sem_alloc : memref<!tpu.dma_semaphore, #tpu.memory_space<semaphore_mem>>
        %dma_start3A_102 = arith.constant 0 : i32
        %dma_start3A_103 = arith.constant 0 : i32
        %dma_start3A_104 = tpu.memref_slice %arg3[%add3A, %scan3A_13, %dma_start3A_102, %dma_start3A_103] : memref<32x5x25x80xi32, #tpu.memory_space<hbm>> -> memref<1x1x25x80xi32, #tpu.memory_space<hbm>>
        %dma_start3A_105 = tpu.memref_squeeze %dma_start3A_104 : memref<1x1x25x80xi32, #tpu.memory_space<hbm>> -> memref<25x80xi32, #tpu.memory_space<hbm>>
        %dma_start3A_106 = arith.constant 0 : i32
        %dma_start3A_107 = arith.constant 0 : i32
        %dma_start3A_108 = tpu.memref_slice %arg3[%add3A, %scan3A_13, %dma_start3A_106, %dma_start3A_107] : memref<32x5x25x80xi32, #tpu.memory_space<hbm>> -> memref<1x1x25x80xi32, #tpu.memory_space<hbm>>
        %dma_start3A_109 = tpu.memref_squeeze %dma_start3A_108 : memref<1x1x25x80xi32, #tpu.memory_space<hbm>> -> memref<25x80xi32, #tpu.memory_space<hbm>>
        tpu.enqueue_dma source(%dma_start3A_109 : memref<25x80xi32, #tpu.memory_space<hbm>>) target(%arg7 : memref<25x80xi32, #tpu.memory_space<vmem>>) target_semaphore(%run_scoped3A : memref<!tpu.dma_semaphore, #tpu.memory_space<semaphore_mem>>)
        %dma_wait3A_110 = arith.constant 0 : i32
        %dma_wait3A_111 = arith.constant 0 : i32
        %dma_wait3A_112 = tpu.memref_slice %arg3[%add3A, %scan3A_13, %dma_wait3A_110, %dma_wait3A_111] : memref<32x5x25x80xi32, #tpu.memory_space<hbm>> -> memref<1x1x25x80xi32, #tpu.memory_space<hbm>>
        %dma_wait3A_113 = tpu.memref_squeeze %dma_wait3A_112 : memref<1x1x25x80xi32, #tpu.memory_space<hbm>> -> memref<25x80xi32, #tpu.memory_space<hbm>>
        %dma_wait3A_114 = arith.constant 0 : i32
        %dma_wait3A_115 = arith.constant 0 : i32
        %dma_wait3A_116 = tpu.memref_slice %arg3[%add3A, %scan3A_13, %dma_wait3A_114, %dma_wait3A_115] : memref<32x5x25x80xi32, #tpu.memory_space<hbm>> -> memref<1x1x25x80xi32, #tpu.memory_space<hbm>>
        %dma_wait3A_117 = tpu.memref_squeeze %dma_wait3A_116 : memref<1x1x25x80xi32, #tpu.memory_space<hbm>> -> memref<25x80xi32, #tpu.memory_space<hbm>>
        tpu.wait_dma2 semaphore(%run_scoped3A : memref<!tpu.dma_semaphore, #tpu.memory_space<semaphore_mem>>) src(%dma_wait3A_117 : memref<25x80xi32, #tpu.memory_space<hbm>>) dst(%arg7 : memref<25x80xi32, #tpu.memory_space<vmem>>)
        tpu.yield
      }) : () -> ()
      "tpu.region"() ({
        %run_scoped3A = tpu.sem_alloc : memref<!tpu.dma_semaphore, #tpu.memory_space<semaphore_mem>>
        %dma_start3A_102 = arith.constant 0 : i32
        %dma_start3A_103 = arith.constant 0 : i32
        %dma_start3A_104 = tpu.memref_slice %arg4[%add3A, %scan3A_13, %dma_start3A_102, %dma_start3A_103] : memref<32x5x25x80xi32, #tpu.memory_space<hbm>> -> memref<1x1x25x80xi32, #tpu.memory_space<hbm>>
        %dma_start3A_105 = tpu.memref_squeeze %dma_start3A_104 : memref<1x1x25x80xi32, #tpu.memory_space<hbm>> -> memref<25x80xi32, #tpu.memory_space<hbm>>
        %dma_start3A_106 = arith.constant 0 : i32
        %dma_start3A_107 = arith.constant 0 : i32
        %dma_start3A_108 = tpu.memref_slice %arg4[%add3A, %scan3A_13, %dma_start3A_106, %dma_start3A_107] : memref<32x5x25x80xi32, #tpu.memory_space<hbm>> -> memref<1x1x25x80xi32, #tpu.memory_space<hbm>>
        %dma_start3A_109 = tpu.memref_squeeze %dma_start3A_108 : memref<1x1x25x80xi32, #tpu.memory_space<hbm>> -> memref<25x80xi32, #tpu.memory_space<hbm>>
        tpu.enqueue_dma source(%dma_start3A_109 : memref<25x80xi32, #tpu.memory_space<hbm>>) target(%arg8 : memref<25x80xi32, #tpu.memory_space<vmem>>) target_semaphore(%run_scoped3A : memref<!tpu.dma_semaphore, #tpu.memory_space<semaphore_mem>>)
        %dma_wait3A_110 = arith.constant 0 : i32
        %dma_wait3A_111 = arith.constant 0 : i32
        %dma_wait3A_112 = tpu.memref_slice %arg4[%add3A, %scan3A_13, %dma_wait3A_110, %dma_wait3A_111] : memref<32x5x25x80xi32, #tpu.memory_space<hbm>> -> memref<1x1x25x80xi32, #tpu.memory_space<hbm>>
        %dma_wait3A_113 = tpu.memref_squeeze %dma_wait3A_112 : memref<1x1x25x80xi32, #tpu.memory_space<hbm>> -> memref<25x80xi32, #tpu.memory_space<hbm>>
        %dma_wait3A_114 = arith.constant 0 : i32
        %dma_wait3A_115 = arith.constant 0 : i32
        %dma_wait3A_116 = tpu.memref_slice %arg4[%add3A, %scan3A_13, %dma_wait3A_114, %dma_wait3A_115] : memref<32x5x25x80xi32, #tpu.memory_space<hbm>> -> memref<1x1x25x80xi32, #tpu.memory_space<hbm>>
        %dma_wait3A_117 = tpu.memref_squeeze %dma_wait3A_116 : memref<1x1x25x80xi32, #tpu.memory_space<hbm>> -> memref<25x80xi32, #tpu.memory_space<hbm>>
        tpu.wait_dma2 semaphore(%run_scoped3A : memref<!tpu.dma_semaphore, #tpu.memory_space<semaphore_mem>>) src(%dma_wait3A_117 : memref<25x80xi32, #tpu.memory_space<hbm>>) dst(%arg8 : memref<25x80xi32, #tpu.memory_space<vmem>>)
        tpu.yield
      }) : () -> ()
      %dma_start3A = arith.constant 0 : i32
      %dma_start3A_14 = arith.constant 0 : i32
      %dma_start3A_15 = tpu.memref_slice %arg7[%dma_start3A, %dma_start3A_14] : memref<25x80xi32, #tpu.memory_space<vmem>> -> memref<1x80xi32, #tpu.memory_space<vmem>>
      %dma_start3A_16 = tpu.memref_squeeze %dma_start3A_15 : memref<1x80xi32, #tpu.memory_space<vmem>> -> memref<80xi32, #tpu.memory_space<vmem>>
      %dma_start3A_17 = arith.constant 0 : i32
      %dma_start3A_18 = arith.constant 0 : i32
      %dma_start3A_19 = tpu.memref_slice %arg2[%dma_start3A_17, %dma_start3A_18] : memref<10000x128xf32, #tpu.memory_space<hbm>> -> memref<10000x128xf32, #tpu.memory_space<hbm>>
      tpu.enqueue_indirect_dma source(%dma_start3A_19 : memref<10000x128xf32, #tpu.memory_space<hbm>>) target(%arg9 : memref<80x128xf32, #tpu.memory_space<vmem>>) offsets(%dma_start3A_16 : memref<80xi32, #tpu.memory_space<vmem>>) semaphore(%arg12 : memref<!tpu.dma_semaphore, #tpu.memory_space<semaphore_mem>>)
      %dma_start3A_20 = arith.constant 1 : i32
      %dma_start3A_21 = arith.constant 0 : i32
      %dma_start3A_22 = tpu.memref_slice %arg7[%dma_start3A_20, %dma_start3A_21] : memref<25x80xi32, #tpu.memory_space<vmem>> -> memref<1x80xi32, #tpu.memory_space<vmem>>
      %dma_start3A_23 = tpu.memref_squeeze %dma_start3A_22 : memref<1x80xi32, #tpu.memory_space<vmem>> -> memref<80xi32, #tpu.memory_space<vmem>>
      %dma_start3A_24 = arith.constant 0 : i32
      %dma_start3A_25 = arith.constant 0 : i32
      %dma_start3A_26 = tpu.memref_slice %arg2[%dma_start3A_24, %dma_start3A_25] : memref<10000x128xf32, #tpu.memory_space<hbm>> -> memref<10000x128xf32, #tpu.memory_space<hbm>>
      tpu.enqueue_indirect_dma source(%dma_start3A_26 : memref<10000x128xf32, #tpu.memory_space<hbm>>) target(%arg10 : memref<80x128xf32, #tpu.memory_space<vmem>>) offsets(%dma_start3A_23 : memref<80xi32, #tpu.memory_space<vmem>>) semaphore(%arg13 : memref<!tpu.dma_semaphore, #tpu.memory_space<semaphore_mem>>)
      %dma_wait3A = arith.constant 0 : i32
      %dma_wait3A_27 = arith.constant 0 : i32
      %dma_wait3A_28 = tpu.memref_slice %arg7[%dma_wait3A, %dma_wait3A_27] : memref<25x80xi32, #tpu.memory_space<vmem>> -> memref<1x80xi32, #tpu.memory_space<vmem>>
      %dma_wait3A_29 = tpu.memref_squeeze %dma_wait3A_28 : memref<1x80xi32, #tpu.memory_space<vmem>> -> memref<80xi32, #tpu.memory_space<vmem>>
      %dma_wait3A_30 = arith.constant 0 : i32
      %dma_wait3A_31 = arith.constant 0 : i32
      %dma_wait3A_32 = tpu.memref_slice %arg2[%dma_wait3A_30, %dma_wait3A_31] : memref<10000x128xf32, #tpu.memory_space<hbm>> -> memref<10000x128xf32, #tpu.memory_space<hbm>>
      tpu.wait_indirect_dma semaphore(%arg12 : memref<!tpu.dma_semaphore, #tpu.memory_space<semaphore_mem>>) src(%dma_wait3A_32 : memref<10000x128xf32, #tpu.memory_space<hbm>>) dst(%arg9 : memref<80x128xf32, #tpu.memory_space<vmem>>)
      %dma_start3A_33 = arith.constant 0 : i32
      %dma_start3A_34 = arith.constant 0 : i32
      %dma_start3A_35 = tpu.memref_slice %arg8[%dma_start3A_33, %dma_start3A_34] : memref<25x80xi32, #tpu.memory_space<vmem>> -> memref<1x80xi32, #tpu.memory_space<vmem>>
      %dma_start3A_36 = tpu.memref_squeeze %dma_start3A_35 : memref<1x80xi32, #tpu.memory_space<vmem>> -> memref<80xi32, #tpu.memory_space<vmem>>
      %dma_start3A_37 = arith.constant 0 : i32
      %dma_start3A_38 = arith.constant 0 : i32
      %dma_start3A_39 = tpu.memref_slice %arg11[%dma_start3A_37, %dma_start3A_38] : memref<10240x128xf32, #tpu.memory_space<vmem_shared>> -> memref<10240x128xf32, #tpu.memory_space<vmem_shared>>
      tpu.enqueue_indirect_dma source(%arg9 : memref<80x128xf32, #tpu.memory_space<vmem>>) target(%dma_start3A_39 : memref<10240x128xf32, #tpu.memory_space<vmem_shared>>) offsets(%dma_start3A_36 : memref<80xi32, #tpu.memory_space<vmem>>) semaphore(%arg14 : memref<!tpu.dma_semaphore, #tpu.memory_space<semaphore_mem>>) {add = true}
      %dma_wait3A_40 = arith.constant 1 : i32
      %dma_wait3A_41 = arith.constant 0 : i32
      %dma_wait3A_42 = tpu.memref_slice %arg7[%dma_wait3A_40, %dma_wait3A_41] : memref<25x80xi32, #tpu.memory_space<vmem>> -> memref<1x80xi32, #tpu.memory_space<vmem>>
      %dma_wait3A_43 = tpu.memref_squeeze %dma_wait3A_42 : memref<1x80xi32, #tpu.memory_space<vmem>> -> memref<80xi32, #tpu.memory_space<vmem>>
      %dma_wait3A_44 = arith.constant 0 : i32
      %dma_wait3A_45 = arith.constant 0 : i32
      %dma_wait3A_46 = tpu.memref_slice %arg2[%dma_wait3A_44, %dma_wait3A_45] : memref<10000x128xf32, #tpu.memory_space<hbm>> -> memref<10000x128xf32, #tpu.memory_space<hbm>>
      tpu.wait_indirect_dma semaphore(%arg13 : memref<!tpu.dma_semaphore, #tpu.memory_space<semaphore_mem>>) src(%dma_wait3A_46 : memref<10000x128xf32, #tpu.memory_space<hbm>>) dst(%arg10 : memref<80x128xf32, #tpu.memory_space<vmem>>)
      %dma_start3A_47 = arith.constant 1 : i32
      %dma_start3A_48 = arith.constant 0 : i32
      %dma_start3A_49 = tpu.memref_slice %arg8[%dma_start3A_47, %dma_start3A_48] : memref<25x80xi32, #tpu.memory_space<vmem>> -> memref<1x80xi32, #tpu.memory_space<vmem>>
      %dma_start3A_50 = tpu.memref_squeeze %dma_start3A_49 : memref<1x80xi32, #tpu.memory_space<vmem>> -> memref<80xi32, #tpu.memory_space<vmem>>
      %dma_start3A_51 = arith.constant 0 : i32
      %dma_start3A_52 = arith.constant 0 : i32
      %dma_start3A_53 = tpu.memref_slice %arg11[%dma_start3A_51, %dma_start3A_52] : memref<10240x128xf32, #tpu.memory_space<vmem_shared>> -> memref<10240x128xf32, #tpu.memory_space<vmem_shared>>
      tpu.enqueue_indirect_dma source(%arg10 : memref<80x128xf32, #tpu.memory_space<vmem>>) target(%dma_start3A_53 : memref<10240x128xf32, #tpu.memory_space<vmem_shared>>) offsets(%dma_start3A_50 : memref<80xi32, #tpu.memory_space<vmem>>) semaphore(%arg15 : memref<!tpu.dma_semaphore, #tpu.memory_space<semaphore_mem>>) {add = true}
      %scan3A_54 = arith.constant 0 : i32
      %scan3A_55 = arith.constant 1 : i32
      %scan3A_56 = arith.constant 11 : i32
      %scan3A_57 = arith.addi %scan3A_55, %scan3A_56 : i32
      %scan3A_58 = arith.constant 1 : i32
      scf.for %scan3A_102 = %scan3A_55 to %scan3A_57 step %scan3A_58  : i32 {
        %mul3A_103 = arith.constant 2 : i32
        %mul3A_104 = arith.muli %mul3A_103, %scan3A_102 : i32
        %sub3A = arith.constant 2 : i32
        %sub3A_105 = arith.subi %mul3A_104, %sub3A : i32
        %dma_wait3A_106 = arith.constant 0 : i32
        %dma_wait3A_107 = tpu.memref_slice %arg8[%sub3A_105, %dma_wait3A_106] : memref<25x80xi32, #tpu.memory_space<vmem>> -> memref<1x80xi32, #tpu.memory_space<vmem>>
        %dma_wait3A_108 = tpu.memref_squeeze %dma_wait3A_107 : memref<1x80xi32, #tpu.memory_space<vmem>> -> memref<80xi32, #tpu.memory_space<vmem>>
        %dma_wait3A_109 = arith.constant 0 : i32
        %dma_wait3A_110 = arith.constant 0 : i32
        %dma_wait3A_111 = tpu.memref_slice %arg11[%dma_wait3A_109, %dma_wait3A_110] : memref<10240x128xf32, #tpu.memory_space<vmem_shared>> -> memref<10240x128xf32, #tpu.memory_space<vmem_shared>>
        tpu.wait_indirect_dma semaphore(%arg14 : memref<!tpu.dma_semaphore, #tpu.memory_space<semaphore_mem>>) src(%arg9 : memref<80x128xf32, #tpu.memory_space<vmem>>) dst(%dma_wait3A_111 : memref<10240x128xf32, #tpu.memory_space<vmem_shared>>)
        %dma_start3A_112 = arith.constant 0 : i32
        %dma_start3A_113 = tpu.memref_slice %arg7[%mul3A_104, %dma_start3A_112] : memref<25x80xi32, #tpu.memory_space<vmem>> -> memref<1x80xi32, #tpu.memory_space<vmem>>
        %dma_start3A_114 = tpu.memref_squeeze %dma_start3A_113 : memref<1x80xi32, #tpu.memory_space<vmem>> -> memref<80xi32, #tpu.memory_space<vmem>>
        %dma_start3A_115 = arith.constant 0 : i32
        %dma_start3A_116 = arith.constant 0 : i32
        %dma_start3A_117 = tpu.memref_slice %arg2[%dma_start3A_115, %dma_start3A_116] : memref<10000x128xf32, #tpu.memory_space<hbm>> -> memref<10000x128xf32, #tpu.memory_space<hbm>>
        tpu.enqueue_indirect_dma source(%dma_start3A_117 : memref<10000x128xf32, #tpu.memory_space<hbm>>) target(%arg9 : memref<80x128xf32, #tpu.memory_space<vmem>>) offsets(%dma_start3A_114 : memref<80xi32, #tpu.memory_space<vmem>>) semaphore(%arg12 : memref<!tpu.dma_semaphore, #tpu.memory_space<semaphore_mem>>)
        %sub3A_118 = arith.constant 1 : i32
        %sub3A_119 = arith.subi %mul3A_104, %sub3A_118 : i32
        %dma_wait3A_120 = arith.constant 0 : i32
        %dma_wait3A_121 = tpu.memref_slice %arg8[%sub3A_119, %dma_wait3A_120] : memref<25x80xi32, #tpu.memory_space<vmem>> -> memref<1x80xi32, #tpu.memory_space<vmem>>
        %dma_wait3A_122 = tpu.memref_squeeze %dma_wait3A_121 : memref<1x80xi32, #tpu.memory_space<vmem>> -> memref<80xi32, #tpu.memory_space<vmem>>
        %dma_wait3A_123 = arith.constant 0 : i32
        %dma_wait3A_124 = arith.constant 0 : i32
        %dma_wait3A_125 = tpu.memref_slice %arg11[%dma_wait3A_123, %dma_wait3A_124] : memref<10240x128xf32, #tpu.memory_space<vmem_shared>> -> memref<10240x128xf32, #tpu.memory_space<vmem_shared>>
        tpu.wait_indirect_dma semaphore(%arg15 : memref<!tpu.dma_semaphore, #tpu.memory_space<semaphore_mem>>) src(%arg10 : memref<80x128xf32, #tpu.memory_space<vmem>>) dst(%dma_wait3A_125 : memref<10240x128xf32, #tpu.memory_space<vmem_shared>>)
        %add3A_126 = arith.constant 1 : i32
        %add3A_127 = arith.addi %mul3A_104, %add3A_126 : i32
        %dma_start3A_128 = arith.constant 0 : i32
        %dma_start3A_129 = tpu.memref_slice %arg7[%add3A_127, %dma_start3A_128] : memref<25x80xi32, #tpu.memory_space<vmem>> -> memref<1x80xi32, #tpu.memory_space<vmem>>
        %dma_start3A_130 = tpu.memref_squeeze %dma_start3A_129 : memref<1x80xi32, #tpu.memory_space<vmem>> -> memref<80xi32, #tpu.memory_space<vmem>>
        %dma_start3A_131 = arith.constant 0 : i32
        %dma_start3A_132 = arith.constant 0 : i32
        %dma_start3A_133 = tpu.memref_slice %arg2[%dma_start3A_131, %dma_start3A_132] : memref<10000x128xf32, #tpu.memory_space<hbm>> -> memref<10000x128xf32, #tpu.memory_space<hbm>>
        tpu.enqueue_indirect_dma source(%dma_start3A_133 : memref<10000x128xf32, #tpu.memory_space<hbm>>) target(%arg10 : memref<80x128xf32, #tpu.memory_space<vmem>>) offsets(%dma_start3A_130 : memref<80xi32, #tpu.memory_space<vmem>>) semaphore(%arg13 : memref<!tpu.dma_semaphore, #tpu.memory_space<semaphore_mem>>)
        %dma_wait3A_134 = arith.constant 0 : i32
        %dma_wait3A_135 = tpu.memref_slice %arg7[%mul3A_104, %dma_wait3A_134] : memref<25x80xi32, #tpu.memory_space<vmem>> -> memref<1x80xi32, #tpu.memory_space<vmem>>
        %dma_wait3A_136 = tpu.memref_squeeze %dma_wait3A_135 : memref<1x80xi32, #tpu.memory_space<vmem>> -> memref<80xi32, #tpu.memory_space<vmem>>
        %dma_wait3A_137 = arith.constant 0 : i32
        %dma_wait3A_138 = arith.constant 0 : i32
        %dma_wait3A_139 = tpu.memref_slice %arg2[%dma_wait3A_137, %dma_wait3A_138] : memref<10000x128xf32, #tpu.memory_space<hbm>> -> memref<10000x128xf32, #tpu.memory_space<hbm>>
        tpu.wait_indirect_dma semaphore(%arg12 : memref<!tpu.dma_semaphore, #tpu.memory_space<semaphore_mem>>) src(%dma_wait3A_139 : memref<10000x128xf32, #tpu.memory_space<hbm>>) dst(%arg9 : memref<80x128xf32, #tpu.memory_space<vmem>>)
        %dma_start3A_140 = arith.constant 0 : i32
        %dma_start3A_141 = tpu.memref_slice %arg8[%mul3A_104, %dma_start3A_140] : memref<25x80xi32, #tpu.memory_space<vmem>> -> memref<1x80xi32, #tpu.memory_space<vmem>>
        %dma_start3A_142 = tpu.memref_squeeze %dma_start3A_141 : memref<1x80xi32, #tpu.memory_space<vmem>> -> memref<80xi32, #tpu.memory_space<vmem>>
        %dma_start3A_143 = arith.constant 0 : i32
        %dma_start3A_144 = arith.constant 0 : i32
        %dma_start3A_145 = tpu.memref_slice %arg11[%dma_start3A_143, %dma_start3A_144] : memref<10240x128xf32, #tpu.memory_space<vmem_shared>> -> memref<10240x128xf32, #tpu.memory_space<vmem_shared>>
        tpu.enqueue_indirect_dma source(%arg9 : memref<80x128xf32, #tpu.memory_space<vmem>>) target(%dma_start3A_145 : memref<10240x128xf32, #tpu.memory_space<vmem_shared>>) offsets(%dma_start3A_142 : memref<80xi32, #tpu.memory_space<vmem>>) semaphore(%arg14 : memref<!tpu.dma_semaphore, #tpu.memory_space<semaphore_mem>>) {add = true}
        %add3A_146 = arith.constant 1 : i32
        %add3A_147 = arith.addi %mul3A_104, %add3A_146 : i32
        %dma_wait3A_148 = arith.constant 0 : i32
        %dma_wait3A_149 = tpu.memref_slice %arg7[%add3A_147, %dma_wait3A_148] : memref<25x80xi32, #tpu.memory_space<vmem>> -> memref<1x80xi32, #tpu.memory_space<vmem>>
        %dma_wait3A_150 = tpu.memref_squeeze %dma_wait3A_149 : memref<1x80xi32, #tpu.memory_space<vmem>> -> memref<80xi32, #tpu.memory_space<vmem>>
        %dma_wait3A_151 = arith.constant 0 : i32
        %dma_wait3A_152 = arith.constant 0 : i32
        %dma_wait3A_153 = tpu.memref_slice %arg2[%dma_wait3A_151, %dma_wait3A_152] : memref<10000x128xf32, #tpu.memory_space<hbm>> -> memref<10000x128xf32, #tpu.memory_space<hbm>>
        tpu.wait_indirect_dma semaphore(%arg13 : memref<!tpu.dma_semaphore, #tpu.memory_space<semaphore_mem>>) src(%dma_wait3A_153 : memref<10000x128xf32, #tpu.memory_space<hbm>>) dst(%arg10 : memref<80x128xf32, #tpu.memory_space<vmem>>)
        %add3A_154 = arith.constant 1 : i32
        %add3A_155 = arith.addi %mul3A_104, %add3A_154 : i32
        %dma_start3A_156 = arith.constant 0 : i32
        %dma_start3A_157 = tpu.memref_slice %arg8[%add3A_155, %dma_start3A_156] : memref<25x80xi32, #tpu.memory_space<vmem>> -> memref<1x80xi32, #tpu.memory_space<vmem>>
        %dma_start3A_158 = tpu.memref_squeeze %dma_start3A_157 : memref<1x80xi32, #tpu.memory_space<vmem>> -> memref<80xi32, #tpu.memory_space<vmem>>
        %dma_start3A_159 = arith.constant 0 : i32
        %dma_start3A_160 = arith.constant 0 : i32
        %dma_start3A_161 = tpu.memref_slice %arg11[%dma_start3A_159, %dma_start3A_160] : memref<10240x128xf32, #tpu.memory_space<vmem_shared>> -> memref<10240x128xf32, #tpu.memory_space<vmem_shared>>
        tpu.enqueue_indirect_dma source(%arg10 : memref<80x128xf32, #tpu.memory_space<vmem>>) target(%dma_start3A_161 : memref<10240x128xf32, #tpu.memory_space<vmem_shared>>) offsets(%dma_start3A_158 : memref<80xi32, #tpu.memory_space<vmem>>) semaphore(%arg15 : memref<!tpu.dma_semaphore, #tpu.memory_space<semaphore_mem>>) {add = true}
      }
      %scan3A_59 = arith.constant 11 : i32
      %dma_wait3A_60 = arith.constant 22 : i32
      %dma_wait3A_61 = arith.constant 0 : i32
      %dma_wait3A_62 = tpu.memref_slice %arg8[%dma_wait3A_60, %dma_wait3A_61] : memref<25x80xi32, #tpu.memory_space<vmem>> -> memref<1x80xi32, #tpu.memory_space<vmem>>
      %dma_wait3A_63 = tpu.memref_squeeze %dma_wait3A_62 : memref<1x80xi32, #tpu.memory_space<vmem>> -> memref<80xi32, #tpu.memory_space<vmem>>
      %dma_wait3A_64 = arith.constant 0 : i32
      %dma_wait3A_65 = arith.constant 0 : i32
      %dma_wait3A_66 = tpu.memref_slice %arg11[%dma_wait3A_64, %dma_wait3A_65] : memref<10240x128xf32, #tpu.memory_space<vmem_shared>> -> memref<10240x128xf32, #tpu.memory_space<vmem_shared>>
      tpu.wait_indirect_dma semaphore(%arg14 : memref<!tpu.dma_semaphore, #tpu.memory_space<semaphore_mem>>) src(%arg9 : memref<80x128xf32, #tpu.memory_space<vmem>>) dst(%dma_wait3A_66 : memref<10240x128xf32, #tpu.memory_space<vmem_shared>>)
      %dma_start3A_67 = arith.constant 24 : i32
      %dma_start3A_68 = arith.constant 0 : i32
      %dma_start3A_69 = tpu.memref_slice %arg7[%dma_start3A_67, %dma_start3A_68] : memref<25x80xi32, #tpu.memory_space<vmem>> -> memref<1x80xi32, #tpu.memory_space<vmem>>
      %dma_start3A_70 = tpu.memref_squeeze %dma_start3A_69 : memref<1x80xi32, #tpu.memory_space<vmem>> -> memref<80xi32, #tpu.memory_space<vmem>>
      %dma_start3A_71 = arith.constant 0 : i32
      %dma_start3A_72 = arith.constant 0 : i32
      %dma_start3A_73 = tpu.memref_slice %arg2[%dma_start3A_71, %dma_start3A_72] : memref<10000x128xf32, #tpu.memory_space<hbm>> -> memref<10000x128xf32, #tpu.memory_space<hbm>>
      tpu.enqueue_indirect_dma source(%dma_start3A_73 : memref<10000x128xf32, #tpu.memory_space<hbm>>) target(%arg9 : memref<80x128xf32, #tpu.memory_space<vmem>>) offsets(%dma_start3A_70 : memref<80xi32, #tpu.memory_space<vmem>>) semaphore(%arg12 : memref<!tpu.dma_semaphore, #tpu.memory_space<semaphore_mem>>)
      %dma_wait3A_74 = arith.constant 24 : i32
      %dma_wait3A_75 = arith.constant 0 : i32
      %dma_wait3A_76 = tpu.memref_slice %arg7[%dma_wait3A_74, %dma_wait3A_75] : memref<25x80xi32, #tpu.memory_space<vmem>> -> memref<1x80xi32, #tpu.memory_space<vmem>>
      %dma_wait3A_77 = tpu.memref_squeeze %dma_wait3A_76 : memref<1x80xi32, #tpu.memory_space<vmem>> -> memref<80xi32, #tpu.memory_space<vmem>>
      %dma_wait3A_78 = arith.constant 0 : i32
      %dma_wait3A_79 = arith.constant 0 : i32
      %dma_wait3A_80 = tpu.memref_slice %arg2[%dma_wait3A_78, %dma_wait3A_79] : memref<10000x128xf32, #tpu.memory_space<hbm>> -> memref<10000x128xf32, #tpu.memory_space<hbm>>
      tpu.wait_indirect_dma semaphore(%arg12 : memref<!tpu.dma_semaphore, #tpu.memory_space<semaphore_mem>>) src(%dma_wait3A_80 : memref<10000x128xf32, #tpu.memory_space<hbm>>) dst(%arg9 : memref<80x128xf32, #tpu.memory_space<vmem>>)
      %dma_start3A_81 = arith.constant 24 : i32
      %dma_start3A_82 = arith.constant 0 : i32
      %dma_start3A_83 = tpu.memref_slice %arg8[%dma_start3A_81, %dma_start3A_82] : memref<25x80xi32, #tpu.memory_space<vmem>> -> memref<1x80xi32, #tpu.memory_space<vmem>>
      %dma_start3A_84 = tpu.memref_squeeze %dma_start3A_83 : memref<1x80xi32, #tpu.memory_space<vmem>> -> memref<80xi32, #tpu.memory_space<vmem>>
      %dma_start3A_85 = arith.constant 0 : i32
      %dma_start3A_86 = arith.constant 0 : i32
      %dma_start3A_87 = tpu.memref_slice %arg11[%dma_start3A_85, %dma_start3A_86] : memref<10240x128xf32, #tpu.memory_space<vmem_shared>> -> memref<10240x128xf32, #tpu.memory_space<vmem_shared>>
      tpu.enqueue_indirect_dma source(%arg9 : memref<80x128xf32, #tpu.memory_space<vmem>>) target(%dma_start3A_87 : memref<10240x128xf32, #tpu.memory_space<vmem_shared>>) offsets(%dma_start3A_84 : memref<80xi32, #tpu.memory_space<vmem>>) semaphore(%arg14 : memref<!tpu.dma_semaphore, #tpu.memory_space<semaphore_mem>>) {add = true}
      %dma_wait3A_88 = arith.constant 23 : i32
      %dma_wait3A_89 = arith.constant 0 : i32
      %dma_wait3A_90 = tpu.memref_slice %arg8[%dma_wait3A_88, %dma_wait3A_89] : memref<25x80xi32, #tpu.memory_space<vmem>> -> memref<1x80xi32, #tpu.memory_space<vmem>>
      %dma_wait3A_91 = tpu.memref_squeeze %dma_wait3A_90 : memref<1x80xi32, #tpu.memory_space<vmem>> -> memref<80xi32, #tpu.memory_space<vmem>>
      %dma_wait3A_92 = arith.constant 0 : i32
      %dma_wait3A_93 = arith.constant 0 : i32
      %dma_wait3A_94 = tpu.memref_slice %arg11[%dma_wait3A_92, %dma_wait3A_93] : memref<10240x128xf32, #tpu.memory_space<vmem_shared>> -> memref<10240x128xf32, #tpu.memory_space<vmem_shared>>
      tpu.wait_indirect_dma semaphore(%arg15 : memref<!tpu.dma_semaphore, #tpu.memory_space<semaphore_mem>>) src(%arg10 : memref<80x128xf32, #tpu.memory_space<vmem>>) dst(%dma_wait3A_94 : memref<10240x128xf32, #tpu.memory_space<vmem_shared>>)
      %dma_wait3A_95 = arith.constant 24 : i32
      %dma_wait3A_96 = arith.constant 0 : i32
      %dma_wait3A_97 = tpu.memref_slice %arg8[%dma_wait3A_95, %dma_wait3A_96] : memref<25x80xi32, #tpu.memory_space<vmem>> -> memref<1x80xi32, #tpu.memory_space<vmem>>
      %dma_wait3A_98 = tpu.memref_squeeze %dma_wait3A_97 : memref<1x80xi32, #tpu.memory_space<vmem>> -> memref<80xi32, #tpu.memory_space<vmem>>
      %dma_wait3A_99 = arith.constant 0 : i32
      %dma_wait3A_100 = arith.constant 0 : i32
      %dma_wait3A_101 = tpu.memref_slice %arg11[%dma_wait3A_99, %dma_wait3A_100] : memref<10240x128xf32, #tpu.memory_space<vmem_shared>> -> memref<10240x128xf32, #tpu.memory_space<vmem_shared>>
      tpu.wait_indirect_dma semaphore(%arg14 : memref<!tpu.dma_semaphore, #tpu.memory_space<semaphore_mem>>) src(%arg9 : memref<80x128xf32, #tpu.memory_space<vmem>>) dst(%dma_wait3A_101 : memref<10240x128xf32, #tpu.memory_space<vmem_shared>>)
    }
    %scan3A_7 = arith.constant 5 : i32
    %barrier3A_8 = arith.constant 0 : index
    tpu.barrier barrier_id(%barrier3A_8)
    %mul3A_9 = arith.constant 640 : i32
    %mul3A_10 = arith.muli %arg1, %mul3A_9 : i32
    %mul3A_11 = arith.constant 640 : i32
    %mul3A_12 = arith.muli %arg1, %mul3A_11 : i32
    "tpu.region"() ({
      %run_scoped3A = tpu.sem_alloc : memref<!tpu.dma_semaphore, #tpu.memory_space<semaphore_mem>>
      %dma_start3A = arith.constant 0 : i32
      %dma_start3A_13 = tpu.memref_slice %arg6[%arg0, %mul3A_12, %dma_start3A] : memref<2x10240x128xf32, #tpu.memory_space<hbm>> -> memref<1x640x128xf32, #tpu.memory_space<hbm>>
      %dma_start3A_14 = tpu.memref_squeeze %dma_start3A_13 : memref<1x640x128xf32, #tpu.memory_space<hbm>> -> memref<640x128xf32, #tpu.memory_space<hbm>>
      %dma_start3A_15 = arith.constant 0 : i32
      %dma_start3A_16 = tpu.memref_slice %arg11[%mul3A_10, %dma_start3A_15] : memref<10240x128xf32, #tpu.memory_space<vmem_shared>> -> memref<640x128xf32, #tpu.memory_space<vmem_shared>>
      tpu.enqueue_dma source(%dma_start3A_16 : memref<640x128xf32, #tpu.memory_space<vmem_shared>>) target(%dma_start3A_14 : memref<640x128xf32, #tpu.memory_space<hbm>>) target_semaphore(%run_scoped3A : memref<!tpu.dma_semaphore, #tpu.memory_space<semaphore_mem>>)
      %dma_wait3A = arith.constant 0 : i32
      %dma_wait3A_17 = tpu.memref_slice %arg6[%arg0, %mul3A_12, %dma_wait3A] : memref<2x10240x128xf32, #tpu.memory_space<hbm>> -> memref<1x640x128xf32, #tpu.memory_space<hbm>>
      %dma_wait3A_18 = tpu.memref_squeeze %dma_wait3A_17 : memref<1x640x128xf32, #tpu.memory_space<hbm>> -> memref<640x128xf32, #tpu.memory_space<hbm>>
      %dma_wait3A_19 = arith.constant 0 : i32
      %dma_wait3A_20 = tpu.memref_slice %arg11[%mul3A_10, %dma_wait3A_19] : memref<10240x128xf32, #tpu.memory_space<vmem_shared>> -> memref<640x128xf32, #tpu.memory_space<vmem_shared>>
      tpu.wait_dma2 semaphore(%run_scoped3A : memref<!tpu.dma_semaphore, #tpu.memory_space<semaphore_mem>>) src(%dma_wait3A_20 : memref<640x128xf32, #tpu.memory_space<vmem_shared>>) dst(%dma_wait3A_18 : memref<640x128xf32, #tpu.memory_space<hbm>>)
      tpu.yield
    }) : () -> ()
    return
  }
}

module attributes {stable_mosaic.version = 14 : i64} {
  func.func @_tc1_body(%arg0: memref<10000x128xf32, #tpu.memory_space<vmem>>, %arg1: memref<128x128xf32, #tpu.memory_space<vmem>>, %arg2: memref<10000x1xf32, #tpu.memory_space<vmem>>, %arg3: memref<10000x128xf32, #tpu.memory_space<vmem>>, %arg4: memref<10000x128xf32, #tpu.memory_space<vmem>>) attributes {dimension_semantics = [], scalar_prefetch = 0 : i64, scratch_operands = 0 : i64, tpu.core_type = #tpu.core_type<tc>} {
    %get3A = arith.constant 0 : index
    %get3A_0 = arith.constant 0 : index
    %get3A_1 = vector.load %arg2[%get3A, %get3A_0] : memref<10000x1xf32, #tpu.memory_space<vmem>>, vector<10000x1xf32>
    %broadcast_in_dim3A = arith.constant 1.000000e+00 : f32
    %broadcast_in_dim3A_2 = vector.broadcast %broadcast_in_dim3A : f32 to vector<1x128xf32>
    %mul3A = vector.broadcast %get3A_1 : vector<10000x1xf32> to vector<10000x128xf32>
    %mul3A_3 = vector.broadcast %broadcast_in_dim3A_2 : vector<1x128xf32> to vector<10000x128xf32>
    %mul3A_4 = arith.mulf %mul3A, %mul3A_3 : vector<10000x128xf32>
    %get3A_5 = arith.constant 0 : index
    %get3A_6 = arith.constant 0 : index
    %get3A_7 = vector.load %arg0[%get3A_5, %get3A_6] : memref<10000x128xf32, #tpu.memory_space<vmem>>, vector<10000x128xf32>
    %get3A_8 = arith.constant 0 : index
    %get3A_9 = arith.constant 0 : index
    %get3A_10 = vector.load %arg1[%get3A_8, %get3A_9] : memref<128x128xf32, #tpu.memory_space<vmem>>, vector<128x128xf32>
    %dot_general3A = arith.constant dense<0.000000e+00> : vector<10000x128xf32>
    %dot_general3A_11 = tpu.matmul %get3A_7, %get3A_10, %dot_general3A {dimension_numbers = #tpu.dot_dimension_numbers<[1], [0], [0], [1], [0, 0, 1, 1], [], []>, transpose_lhs_hint = false} : vector<10000x128xf32>, vector<128x128xf32>, vector<10000x128xf32> -> vector<10000x128xf32>
    %swap3A = arith.constant 0 : index
    %swap3A_12 = arith.constant 0 : index
    %swap3A_13 = vector.load %arg4[%swap3A, %swap3A_12] : memref<10000x128xf32, #tpu.memory_space<vmem>>, vector<10000x128xf32>
    tpu.vector_store %arg4[%swap3A, %swap3A_12], %mul3A_4 {strides = array<i32>} : memref<10000x128xf32, #tpu.memory_space<vmem>>, vector<10000x128xf32>,
    %mul3A_14 = arith.mulf %mul3A_4, %dot_general3A_11 : vector<10000x128xf32>
    %swap3A_15 = arith.constant 0 : index
    %swap3A_16 = arith.constant 0 : index
    %swap3A_17 = vector.load %arg3[%swap3A_15, %swap3A_16] : memref<10000x128xf32, #tpu.memory_space<vmem>>, vector<10000x128xf32>
    tpu.vector_store %arg3[%swap3A_15, %swap3A_16], %mul3A_14 {strides = array<i32>} : memref<10000x128xf32, #tpu.memory_space<vmem>>, vector<10000x128xf32>,
    return
  }
}

module attributes {stable_mosaic.version = 14 : i64} {
  func.func @_tc2_body(%arg0: memref<2x10240x128xf32, #tpu.memory_space<vmem>>, %arg1: memref<10000x128xf32, #tpu.memory_space<vmem>>, %arg2: memref<10000x128xf32, #tpu.memory_space<vmem>>, %arg3: memref<1x128xf32, #tpu.memory_space<vmem>>, %arg4: memref<128x128xf32, #tpu.memory_space<vmem>>, %arg5: memref<10000x128xf32, #tpu.memory_space<vmem>>) attributes {dimension_semantics = [], scalar_prefetch = 0 : i64, scratch_operands = 0 : i64, tpu.core_type = #tpu.core_type<tc>} {
    %get3A = arith.constant 0 : index
    %get3A_0 = arith.constant 0 : index
    %get3A_1 = vector.load %arg2[%get3A, %get3A_0] : memref<10000x128xf32, #tpu.memory_space<vmem>>, vector<10000x128xf32>
    %get3A_2 = arith.constant 0 : index
    %get3A_3 = arith.constant 0 : index
    %get3A_4 = arith.constant 0 : index
    %get3A_5 = vector.load %arg0[%get3A_2, %get3A_3, %get3A_4] : memref<2x10240x128xf32, #tpu.memory_space<vmem>>, vector<1x10240x128xf32>
    %get3A_6 = vector.shape_cast %get3A_5 : vector<1x10240x128xf32> to vector<10240x128xf32>
    %slice3A = vector.extract_strided_slice %get3A_6 {offsets = [0, 0], sizes = [10000, 128], strides = [1, 1]} : vector<10240x128xf32> to vector<10000x128xf32>
    %get3A_7 = arith.constant 1 : index
    %get3A_8 = arith.constant 0 : index
    %get3A_9 = arith.constant 0 : index
    %get3A_10 = vector.load %arg0[%get3A_7, %get3A_8, %get3A_9] : memref<2x10240x128xf32, #tpu.memory_space<vmem>>, vector<1x10240x128xf32>
    %get3A_11 = vector.shape_cast %get3A_10 : vector<1x10240x128xf32> to vector<10240x128xf32>
    %slice3A_12 = vector.extract_strided_slice %get3A_11 {offsets = [0, 0], sizes = [10000, 128], strides = [1, 1]} : vector<10240x128xf32> to vector<10000x128xf32>
    %add3A = arith.addf %slice3A, %slice3A_12 : vector<10000x128xf32>
    %get3A_13 = arith.constant 0 : index
    %get3A_14 = arith.constant 0 : index
    %get3A_15 = vector.load %arg1[%get3A_13, %get3A_14] : memref<10000x128xf32, #tpu.memory_space<vmem>>, vector<10000x128xf32>
    %add3A_16 = arith.addf %add3A, %get3A_15 : vector<10000x128xf32>
    %mul3A = arith.mulf %get3A_1, %add3A_16 : vector<10000x128xf32>
    %get3A_17 = arith.constant 0 : index
    %get3A_18 = arith.constant 0 : index
    %get3A_19 = vector.load %arg3[%get3A_17, %get3A_18] : memref<1x128xf32, #tpu.memory_space<vmem>>, vector<1x128xf32>
    %add3A_20 = vector.broadcast %get3A_19 : vector<1x128xf32> to vector<10000x128xf32>
    %add3A_21 = arith.addf %mul3A, %add3A_20 : vector<10000x128xf32>
    %max3A = arith.constant 0.000000e+00 : f32
    %max3A_22 = vector.broadcast %max3A : f32 to vector<10000x128xf32>
    %max3A_23 = arith.maximumf %add3A_21, %max3A_22 : vector<10000x128xf32>
    %get3A_24 = arith.constant 0 : index
    %get3A_25 = arith.constant 0 : index
    %get3A_26 = vector.load %arg2[%get3A_24, %get3A_25] : memref<10000x128xf32, #tpu.memory_space<vmem>>, vector<10000x128xf32>
    %get3A_27 = arith.constant 0 : index
    %get3A_28 = arith.constant 0 : index
    %get3A_29 = vector.load %arg4[%get3A_27, %get3A_28] : memref<128x128xf32, #tpu.memory_space<vmem>>, vector<128x128xf32>
    %dot_general3A = arith.constant dense<0.000000e+00> : vector<10000x128xf32>
    %dot_general3A_30 = tpu.matmul %max3A_23, %get3A_29, %dot_general3A {dimension_numbers = #tpu.dot_dimension_numbers<[1], [0], [0], [1], [0, 0, 1, 1], [], []>, transpose_lhs_hint = false} : vector<10000x128xf32>, vector<128x128xf32>, vector<10000x128xf32> -> vector<10000x128xf32>
    %mul3A_31 = arith.mulf %get3A_26, %dot_general3A_30 : vector<10000x128xf32>
    %swap3A = arith.constant 0 : index
    %swap3A_32 = arith.constant 0 : index
    %swap3A_33 = vector.load %arg5[%swap3A, %swap3A_32] : memref<10000x128xf32, #tpu.memory_space<vmem>>, vector<10000x128xf32>
    tpu.vector_store %arg5[%swap3A, %swap3A_32], %mul3A_31 {strides = array<i32>} : memref<10000x128xf32, #tpu.memory_space<vmem>>, vector<10000x128xf32>,
    return
  }
}

module attributes {stable_mosaic.version = 14 : i64} {
  func.func @_tc3_body(%arg0: memref<2x10240x128xf32, #tpu.memory_space<vmem>>, %arg1: memref<10000x128xf32, #tpu.memory_space<vmem>>, %arg2: memref<10000x128xf32, #tpu.memory_space<vmem>>, %arg3: memref<1x128xf32, #tpu.memory_space<vmem>>, %arg4: memref<1x128xf32, #tpu.memory_space<vmem>>, %arg5: memref<1x128xf32, #tpu.memory_space<vmem>>, %arg6: memref<128x128xf32, #tpu.memory_space<vmem>>, %arg7: memref<10000x128xf32, #tpu.memory_space<vmem>>) attributes {dimension_semantics = [], scalar_prefetch = 0 : i64, scratch_operands = 0 : i64, tpu.core_type = #tpu.core_type<tc>} {
    %get3A = arith.constant 0 : index
    %get3A_0 = arith.constant 0 : index
    %get3A_1 = vector.load %arg2[%get3A, %get3A_0] : memref<10000x128xf32, #tpu.memory_space<vmem>>, vector<10000x128xf32>
    %get3A_2 = arith.constant 0 : index
    %get3A_3 = arith.constant 0 : index
    %get3A_4 = arith.constant 0 : index
    %get3A_5 = vector.load %arg0[%get3A_2, %get3A_3, %get3A_4] : memref<2x10240x128xf32, #tpu.memory_space<vmem>>, vector<1x10240x128xf32>
    %get3A_6 = vector.shape_cast %get3A_5 : vector<1x10240x128xf32> to vector<10240x128xf32>
    %slice3A = vector.extract_strided_slice %get3A_6 {offsets = [0, 0], sizes = [10000, 128], strides = [1, 1]} : vector<10240x128xf32> to vector<10000x128xf32>
    %get3A_7 = arith.constant 1 : index
    %get3A_8 = arith.constant 0 : index
    %get3A_9 = arith.constant 0 : index
    %get3A_10 = vector.load %arg0[%get3A_7, %get3A_8, %get3A_9] : memref<2x10240x128xf32, #tpu.memory_space<vmem>>, vector<1x10240x128xf32>
    %get3A_11 = vector.shape_cast %get3A_10 : vector<1x10240x128xf32> to vector<10240x128xf32>
    %slice3A_12 = vector.extract_strided_slice %get3A_11 {offsets = [0, 0], sizes = [10000, 128], strides = [1, 1]} : vector<10240x128xf32> to vector<10000x128xf32>
    %add3A = arith.addf %slice3A, %slice3A_12 : vector<10000x128xf32>
    %get3A_13 = arith.constant 0 : index
    %get3A_14 = arith.constant 0 : index
    %get3A_15 = vector.load %arg1[%get3A_13, %get3A_14] : memref<10000x128xf32, #tpu.memory_space<vmem>>, vector<10000x128xf32>
    %add3A_16 = arith.addf %add3A, %get3A_15 : vector<10000x128xf32>
    %mul3A = arith.mulf %get3A_1, %add3A_16 : vector<10000x128xf32>
    %get3A_17 = arith.constant 0 : index
    %get3A_18 = arith.constant 0 : index
    %get3A_19 = vector.load %arg3[%get3A_17, %get3A_18] : memref<1x128xf32, #tpu.memory_space<vmem>>, vector<1x128xf32>
    %add3A_20 = vector.broadcast %get3A_19 : vector<1x128xf32> to vector<10000x128xf32>
    %add3A_21 = arith.addf %mul3A, %add3A_20 : vector<10000x128xf32>
    %max3A = arith.constant 0.000000e+00 : f32
    %max3A_22 = vector.broadcast %max3A : f32 to vector<10000x128xf32>
    %max3A_23 = arith.maximumf %add3A_21, %max3A_22 : vector<10000x128xf32>
    %get3A_24 = arith.constant 0 : index
    %get3A_25 = arith.constant 0 : index
    %get3A_26 = vector.load %arg4[%get3A_24, %get3A_25] : memref<1x128xf32, #tpu.memory_space<vmem>>, vector<1x128xf32>
    %get3A_27 = arith.constant 0 : index
    %get3A_28 = arith.constant 0 : index
    %get3A_29 = vector.load %arg5[%get3A_27, %get3A_28] : memref<1x128xf32, #tpu.memory_space<vmem>>, vector<1x128xf32>
    %reduce_sum3A = arith.constant dense<0.000000e+00> : vector<128xf32>
    %reduce_sum3A_30 = vector.multi_reduction <add>, %max3A_23, %reduce_sum3A [0] : vector<10000x128xf32> to vector<128xf32>
    %broadcast_in_dim3A = vector.shape_cast %reduce_sum3A_30 : vector<128xf32> to vector<1x128xf32>
    %div3A = arith.constant 1.000000e+04 : f32
    %div3A_31 = vector.broadcast %div3A : f32 to vector<1x128xf32>
    %div3A_32 = arith.divf %broadcast_in_dim3A, %div3A_31 : vector<1x128xf32>
    %sub3A = vector.broadcast %div3A_32 : vector<1x128xf32> to vector<10000x128xf32>
    %sub3A_33 = arith.subf %max3A_23, %sub3A : vector<10000x128xf32>
    %integer_pow3A = arith.mulf %sub3A_33, %sub3A_33 : vector<10000x128xf32>
    %reduce_sum3A_34 = arith.constant dense<0.000000e+00> : vector<128xf32>
    %reduce_sum3A_35 = vector.multi_reduction <add>, %integer_pow3A, %reduce_sum3A_34 [0] : vector<10000x128xf32> to vector<128xf32>
    %broadcast_in_dim3A_36 = vector.shape_cast %reduce_sum3A_35 : vector<128xf32> to vector<1x128xf32>
    %div3A_37 = arith.constant 1.000000e+04 : f32
    %div3A_38 = vector.broadcast %div3A_37 : f32 to vector<1x128xf32>
    %div3A_39 = arith.divf %broadcast_in_dim3A_36, %div3A_38 : vector<1x128xf32>
    %sub3A_40 = vector.broadcast %div3A_32 : vector<1x128xf32> to vector<10000x128xf32>
    %sub3A_41 = arith.subf %max3A_23, %sub3A_40 : vector<10000x128xf32>
    %add3A_42 = arith.constant 9.99999974E-6 : f32
    %add3A_43 = vector.broadcast %add3A_42 : f32 to vector<1x128xf32>
    %add3A_44 = arith.addf %div3A_39, %add3A_43 : vector<1x128xf32>
    %sqrt3A = math.sqrt %add3A_44 : vector<1x128xf32>
    %div3A_45 = vector.broadcast %sqrt3A : vector<1x128xf32> to vector<10000x128xf32>
    %div3A_46 = arith.divf %sub3A_41, %div3A_45 : vector<10000x128xf32>
    %mul3A_47 = vector.broadcast %get3A_26 : vector<1x128xf32> to vector<10000x128xf32>
    %mul3A_48 = arith.mulf %div3A_46, %mul3A_47 : vector<10000x128xf32>
    %add3A_49 = vector.broadcast %get3A_29 : vector<1x128xf32> to vector<10000x128xf32>
    %add3A_50 = arith.addf %mul3A_48, %add3A_49 : vector<10000x128xf32>
    %get3A_51 = arith.constant 0 : index
    %get3A_52 = arith.constant 0 : index
    %get3A_53 = vector.load %arg2[%get3A_51, %get3A_52] : memref<10000x128xf32, #tpu.memory_space<vmem>>, vector<10000x128xf32>
    %get3A_54 = arith.constant 0 : index
    %get3A_55 = arith.constant 0 : index
    %get3A_56 = vector.load %arg6[%get3A_54, %get3A_55] : memref<128x128xf32, #tpu.memory_space<vmem>>, vector<128x128xf32>
    %dot_general3A = arith.constant dense<0.000000e+00> : vector<10000x128xf32>
    %dot_general3A_57 = tpu.matmul %add3A_50, %get3A_56, %dot_general3A {dimension_numbers = #tpu.dot_dimension_numbers<[1], [0], [0], [1], [0, 0, 1, 1], [], []>, transpose_lhs_hint = false} : vector<10000x128xf32>, vector<128x128xf32>, vector<10000x128xf32> -> vector<10000x128xf32>
    %mul3A_58 = arith.mulf %get3A_53, %dot_general3A_57 : vector<10000x128xf32>
    %swap3A = arith.constant 0 : index
    %swap3A_59 = arith.constant 0 : index
    %swap3A_60 = vector.load %arg7[%swap3A, %swap3A_59] : memref<10000x128xf32, #tpu.memory_space<vmem>>, vector<10000x128xf32>
    tpu.vector_store %arg7[%swap3A, %swap3A_59], %mul3A_58 {strides = array<i32>} : memref<10000x128xf32, #tpu.memory_space<vmem>>, vector<10000x128xf32>,
    return
  }
}

module attributes {stable_mosaic.version = 14 : i64} {
  func.func @_tc4_body(%arg0: memref<2x10240x128xf32, #tpu.memory_space<vmem>>, %arg1: memref<10000x128xf32, #tpu.memory_space<vmem>>, %arg2: memref<10000x128xf32, #tpu.memory_space<vmem>>, %arg3: memref<1x128xf32, #tpu.memory_space<vmem>>, %arg4: memref<1x128xf32, #tpu.memory_space<vmem>>, %arg5: memref<1x128xf32, #tpu.memory_space<vmem>>, %arg6: memref<1x10000xi32, #tpu.memory_space<vmem>>, %arg7: memref<128x128xf32, #tpu.memory_space<vmem>>, %arg8: memref<1x128xf32, #tpu.memory_space<vmem>>, %arg9: memref<1x128xf32, #tpu.memory_space<vmem>>, %arg10: memref<1x128xf32, #tpu.memory_space<vmem>>, %arg11: memref<128x128xf32, #tpu.memory_space<vmem>>, %arg12: memref<1x128xf32, #tpu.memory_space<vmem>>, %arg13: memref<1x128xf32, #tpu.memory_space<vmem>>, %arg14: memref<1x128xf32, #tpu.memory_space<vmem>>, %arg15: memref<128x8xf32, #tpu.memory_space<vmem>>, %arg16: memref<1x8xf32, #tpu.memory_space<vmem>>, %arg17: memref<64x8xf32, #tpu.memory_space<vmem>>) attributes {dimension_semantics = [], scalar_prefetch = 0 : i64, scratch_operands = 0 : i64, tpu.core_type = #tpu.core_type<tc>} {
    %get3A = arith.constant 0 : index
    %get3A_0 = arith.constant 0 : index
    %get3A_1 = vector.load %arg2[%get3A, %get3A_0] : memref<10000x128xf32, #tpu.memory_space<vmem>>, vector<10000x128xf32>
    %get3A_2 = arith.constant 0 : index
    %get3A_3 = arith.constant 0 : index
    %get3A_4 = arith.constant 0 : index
    %get3A_5 = vector.load %arg0[%get3A_2, %get3A_3, %get3A_4] : memref<2x10240x128xf32, #tpu.memory_space<vmem>>, vector<1x10240x128xf32>
    %get3A_6 = vector.shape_cast %get3A_5 : vector<1x10240x128xf32> to vector<10240x128xf32>
    %slice3A = vector.extract_strided_slice %get3A_6 {offsets = [0, 0], sizes = [10000, 128], strides = [1, 1]} : vector<10240x128xf32> to vector<10000x128xf32>
    %get3A_7 = arith.constant 1 : index
    %get3A_8 = arith.constant 0 : index
    %get3A_9 = arith.constant 0 : index
    %get3A_10 = vector.load %arg0[%get3A_7, %get3A_8, %get3A_9] : memref<2x10240x128xf32, #tpu.memory_space<vmem>>, vector<1x10240x128xf32>
    %get3A_11 = vector.shape_cast %get3A_10 : vector<1x10240x128xf32> to vector<10240x128xf32>
    %slice3A_12 = vector.extract_strided_slice %get3A_11 {offsets = [0, 0], sizes = [10000, 128], strides = [1, 1]} : vector<10240x128xf32> to vector<10000x128xf32>
    %add3A = arith.addf %slice3A, %slice3A_12 : vector<10000x128xf32>
    %get3A_13 = arith.constant 0 : index
    %get3A_14 = arith.constant 0 : index
    %get3A_15 = vector.load %arg1[%get3A_13, %get3A_14] : memref<10000x128xf32, #tpu.memory_space<vmem>>, vector<10000x128xf32>
    %add3A_16 = arith.addf %add3A, %get3A_15 : vector<10000x128xf32>
    %mul3A = arith.mulf %get3A_1, %add3A_16 : vector<10000x128xf32>
    %get3A_17 = arith.constant 0 : index
    %get3A_18 = arith.constant 0 : index
    %get3A_19 = vector.load %arg3[%get3A_17, %get3A_18] : memref<1x128xf32, #tpu.memory_space<vmem>>, vector<1x128xf32>
    %add3A_20 = vector.broadcast %get3A_19 : vector<1x128xf32> to vector<10000x128xf32>
    %add3A_21 = arith.addf %mul3A, %add3A_20 : vector<10000x128xf32>
    %max3A = arith.constant 0.000000e+00 : f32
    %max3A_22 = vector.broadcast %max3A : f32 to vector<10000x128xf32>
    %max3A_23 = arith.maximumf %add3A_21, %max3A_22 : vector<10000x128xf32>
    %get3A_24 = arith.constant 0 : index
    %get3A_25 = arith.constant 0 : index
    %get3A_26 = vector.load %arg4[%get3A_24, %get3A_25] : memref<1x128xf32, #tpu.memory_space<vmem>>, vector<1x128xf32>
    %get3A_27 = arith.constant 0 : index
    %get3A_28 = arith.constant 0 : index
    %get3A_29 = vector.load %arg5[%get3A_27, %get3A_28] : memref<1x128xf32, #tpu.memory_space<vmem>>, vector<1x128xf32>
    %reduce_sum3A = arith.constant dense<0.000000e+00> : vector<128xf32>
    %reduce_sum3A_30 = vector.multi_reduction <add>, %max3A_23, %reduce_sum3A [0] : vector<10000x128xf32> to vector<128xf32>
    %broadcast_in_dim3A = vector.shape_cast %reduce_sum3A_30 : vector<128xf32> to vector<1x128xf32>
    %div3A = arith.constant 1.000000e+04 : f32
    %div3A_31 = vector.broadcast %div3A : f32 to vector<1x128xf32>
    %div3A_32 = arith.divf %broadcast_in_dim3A, %div3A_31 : vector<1x128xf32>
    %sub3A = vector.broadcast %div3A_32 : vector<1x128xf32> to vector<10000x128xf32>
    %sub3A_33 = arith.subf %max3A_23, %sub3A : vector<10000x128xf32>
    %integer_pow3A = arith.mulf %sub3A_33, %sub3A_33 : vector<10000x128xf32>
    %reduce_sum3A_34 = arith.constant dense<0.000000e+00> : vector<128xf32>
    %reduce_sum3A_35 = vector.multi_reduction <add>, %integer_pow3A, %reduce_sum3A_34 [0] : vector<10000x128xf32> to vector<128xf32>
    %broadcast_in_dim3A_36 = vector.shape_cast %reduce_sum3A_35 : vector<128xf32> to vector<1x128xf32>
    %div3A_37 = arith.constant 1.000000e+04 : f32
    %div3A_38 = vector.broadcast %div3A_37 : f32 to vector<1x128xf32>
    %div3A_39 = arith.divf %broadcast_in_dim3A_36, %div3A_38 : vector<1x128xf32>
    %sub3A_40 = vector.broadcast %div3A_32 : vector<1x128xf32> to vector<10000x128xf32>
    %sub3A_41 = arith.subf %max3A_23, %sub3A_40 : vector<10000x128xf32>
    %add3A_42 = arith.constant 9.99999974E-6 : f32
    %add3A_43 = vector.broadcast %add3A_42 : f32 to vector<1x128xf32>
    %add3A_44 = arith.addf %div3A_39, %add3A_43 : vector<1x128xf32>
    %sqrt3A = math.sqrt %add3A_44 : vector<1x128xf32>
    %div3A_45 = vector.broadcast %sqrt3A : vector<1x128xf32> to vector<10000x128xf32>
    %div3A_46 = arith.divf %sub3A_41, %div3A_45 : vector<10000x128xf32>
    %mul3A_47 = vector.broadcast %get3A_26 : vector<1x128xf32> to vector<10000x128xf32>
    %mul3A_48 = arith.mulf %div3A_46, %mul3A_47 : vector<10000x128xf32>
    %add3A_49 = vector.broadcast %get3A_29 : vector<1x128xf32> to vector<10000x128xf32>
    %add3A_50 = arith.addf %mul3A_48, %add3A_49 : vector<10000x128xf32>
    %iota3A = tpu.iota {dimensions = array<i32: 0>} : vector<64x10000xi32>
    %get3A_51 = arith.constant 0 : index
    %get3A_52 = arith.constant 0 : index
    %get3A_53 = vector.load %arg6[%get3A_51, %get3A_52] : memref<1x10000xi32, #tpu.memory_space<vmem>>, vector<1x10000xi32>
    %eq3A = vector.broadcast %get3A_53 : vector<1x10000xi32> to vector<64x10000xi32>
    %eq3A_54 = arith.cmpi eq, %iota3A, %eq3A : vector<64x10000xi32>
    %jit3A = arith.constant 1.000000e+00 : f32
    %jit3A_55 = arith.constant 0.000000e+00 : f32
    %broadcast_in_dim3A_56 = vector.broadcast %jit3A : f32 to vector<64x10000xf32>
    %broadcast_in_dim3A_57 = vector.broadcast %jit3A_55 : f32 to vector<64x10000xf32>
    %select_n3A = arith.select %eq3A_54, %broadcast_in_dim3A_56, %broadcast_in_dim3A_57 : vector<64x10000xi1>, vector<64x10000xf32>
    %dot_general3A = arith.constant dense<0.000000e+00> : vector<64x128xf32>
    %dot_general3A_58 = tpu.matmul %select_n3A, %add3A_50, %dot_general3A {dimension_numbers = #tpu.dot_dimension_numbers<[1], [0], [0], [1], [0, 0, 1, 1], [], []>, precision = #tpu.contract_precision<fp32>, transpose_lhs_hint = false} : vector<64x10000xf32>, vector<10000x128xf32>, vector<64x128xf32> -> vector<64x128xf32>
    %get3A_59 = arith.constant 0 : index
    %get3A_60 = arith.constant 0 : index
    %get3A_61 = vector.load %arg7[%get3A_59, %get3A_60] : memref<128x128xf32, #tpu.memory_space<vmem>>, vector<128x128xf32>
    %dot_general3A_62 = arith.constant dense<0.000000e+00> : vector<64x128xf32>
    %dot_general3A_63 = tpu.matmul %dot_general3A_58, %get3A_61, %dot_general3A_62 {dimension_numbers = #tpu.dot_dimension_numbers<[1], [0], [0], [1], [0, 0, 1, 1], [], []>, transpose_lhs_hint = false} : vector<64x128xf32>, vector<128x128xf32>, vector<64x128xf32> -> vector<64x128xf32>
    %get3A_64 = arith.constant 0 : index
    %get3A_65 = arith.constant 0 : index
    %get3A_66 = vector.load %arg8[%get3A_64, %get3A_65] : memref<1x128xf32, #tpu.memory_space<vmem>>, vector<1x128xf32>
    %add3A_67 = vector.broadcast %get3A_66 : vector<1x128xf32> to vector<64x128xf32>
    %add3A_68 = arith.addf %dot_general3A_63, %add3A_67 : vector<64x128xf32>
    %max3A_69 = arith.constant 0.000000e+00 : f32
    %max3A_70 = vector.broadcast %max3A_69 : f32 to vector<64x128xf32>
    %max3A_71 = arith.maximumf %add3A_68, %max3A_70 : vector<64x128xf32>
    %get3A_72 = arith.constant 0 : index
    %get3A_73 = arith.constant 0 : index
    %get3A_74 = vector.load %arg9[%get3A_72, %get3A_73] : memref<1x128xf32, #tpu.memory_space<vmem>>, vector<1x128xf32>
    %get3A_75 = arith.constant 0 : index
    %get3A_76 = arith.constant 0 : index
    %get3A_77 = vector.load %arg10[%get3A_75, %get3A_76] : memref<1x128xf32, #tpu.memory_space<vmem>>, vector<1x128xf32>
    %reduce_sum3A_78 = arith.constant dense<0.000000e+00> : vector<128xf32>
    %reduce_sum3A_79 = vector.multi_reduction <add>, %max3A_71, %reduce_sum3A_78 [0] : vector<64x128xf32> to vector<128xf32>
    %broadcast_in_dim3A_80 = vector.shape_cast %reduce_sum3A_79 : vector<128xf32> to vector<1x128xf32>
    %div3A_81 = arith.constant 6.400000e+01 : f32
    %div3A_82 = vector.broadcast %div3A_81 : f32 to vector<1x128xf32>
    %div3A_83 = arith.divf %broadcast_in_dim3A_80, %div3A_82 : vector<1x128xf32>
    %sub3A_84 = vector.broadcast %div3A_83 : vector<1x128xf32> to vector<64x128xf32>
    %sub3A_85 = arith.subf %max3A_71, %sub3A_84 : vector<64x128xf32>
    %integer_pow3A_86 = arith.mulf %sub3A_85, %sub3A_85 : vector<64x128xf32>
    %reduce_sum3A_87 = arith.constant dense<0.000000e+00> : vector<128xf32>
    %reduce_sum3A_88 = vector.multi_reduction <add>, %integer_pow3A_86, %reduce_sum3A_87 [0] : vector<64x128xf32> to vector<128xf32>
    %broadcast_in_dim3A_89 = vector.shape_cast %reduce_sum3A_88 : vector<128xf32> to vector<1x128xf32>
    %div3A_90 = arith.constant 6.400000e+01 : f32
    %div3A_91 = vector.broadcast %div3A_90 : f32 to vector<1x128xf32>
    %div3A_92 = arith.divf %broadcast_in_dim3A_89, %div3A_91 : vector<1x128xf32>
    %sub3A_93 = vector.broadcast %div3A_83 : vector<1x128xf32> to vector<64x128xf32>
    %sub3A_94 = arith.subf %max3A_71, %sub3A_93 : vector<64x128xf32>
    %add3A_95 = arith.constant 9.99999974E-6 : f32
    %add3A_96 = vector.broadcast %add3A_95 : f32 to vector<1x128xf32>
    %add3A_97 = arith.addf %div3A_92, %add3A_96 : vector<1x128xf32>
    %sqrt3A_98 = math.sqrt %add3A_97 : vector<1x128xf32>
    %div3A_99 = vector.broadcast %sqrt3A_98 : vector<1x128xf32> to vector<64x128xf32>
    %div3A_100 = arith.divf %sub3A_94, %div3A_99 : vector<64x128xf32>
    %mul3A_101 = vector.broadcast %get3A_74 : vector<1x128xf32> to vector<64x128xf32>
    %mul3A_102 = arith.mulf %div3A_100, %mul3A_101 : vector<64x128xf32>
    %add3A_103 = vector.broadcast %get3A_77 : vector<1x128xf32> to vector<64x128xf32>
    %add3A_104 = arith.addf %mul3A_102, %add3A_103 : vector<64x128xf32>
    %get3A_105 = arith.constant 0 : index
    %get3A_106 = arith.constant 0 : index
    %get3A_107 = vector.load %arg11[%get3A_105, %get3A_106] : memref<128x128xf32, #tpu.memory_space<vmem>>, vector<128x128xf32>
    %dot_general3A_108 = arith.constant dense<0.000000e+00> : vector<64x128xf32>
    %dot_general3A_109 = tpu.matmul %add3A_104, %get3A_107, %dot_general3A_108 {dimension_numbers = #tpu.dot_dimension_numbers<[1], [0], [0], [1], [0, 0, 1, 1], [], []>, transpose_lhs_hint = false} : vector<64x128xf32>, vector<128x128xf32>, vector<64x128xf32> -> vector<64x128xf32>
    %get3A_110 = arith.constant 0 : index
    %get3A_111 = arith.constant 0 : index
    %get3A_112 = vector.load %arg12[%get3A_110, %get3A_111] : memref<1x128xf32, #tpu.memory_space<vmem>>, vector<1x128xf32>
    %add3A_113 = vector.broadcast %get3A_112 : vector<1x128xf32> to vector<64x128xf32>
    %add3A_114 = arith.addf %dot_general3A_109, %add3A_113 : vector<64x128xf32>
    %max3A_115 = arith.constant 0.000000e+00 : f32
    %max3A_116 = vector.broadcast %max3A_115 : f32 to vector<64x128xf32>
    %max3A_117 = arith.maximumf %add3A_114, %max3A_116 : vector<64x128xf32>
    %get3A_118 = arith.constant 0 : index
    %get3A_119 = arith.constant 0 : index
    %get3A_120 = vector.load %arg13[%get3A_118, %get3A_119] : memref<1x128xf32, #tpu.memory_space<vmem>>, vector<1x128xf32>
    %get3A_121 = arith.constant 0 : index
    %get3A_122 = arith.constant 0 : index
    %get3A_123 = vector.load %arg14[%get3A_121, %get3A_122] : memref<1x128xf32, #tpu.memory_space<vmem>>, vector<1x128xf32>
    %reduce_sum3A_124 = arith.constant dense<0.000000e+00> : vector<128xf32>
    %reduce_sum3A_125 = vector.multi_reduction <add>, %max3A_117, %reduce_sum3A_124 [0] : vector<64x128xf32> to vector<128xf32>
    %broadcast_in_dim3A_126 = vector.shape_cast %reduce_sum3A_125 : vector<128xf32> to vector<1x128xf32>
    %div3A_127 = arith.constant 6.400000e+01 : f32
    %div3A_128 = vector.broadcast %div3A_127 : f32 to vector<1x128xf32>
    %div3A_129 = arith.divf %broadcast_in_dim3A_126, %div3A_128 : vector<1x128xf32>
    %sub3A_130 = vector.broadcast %div3A_129 : vector<1x128xf32> to vector<64x128xf32>
    %sub3A_131 = arith.subf %max3A_117, %sub3A_130 : vector<64x128xf32>
    %integer_pow3A_132 = arith.mulf %sub3A_131, %sub3A_131 : vector<64x128xf32>
    %reduce_sum3A_133 = arith.constant dense<0.000000e+00> : vector<128xf32>
    %reduce_sum3A_134 = vector.multi_reduction <add>, %integer_pow3A_132, %reduce_sum3A_133 [0] : vector<64x128xf32> to vector<128xf32>
    %broadcast_in_dim3A_135 = vector.shape_cast %reduce_sum3A_134 : vector<128xf32> to vector<1x128xf32>
    %div3A_136 = arith.constant 6.400000e+01 : f32
    %div3A_137 = vector.broadcast %div3A_136 : f32 to vector<1x128xf32>
    %div3A_138 = arith.divf %broadcast_in_dim3A_135, %div3A_137 : vector<1x128xf32>
    %sub3A_139 = vector.broadcast %div3A_129 : vector<1x128xf32> to vector<64x128xf32>
    %sub3A_140 = arith.subf %max3A_117, %sub3A_139 : vector<64x128xf32>
    %add3A_141 = arith.constant 9.99999974E-6 : f32
    %add3A_142 = vector.broadcast %add3A_141 : f32 to vector<1x128xf32>
    %add3A_143 = arith.addf %div3A_138, %add3A_142 : vector<1x128xf32>
    %sqrt3A_144 = math.sqrt %add3A_143 : vector<1x128xf32>
    %div3A_145 = vector.broadcast %sqrt3A_144 : vector<1x128xf32> to vector<64x128xf32>
    %div3A_146 = arith.divf %sub3A_140, %div3A_145 : vector<64x128xf32>
    %mul3A_147 = vector.broadcast %get3A_120 : vector<1x128xf32> to vector<64x128xf32>
    %mul3A_148 = arith.mulf %div3A_146, %mul3A_147 : vector<64x128xf32>
    %add3A_149 = vector.broadcast %get3A_123 : vector<1x128xf32> to vector<64x128xf32>
    %add3A_150 = arith.addf %mul3A_148, %add3A_149 : vector<64x128xf32>
    %get3A_151 = arith.constant 0 : index
    %get3A_152 = arith.constant 0 : index
    %get3A_153 = vector.load %arg15[%get3A_151, %get3A_152] : memref<128x8xf32, #tpu.memory_space<vmem>>, vector<128x8xf32>
    %dot_general3A_154 = arith.constant dense<0.000000e+00> : vector<64x8xf32>
    %dot_general3A_155 = tpu.matmul %add3A_150, %get3A_153, %dot_general3A_154 {dimension_numbers = #tpu.dot_dimension_numbers<[1], [0], [0], [1], [0, 0, 1, 1], [], []>, transpose_lhs_hint = false} : vector<64x128xf32>, vector<128x8xf32>, vector<64x8xf32> -> vector<64x8xf32>
    %get3A_156 = arith.constant 0 : index
    %get3A_157 = arith.constant 0 : index
    %get3A_158 = vector.load %arg16[%get3A_156, %get3A_157] : memref<1x8xf32, #tpu.memory_space<vmem>>, vector<1x8xf32>
    %add3A_159 = vector.broadcast %get3A_158 : vector<1x8xf32> to vector<64x8xf32>
    %add3A_160 = arith.addf %dot_general3A_155, %add3A_159 : vector<64x8xf32>
    %swap3A = arith.constant 0 : index
    %swap3A_161 = arith.constant 0 : index
    %swap3A_162 = vector.load %arg17[%swap3A, %swap3A_161] : memref<64x8xf32, #tpu.memory_space<vmem>>, vector<64x8xf32>
    tpu.vector_store %arg17[%swap3A, %swap3A_161], %add3A_160 {strides = array<i32>} : memref<64x8xf32, #tpu.memory_space<vmem>>, vector<64x8xf32>,
    return
  }
}

</mosaic_0001>

<sc_bundles>
// kernel: kernel.10.cloned.1.call-start
scs
__scs_entry_jumppad:
0x0: {  	(pc) =	sbr.rel $0x88, $3  }
0x1: {  	(tag) =	ssettag $0x0;
	lr =	simm.s32 $0x1  }
0x2: {  	[smem:$0x3F8A] =	sst lr;
	_ =	strace $0xD0000000  }
0x3: {  	_ = 	snop  }
0x4: {  	_ = 	snop  }
0x5: {  	_ = 	snop  }
0x6: {  	_ = 	snop  }
0x7: {  	_ = 	snop  }
__scs_overlays_trampoline_lowered:
0x8: {  	[smem:$0x3F99] =	sst s0  }
0x9: {  	[smem:$0x3F9A] =	sst s1  }
0xa: {  	[smem:$0x3F9B] =	sst s2  }
0xb: {  	[smem:$0x3F9C] =	sst s3  }
0xc: {  	[smem:$0x3F9D] =	sst s4  }
0xd: {  	[smem:$0x3F9E] =	sst s5  }
0xe: {  	[smem:$0x3F9F] =	sst s6  }
0xf: {  	[smem:$0x3FA0] =	sst s7  }
0x10: {  	[smem:$0x3FA1] =	sst s8  }
0x11: {  	[smem:$0x3FA2] =	sst s9;
	s0 =	simm.s32 @!p0 $0x0  }
0x12: {  	s1 =	sld [smem:$0x3F88];
	s0 =	simm.s32 @p0 $0x1  }
0x13: {  	[smem:$0x3FA3] =	sst s0;
	s0 =	simm.s32 @!p1 $0x0  }
0x14: {  	s2 =	sld [smem:$0x3F87];
	s0 =	simm.s32 @p1 $0x1  }
0x15: {  	[smem:$0x3FA4] =	sst s0;
	s0 =	simm.s32 @!p2 $0x0  }
0x16: {  	s3 =	sld [smem:$0x3FDB];
	s0 =	simm.s32 @p2 $0x1  }
0x17: {  	s4 =	simm.s32 $0x1BF5;
	[smem:$0x3FA6] =	sst s0  }
0x18: {  	s0 =	sld [smem:$0x3F89];
	_ =	swait.ge [sflag:s4], $0x0  }
0x19: {  	s7 =	sld [smem:$0x3F8A]  }
0x1a: {  	s8 =	sadd.s32 $0xFFFFE003, lr  }
0x1b: {  	s9 =	sadd.s32 $0xFFFFFEF7, lr;
	s5 =	simm.s32 $0xFFFFFFFF;
	p2 =	slt.u32 s8, $0xFFFFF086  }
0x1c: {  	p1 =	slt.u32 s9, $0xF7A;
	s5 =	simm.s32 @!p2 $0x0  }
0x1d: {  	s5 =	simm.s32 @p1 $0x1;
	p0 =	seq.s32 s7, s2  }
0x1e: {  	s7 =	smul.u32 @!p0 $0xF7A, s2;
	p2 =	seq.s32 @!p0 s5, $0x0  }
0x1f: {  	s9 =	smul.u32 $0xF7A, s1;
	s8 =	simm.s32 @!p0 $0x1BF5;
	p2 =	por !p2, p0  }
0x20: {  	[sflag:s8] =	ssyncset.s32 @!p0 $0xFFFFF086;
	s6 =	sadd.s32 @!p0 s3, s7;
	s7 =	simm.s32 @!p0 $0x108  }
0x21: {  	s3 =	sadd.s32 s3, s9;
	s6 =	sadd.s32 @!p0 $0x88, s6;
	s7 =	simm.s32 @p2 $0x1082  }
0x22: {  	[simem:s7], [sflag:s8] =	dma.local @!p0 [hbm:s6], $0xF7A  }
0x23: {  	s9 =	sor.u32 $0xD0000000, s2;
	s6 =	simm.s32 $0x108;
	_ =	swait.ge @!p0 [sflag:s8], $0x0  }
0x24: {  	s3 =	sadd.s32 $0x88, s3;
	s6 =	simm.s32 @!p1 $0x1082;
	[sflag:s4] =	ssyncset.s32 $0xFFFFF086  }
0x25: {  	[simem:s6], [sflag:s4] =	dma.local [hbm:s3], $0xF7A  }
0x26: {  	[smem:$0x3F8A] =	sst s1;
	(tag) =	ssettag s2;
	_ =	strace s9  }
0x27: {  	s1 =	sld [smem:$0x3F9A]  }
0x28: {  	s2 =	sld [smem:$0x3F9B]  }
0x29: {  	s4 =	sld [smem:$0x3F9D]  }
0x2a: {  	p0 =	seq.s32 s5, $0x0;
	s5 =	sld [smem:$0x3F9E]  }
0x2b: {  	s6 =	sld [smem:$0x3F9F]  }
0x2c: {  	s7 =	sld [smem:$0x3FA0]  }
0x2d: {  	s3 =	simm.s32 $0x108;
	s8 =	sld [smem:$0x3FA1]  }
0x2e: {  	s3 =	simm.s32 @!p0 $0x1082;
	s9 =	sld [smem:$0x3FA2]  }
0x2f: {  	lr =	sadd.s32 s0, s3;
	s0 =	sld [smem:$0x3F99]  }
0x30: {  	s3 =	sld [smem:$0x3F9C]  }
0x31: {  	[smem:$0x3FA5] =	sst s10  }
0x32: {  	s10 =	sld [smem:$0x3FA3];
	_ =	sdelay $0x3  }
0x33: {  	p0 =	seq.s32 s10, $0x1;
	s10 =	sld [smem:$0x3FA5];
	_ =	sdelay $0x3  }
0x34: {  	[smem:$0x3FA5] =	sst s10  }
0x35: {  	s10 =	sld [smem:$0x3FA4];
	_ =	sdelay $0x3  }
0x36: {  	p1 =	seq.s32 s10, $0x1;
	s10 =	sld [smem:$0x3FA5];
	_ =	sdelay $0x3  }
0x37: {  	[smem:$0x3FA5] =	sst s10  }
0x38: {  	s10 =	sld [smem:$0x3FA6]  }
0x39: {  	_ = 	snop;
	(pc) =	sbr.ind lr, $3  }
0x3a: {  	_ = 	snop  }
0x3b: {  	_ = 	snop  }
0x3c: {  	p2 =	seq.s32 s10, $0x1;
	s10 =	sld [smem:$0x3FA5]  }
0x3d: {  	_ =	shalt  }
0x3e: {  	_ =	shalt  }
0x3f: {  	_ =	shalt  }
0x40: {  	_ =	shalt  }
0x41: {  	_ =	shalt  }
0x42: {  	_ =	shalt  }
0x43: {  	_ =	shalt  }
0x44: {  	_ =	shalt  }
0x45: {  	_ =	shalt  }
0x46: {  	_ =	shalt  }
0x47: {  	_ =	shalt  }
0x48: {  	_ =	shalt  }
0x49: {  	_ =	shalt  }
0x4a: {  	_ =	shalt  }
0x4b: {  	_ =	shalt  }
0x4c: {  	_ =	shalt  }
0x4d: {  	_ =	shalt  }
0x4e: {  	_ =	shalt  }
0x4f: {  	_ =	shalt  }
0x50: {  	_ =	shalt  }
0x51: {  	_ =	shalt  }
0x52: {  	_ =	shalt  }
0x53: {  	_ =	shalt  }
0x54: {  	_ =	shalt  }
0x55: {  	_ =	shalt  }
0x56: {  	_ =	shalt  }
0x57: {  	_ =	shalt  }
0x58: {  	_ =	shalt  }
0x59: {  	_ =	shalt  }
0x5a: {  	_ =	shalt  }
0x5b: {  	_ =	shalt  }
0x5c: {  	_ =	shalt  }
0x5d: {  	_ =	shalt  }
0x5e: {  	_ =	shalt  }
0x5f: {  	_ =	shalt  }
0x60: {  	_ =	shalt  }
0x61: {  	_ =	shalt  }
0x62: {  	_ =	shalt  }
0x63: {  	_ =	shalt  }
0x64: {  	_ =	shalt  }
0x65: {  	_ =	shalt  }
0x66: {  	_ =	shalt  }
0x67: {  	_ =	shalt  }
0x68: {  	_ =	shalt  }
0x69: {  	_ =	shalt  }
0x6a: {  	_ =	shalt  }
0x6b: {  	_ =	shalt  }
0x6c: {  	_ =	shalt  }
0x6d: {  	_ =	shalt  }
0x6e: {  	_ =	shalt  }
0x6f: {  	_ =	shalt  }
0x70: {  	_ =	shalt  }
0x71: {  	_ =	shalt  }
0x72: {  	_ =	shalt  }
0x73: {  	_ =	shalt  }
0x74: {  	_ =	shalt  }
0x75: {  	_ =	shalt  }
0x76: {  	_ =	shalt  }
0x77: {  	_ =	shalt  }
0x78: {  	_ =	shalt  }
0x79: {  	_ =	shalt  }
0x7a: {  	_ =	shalt  }
0x7b: {  	_ =	shalt  }
0x7c: {  	_ =	shalt  }
0x7d: {  	_ =	shalt  }
0x7e: {  	_ =	shalt  }
0x7f: {  	_ =	shalt  }
0x80: {  	_ =	shalt  }
0x81: {  	_ =	shalt  }
0x82: {  	_ =	shalt  }
0x83: {  	_ =	shalt  }
0x84: {  	_ =	shalt  }
0x85: {  	_ =	shalt  }
0x86: {  	_ =	shalt  }
0x87: {  	_ =	shalt  }
.Lfunc_end0:
.L_simem_size_0:
called_computation_lowered:
.L_overlay_start_0:
0x88: {  	s2 =	sld [smem:$0x3FD9]  }
0x89: {  	s3 =	sld [smem:$0x3FFE];
	_ =	sdelay $0x1  }
0x8a: {  	s1 =	srdreg.scid  }
0x8b: {  	s0 =	sand.u32 $0x1, s1  }
0x8c: {  	s16 =	sshll.u32 s0, $0xA;
	s2 =	sadd.s32 s3, s2  }
0x8d: {  	s2 =	sadd.s32 s2, s16  }
0x8e: {  	[smem:$0x3FB1] =	sst s2  }
0x8f: {  	_ = 	snop  }
0x90: {  	(tm) =	ssettm $0x1  }
0x91: {  	s17 =	sld [smem:$0x3FFB];
	_ =	sdelay $0x3  }
0x92: {  	_ =	strace s17  }
0x93: {  	s2 =	sld [smem:$0x3FFC];
	_ =	sdelay $0x3  }
0x94: {  	_ =	strace s2  }
0x95: {  	s2 =	sld [smem:$0x3FFD];
	_ =	sdelay $0x3  }
0x96: {  	_ =	strace s2  }
0x97: {  	_ =	strace $0x8FFFFFFF  }
0x98: {  	s18 =	sld [smem:$0x3FDB];
	_ =	sdelay $0x1  }
0x99: {  	s19 =	simm.s32 $_scs_section_size  }
0x9a: {  	s4 =	simm.s32 $_size__tile_overlayer_lowered;
	s5 =	simm.s32 $_tile_overlayer_lowered  }
0x9b: {  	s22 =	simm.s32 $0x1BFF;
	s21 =	sshll.u32 s5, $0x1;
	s2 =	sadd.s32 s19, s18  }
0x9c: {  	s6 =	simm.s32 $0x0;
	s20 =	sshll.u32 s4, $0x1;
	s4 =	sadd.s32 s21, s2  }
0x9d: {  	[timem:s6], [sflag:s22] =	dma.local [hbm:s4], s20  }
0x9e: {  	_ =	swait.ge [sflag:s22], s20  }
0x9f: {  	s3 =	ssub.s32 $0x0, s20;
	[sflag:s22] =	ssyncset.done $0x0  }
0xa0: {  	[sflag:s22] =	ssyncadd.s32 s3;
	_ =	sdelay $0x1  }
0xa1: {  	s23 =	simm.s32 $0x1B8B  }
0xa2: {  	_ =	swait.ge [sflag:s23], $0x1  }
0xa3: {  	[sflag:s23] =	ssyncset.done $0x0  }
0xa4: {  	s25 =	simm.s32 $0x1B8E;
	s24 =	sld [smem:$0x3FFE];
	[sflag:s23] =	ssyncadd.s32 $0xFFFFFFFF  }
0xa5: {  	s26 =	simm.s32 $execute0_lowered;
	[smem:$0x3FD2] =	sst s25  }
0xa6: {  	s4 =	sshll.u32 s26, $0x1;
	_ =	strace $0x80000046;
	[dreg:$0x1] =	wrdreg $0xFFFFFFFF  }
0xa7: {  	s28 =	simm.s32 $_size_execute0_lowered;
	s2 =	sadd.s32 s2, s4;
	[dreg:$0x0] =	wrdreg $0x0  }
0xa8: {  	s4 =	sshll.u32 s28, $0x1;
	[dreg:$0x2] =	wrdreg s2  }
0xa9: {  	[dreg:$0x3] =	wrdreg s4  }
0xaa: {  	[dreg:$0x4] =	wrdreg $0xC0  }
0xab: {  	_ =	task [dreg:s6], $0x5FFFF  }
0xac: {  	[dreg:$0x1] =	wrdreg $0xFFFFFFFF  }
0xad: {  	[dreg:$0x0] =	wrdreg $0x60  }
0xae: {  	[dreg:$0x2] =	wrdreg s24  }
0xaf: {  	[dreg:$0x3] =	wrdreg $0x68000  }
0xb0: {  	[dreg:$0x4] =	wrdreg $0x9  }
0xb1: {  	_ =	task.clear_ibuf [dreg:s6], $0x5FFFF;
	_ =	strace $0x90000046  }
0xb2: {  	s29 =	simm.s32 $0x9;
	_ =	strace $0x80000048  }
0xb3: {  	_ =	swait.ge [sflag:s29], $0x1  }
0xb4: {  	[sflag:s29] =	ssyncadd.s32 $0xFFFFFFFF  }
0xb5: {  	_ =	strace $0x90000048  }
0xb6: {  	_ =	sfence  }
0xb7: {  	s30 =	sld [smem:$0x0];
	_ =	sdelay $0x2  }
0xb8: {  	s31 =	sshll.u32 s1, $0xD;
	s1 =	sshrl.u32 s1, $0x2  }
0xb9: {  	s3 =	sand.u32 $0x4000, s31;
	s1 =	sadd.s32 s1, s30  }
0xba: {  	s0 =	sor.u32 s3, s0;
	s1 =	sshll.u32 s1, $0x11  }
0xbb: {  	s0 =	sor.u32 s1, s0  }
0xbc: {  	s0 =	sadd.s32 $0x8F2B, s0  }
0xbd: {  	[sflag:s0] =	ssyncadd.remote.s32 $0x1  }
0xbe: {  	_ =	sfence.sel $0xFFFF  }
0xbf: {  	[dreg:$0x0] =	wrdreg $0xFFFFFFFF;
	(pc) =	sbr.abs _section_cstart, $3  }
0xc0: {  	[dreg:$0x1] =	wrdreg $0xFFFFFFFF  }
0xc1: {  	_ =	task.clear_ibuf [dreg:s6], $0x2FFFF;
	_ =	strace $0x9FFFFFFF  }
0xc2: {  	(tm) =	ssettm $0x7FFFFFFF  }
0xc3: {  	_ =	shalt  }
tec
execute0_lowered:
.L_overlay_start_1:
0x0: {  	(tag) =	ssettag $0x1  }
0x1: {  	s6 =	rddreg [dreg:$0x0]  }
0x2: {  	s1 =	rddreg [dreg:$0x1]  }
0x3: {  	s2 =	srdreg.scid;
	s0 =	rddreg [dreg:$0x2]  }
0x4: {  	s3 =	simm.s32 $0x0;
	s13 =	simm.s32 $0x50;
	s14 =	simm.s32 $0x80  }
0x5: {  	s15 =	simm.s32 $0x100;
	s16 =	simm.s32 $0x180;
	s17 =	simm.s32 $0x1  }
0x6: {  	s18 =	simm.s32 $0x0;
	s7 =	sand.u32 $0x1, s2;
	s2 =	stileid.u32  }
0x7: {  	[smem:$0x7FF] =	sst s3;
	s5 =	smul.u32 $0x140000, s7;
	s4 =	sshll.u32 s2, $0xB  }
0x8: {  	s8 =	smul.u32 $0x14000, s2;
	_ =	strace $0x80000047;
	s29 =	ssub.s32 $0x2, s7  }
0x9: {  	s12 =	smul.u32 $0x50000, s2;
	s31 =	sshll.u32 s2, $0x6;
	s7 =	sshll.u32 s7, $0xF  }
0xa: {  	s9 =	sadd.s32 s4, s6;
	s4 =	sadd.s32 $0x17000, s6;
	s11 =	sshrl.u32 s29, $0x1  }
0xb: {  	s5 =	sadd.s32 s8, s5;
	s11 =	ssub.s32 s29, s11;
	s30 =	sshrl.u32 s12, $0x2  }
0xc: {  	s7 =	sadd.s32 s7, s9;
	s10 =	sshrl.u32 s5, $0x3;
	s5 =	sadd.s32 $0x14800, s6  }
0xd: {  	s12 =	sadd.s32 s30, s1;
	s7 =	sadd.s32 $0x4800, s7;
	s9 =	smax.u32 s11, $0x1  }
0xe: {  	s11 =	simm.s32 $0x2;
	s10 =	sadd.s32 s10, s6;
	s6 =	sor.u32 $0x1C02, s31  }
0xf: {  	s8 =	sadd.s32 $0x17600, s10;
	s10 =	sshrl.u32 s12, $0x3;
	s12 =	simm.s32 $0x4000  }
.LBB2_1:
0x10: {  	[spmem:s10], [sflag:s6] =	dma.local [hbm:s5], $0x2800  }
0x11: {  	_ =	swait.ge [sflag:s11], $0x2800  }
0x12: {  	[sflag:s11] =	ssyncset.done $0x0  }
0x13: {  	[sflag:s11] =	ssyncadd.s32 $0xFFFFD800  }
0x14: {  	[tilespmem:s3], [sflag:$0x2] =	stream.linear.gather [hbm4b:s7+s3], $0x3E80, $0x38;
	[tilespmem:$0x1A800] =	vst v63  }
0x15: {  	_ =	swait.ge [sflag:s11], $0x3E80  }
0x16: {  	[sflag:s11] =	ssyncset.done $0x0  }
0x17: {  	[sflag:s11] =	ssyncadd.s32 $0xFFFFC180  }
0x18: {  	[tilespmem:s12], [sflag:$0x2] =	stream.linear.gather [hbm4b:s4+s3], $0x2800, $0x38;
	[tilespmem:$0x1A800] =	vst v63  }
0x19: {  	_ =	swait.ge [sflag:s11], $0x2800  }
0x1a: {  	[sflag:s11] =	ssyncset.done $0x0  }
0x1b: {  	[sflag:s11] =	ssyncadd.s32 $0xFFFFD800  }
0x1c: {  	[bflag:$0x0] =	sbarrier.arrive $0xFFFF  }
0x1d: {  	[spmem:s1] =	stream.indirect.scatter.add.f32 [tilespmem:s12], [sflag:$0x1], $0x80, s3, s13, $0xb8;
	[tilespmem:$0x1A800] =	vst v63  }
0x1e: {  	_ = 	snop  }
0x1f: {  	[spmem:s1] =	stream.indirect.scatter.add.f32 [tilespmem:s12], [sflag:$0x1], $0x80, s14, s13, $0xb8;
	[tilespmem:$0x1A800] =	vst v63  }
0x20: {  	_ = 	snop  }
0x21: {  	[spmem:s1] =	stream.indirect.scatter.add.f32 [tilespmem:s12], [sflag:$0x1], $0x80, s15, s13, $0xb8;
	[tilespmem:$0x1A800] =	vst v63  }
0x22: {  	_ = 	snop  }
0x23: {  	[spmem:s1] =	stream.indirect.scatter.add.f32 [tilespmem:s12], [sflag:$0x1], $0x80, s16, s13, $0xb8;
	[tilespmem:$0x1A800] =	vst v63  }
0x24: {  	_ =	swait.ge [sflag:s17], $0x2800  }
0x25: {  	[sflag:s17] =	ssyncset.done $0x0  }
0x26: {  	s19 =	simm.s32 $0xA00;
	s20 =	simm.s32 $0x200;
	[sflag:s17] =	ssyncadd.s32 $0xFFFFD800  }
.LBB2_2:
0x27: {  	[spmem:s1] =	stream.indirect.scatter.add.f32 [tilespmem:s12], [sflag:$0x1], $0x80, s20, s13, $0xb8;
	[tilespmem:$0x1A800] =	vst v63  }
0x28: {  	s20 =	smov.u32 s19;
	p0 =	sne.s32 s19, $0xF800  }
.Ltmp0:
0x29: {  	s19 =	sadd.s32 $0x200, s19;
	(pc) =	sbr.rel @p0 .LBB2_2-.Ltmp0, $4  }
0x2a: {  	_ = 	snop  }
0x2b: {  	_ =	swait.ge [sflag:s17], $0x2800  }
0x2c: {  	[sflag:s17] =	ssyncset.done $0x0  }
0x2d: {  	s20 =	sshra.s32 s20, $0x2;
	[sflag:s17] =	ssyncadd.s32 $0xFFFFD800  }
0x2e: {  	[spmem:s1] =	stream.indirect.scatter.add.f32 [tilespmem:s12], [sflag:$0x1], $0x80, s20, s13, $0xb8;
	[tilespmem:$0x1A800] =	vst v63  }
0x2f: {  	_ =	swait.ge [sflag:s17], $0x2800  }
0x30: {  	[sflag:s17] =	ssyncset.done $0x0  }
0x31: {  	[sflag:s17] =	ssyncadd.s32 $0xFFFFD800  }
0x32: {  	_ =	swait.ge [sflag:s17], $0x2800  }
0x33: {  	[sflag:s17] =	ssyncset.done $0x0  }
0x34: {  	[sflag:s17] =	ssyncadd.s32 $0xFFFFD800  }
0x35: {  	_ =	swait.ge [sflag:s17], $0x2800  }
0x36: {  	[sflag:s17] =	ssyncset.done $0x0  }
0x37: {  	[sflag:s17] =	ssyncadd.s32 $0xFFFFD800  }
0x38: {  	_ =	swait.ge [sflag:s17], $0x2800  }
0x39: {  	s18 =	sadd.s32 $0x1, s18;
	[sflag:s17] =	ssyncset.done $0x0  }
0x3a: {  	p0 =	sne.s32 s18, s9;
	[sflag:s17] =	ssyncadd.s32 $0xFFFFD800  }
.Ltmp1:
0x3b: {  	[bflag:$0x0] =	sbarrier.arrive $0xFFFF;
	(pc) =	sbr.rel @p0 .LBB2_1-.Ltmp1, $4  }
0x3c: {  	[hbm:s8], [sflag:s6] =	dma.local [spmem:s10], $0x2800  }
0x3d: {  	_ =	swait.ge [sflag:s11], $0x2800  }
0x3e: {  	[sflag:s11] =	ssyncset.done $0x0  }
0x3f: {  	[sflag:s11] =	ssyncadd.s32 $0xFFFFD800  }
0x40: {  	_ =	sfence.sel $0x180000  }
0x41: {  	[bflag:$0x0] =	sbarrier.arrive $0xFFFF  }
0x42: {  	p0 =	sne.s32 s2, $0x0;
	_ =	strace $0x90000047  }
0x43: {  	s0 =	sadd.s32 @!p0 $0x100000, s0;
	[bflag:$0x2] =	sbarrier.arrive $0xFFFF  }
0x44: {  	[sflag:s0] =	ssyncadd.tile.s32 @!p0 $0x1;
	_ =	shalt  }
.Lfunc_end2:
_tile_overlayer_lowered:
.L_overlay_start_2:
0x45: {  	(tag) =	ssettag $0x2  }
0x46: {  	s0 =	rddreg [dreg:$0x0];
	s2 =	stileid.u32  }
0x47: {  	s1 =	rddreg [dreg:$0x1];
	p0 =	sne.s32 s2, $0x0  }
0x48: {  	s3 =	rddreg [dreg:$0x2];
	[bflag:$0x3] =	sbarrier.arrive $0xFFFF;
	s2 =	simm.s32 @!p0 $0x1C02  }
0x49: {  	[timem:s3], [sflag:s2] =	dma.local @!p0 [hbm:s0], s1  }
0x4a: {  	s0 =	simm.s32 @!p0 $0x2  }
0x4b: {  	_ =	swait.ge @!p0 [sflag:s0], s1  }
0x4c: {  	s1 =	ssub.s32 @!p0 $0x0, s1;
	[sflag:s0] =	ssyncset.done @!p0 $0x0  }
0x4d: {  	[sflag:s0] =	ssyncadd.s32 @!p0 s1  }
0x4e: {  	[bflag:$0x3] =	sbarrier.arrive $0xFFFF  }
0x4f: {  	_ =	shalt  }

// kernel: kernel.13.cloned.1.call-start
scs
__scs_entry_jumppad:
0x0: {  	(pc) =	sbr.rel $0x88, $3  }
0x1: {  	(tag) =	ssettag $0x0;
	lr =	simm.s32 $0x1  }
0x2: {  	[smem:$0x3F8A] =	sst lr;
	_ =	strace $0xD0000000  }
0x3: {  	_ = 	snop  }
0x4: {  	_ = 	snop  }
0x5: {  	_ = 	snop  }
0x6: {  	_ = 	snop  }
0x7: {  	_ = 	snop  }
__scs_overlays_trampoline_lowered:
0x8: {  	[smem:$0x3F99] =	sst s0  }
0x9: {  	[smem:$0x3F9A] =	sst s1  }
0xa: {  	[smem:$0x3F9B] =	sst s2  }
0xb: {  	[smem:$0x3F9C] =	sst s3  }
0xc: {  	[smem:$0x3F9D] =	sst s4  }
0xd: {  	[smem:$0x3F9E] =	sst s5  }
0xe: {  	[smem:$0x3F9F] =	sst s6  }
0xf: {  	[smem:$0x3FA0] =	sst s7  }
0x10: {  	[smem:$0x3FA1] =	sst s8  }
0x11: {  	[smem:$0x3FA2] =	sst s9;
	s0 =	simm.s32 @!p0 $0x0  }
0x12: {  	s1 =	sld [smem:$0x3F88];
	s0 =	simm.s32 @p0 $0x1  }
0x13: {  	[smem:$0x3FA3] =	sst s0;
	s0 =	simm.s32 @!p1 $0x0  }
0x14: {  	s2 =	sld [smem:$0x3F87];
	s0 =	simm.s32 @p1 $0x1  }
0x15: {  	[smem:$0x3FA4] =	sst s0;
	s0 =	simm.s32 @!p2 $0x0  }
0x16: {  	s3 =	sld [smem:$0x3FDB];
	s0 =	simm.s32 @p2 $0x1  }
0x17: {  	s4 =	simm.s32 $0x1BF5;
	[smem:$0x3FA6] =	sst s0  }
0x18: {  	s0 =	sld [smem:$0x3F89];
	_ =	swait.ge [sflag:s4], $0x0  }
0x19: {  	s7 =	sld [smem:$0x3F8A]  }
0x1a: {  	s8 =	sadd.s32 $0xFFFFE003, lr  }
0x1b: {  	s9 =	sadd.s32 $0xFFFFFEF7, lr;
	s5 =	simm.s32 $0xFFFFFFFF;
	p2 =	slt.u32 s8, $0xFFFFF086  }
0x1c: {  	p1 =	slt.u32 s9, $0xF7A;
	s5 =	simm.s32 @!p2 $0x0  }
0x1d: {  	s5 =	simm.s32 @p1 $0x1;
	p0 =	seq.s32 s7, s2  }
0x1e: {  	s7 =	smul.u32 @!p0 $0xF7A, s2;
	p2 =	seq.s32 @!p0 s5, $0x0  }
0x1f: {  	s9 =	smul.u32 $0xF7A, s1;
	s8 =	simm.s32 @!p0 $0x1BF5;
	p2 =	por !p2, p0  }
0x20: {  	[sflag:s8] =	ssyncset.s32 @!p0 $0xFFFFF086;
	s6 =	sadd.s32 @!p0 s3, s7;
	s7 =	simm.s32 @!p0 $0x108  }
0x21: {  	s3 =	sadd.s32 s3, s9;
	s6 =	sadd.s32 @!p0 $0x88, s6;
	s7 =	simm.s32 @p2 $0x1082  }
0x22: {  	[simem:s7], [sflag:s8] =	dma.local @!p0 [hbm:s6], $0xF7A  }
0x23: {  	s9 =	sor.u32 $0xD0000000, s2;
	s6 =	simm.s32 $0x108;
	_ =	swait.ge @!p0 [sflag:s8], $0x0  }
0x24: {  	s3 =	sadd.s32 $0x88, s3;
	s6 =	simm.s32 @!p1 $0x1082;
	[sflag:s4] =	ssyncset.s32 $0xFFFFF086  }
0x25: {  	[simem:s6], [sflag:s4] =	dma.local [hbm:s3], $0xF7A  }
0x26: {  	[smem:$0x3F8A] =	sst s1;
	(tag) =	ssettag s2;
	_ =	strace s9  }
0x27: {  	s1 =	sld [smem:$0x3F9A]  }
0x28: {  	s2 =	sld [smem:$0x3F9B]  }
0x29: {  	s4 =	sld [smem:$0x3F9D]  }
0x2a: {  	p0 =	seq.s32 s5, $0x0;
	s5 =	sld [smem:$0x3F9E]  }
0x2b: {  	s6 =	sld [smem:$0x3F9F]  }
0x2c: {  	s7 =	sld [smem:$0x3FA0]  }
0x2d: {  	s3 =	simm.s32 $0x108;
	s8 =	sld [smem:$0x3FA1]  }
0x2e: {  	s3 =	simm.s32 @!p0 $0x1082;
	s9 =	sld [smem:$0x3FA2]  }
0x2f: {  	lr =	sadd.s32 s0, s3;
	s0 =	sld [smem:$0x3F99]  }
0x30: {  	s3 =	sld [smem:$0x3F9C]  }
0x31: {  	[smem:$0x3FA5] =	sst s10  }
0x32: {  	s10 =	sld [smem:$0x3FA3];
	_ =	sdelay $0x3  }
0x33: {  	p0 =	seq.s32 s10, $0x1;
	s10 =	sld [smem:$0x3FA5];
	_ =	sdelay $0x3  }
0x34: {  	[smem:$0x3FA5] =	sst s10  }
0x35: {  	s10 =	sld [smem:$0x3FA4];
	_ =	sdelay $0x3  }
0x36: {  	p1 =	seq.s32 s10, $0x1;
	s10 =	sld [smem:$0x3FA5];
	_ =	sdelay $0x3  }
0x37: {  	[smem:$0x3FA5] =	sst s10  }
0x38: {  	s10 =	sld [smem:$0x3FA6]  }
0x39: {  	_ = 	snop;
	(pc) =	sbr.ind lr, $3  }
0x3a: {  	_ = 	snop  }
0x3b: {  	_ = 	snop  }
0x3c: {  	p2 =	seq.s32 s10, $0x1;
	s10 =	sld [smem:$0x3FA5]  }
0x3d: {  	_ =	shalt  }
0x3e: {  	_ =	shalt  }
0x3f: {  	_ =	shalt  }
0x40: {  	_ =	shalt  }
0x41: {  	_ =	shalt  }
0x42: {  	_ =	shalt  }
0x43: {  	_ =	shalt  }
0x44: {  	_ =	shalt  }
0x45: {  	_ =	shalt  }
0x46: {  	_ =	shalt  }
0x47: {  	_ =	shalt  }
0x48: {  	_ =	shalt  }
0x49: {  	_ =	shalt  }
0x4a: {  	_ =	shalt  }
0x4b: {  	_ =	shalt  }
0x4c: {  	_ =	shalt  }
0x4d: {  	_ =	shalt  }
0x4e: {  	_ =	shalt  }
0x4f: {  	_ =	shalt  }
0x50: {  	_ =	shalt  }
0x51: {  	_ =	shalt  }
0x52: {  	_ =	shalt  }
0x53: {  	_ =	shalt  }
0x54: {  	_ =	shalt  }
0x55: {  	_ =	shalt  }
0x56: {  	_ =	shalt  }
0x57: {  	_ =	shalt  }
0x58: {  	_ =	shalt  }
0x59: {  	_ =	shalt  }
0x5a: {  	_ =	shalt  }
0x5b: {  	_ =	shalt  }
0x5c: {  	_ =	shalt  }
0x5d: {  	_ =	shalt  }
0x5e: {  	_ =	shalt  }
0x5f: {  	_ =	shalt  }
0x60: {  	_ =	shalt  }
0x61: {  	_ =	shalt  }
0x62: {  	_ =	shalt  }
0x63: {  	_ =	shalt  }
0x64: {  	_ =	shalt  }
0x65: {  	_ =	shalt  }
0x66: {  	_ =	shalt  }
0x67: {  	_ =	shalt  }
0x68: {  	_ =	shalt  }
0x69: {  	_ =	shalt  }
0x6a: {  	_ =	shalt  }
0x6b: {  	_ =	shalt  }
0x6c: {  	_ =	shalt  }
0x6d: {  	_ =	shalt  }
0x6e: {  	_ =	shalt  }
0x6f: {  	_ =	shalt  }
0x70: {  	_ =	shalt  }
0x71: {  	_ =	shalt  }
0x72: {  	_ =	shalt  }
0x73: {  	_ =	shalt  }
0x74: {  	_ =	shalt  }
0x75: {  	_ =	shalt  }
0x76: {  	_ =	shalt  }
0x77: {  	_ =	shalt  }
0x78: {  	_ =	shalt  }
0x79: {  	_ =	shalt  }
0x7a: {  	_ =	shalt  }
0x7b: {  	_ =	shalt  }
0x7c: {  	_ =	shalt  }
0x7d: {  	_ =	shalt  }
0x7e: {  	_ =	shalt  }
0x7f: {  	_ =	shalt  }
0x80: {  	_ =	shalt  }
0x81: {  	_ =	shalt  }
0x82: {  	_ =	shalt  }
0x83: {  	_ =	shalt  }
0x84: {  	_ =	shalt  }
0x85: {  	_ =	shalt  }
0x86: {  	_ =	shalt  }
0x87: {  	_ =	shalt  }
.Lfunc_end0:
.L_simem_size_0:
called_computation.1_lowered:
.L_overlay_start_0:
0x88: {  	s2 =	sld [smem:$0x3FD9]  }
0x89: {  	s3 =	sld [smem:$0x3FFE];
	_ =	sdelay $0x1  }
0x8a: {  	s1 =	srdreg.scid  }
0x8b: {  	s0 =	sand.u32 $0x1, s1  }
0x8c: {  	s16 =	sshll.u32 s0, $0xA;
	s2 =	sadd.s32 s3, s2  }
0x8d: {  	s2 =	sadd.s32 s2, s16  }
0x8e: {  	[smem:$0x3FB1] =	sst s2  }
0x8f: {  	_ = 	snop  }
0x90: {  	(tm) =	ssettm $0x1  }
0x91: {  	s17 =	sld [smem:$0x3FFB];
	_ =	sdelay $0x3  }
0x92: {  	_ =	strace s17  }
0x93: {  	s2 =	sld [smem:$0x3FFC];
	_ =	sdelay $0x3  }
0x94: {  	_ =	strace s2  }
0x95: {  	s2 =	sld [smem:$0x3FFD];
	_ =	sdelay $0x3  }
0x96: {  	_ =	strace s2  }
0x97: {  	_ =	strace $0x8FFFFFFF  }
0x98: {  	s18 =	sld [smem:$0x3FDB];
	_ =	sdelay $0x1  }
0x99: {  	s19 =	simm.s32 $_scs_section_size  }
0x9a: {  	s4 =	simm.s32 $_size__tile_overlayer_lowered;
	s5 =	simm.s32 $_tile_overlayer_lowered  }
0x9b: {  	s22 =	simm.s32 $0x1BFF;
	s21 =	sshll.u32 s5, $0x1;
	s2 =	sadd.s32 s19, s18  }
0x9c: {  	s6 =	simm.s32 $0x0;
	s20 =	sshll.u32 s4, $0x1;
	s4 =	sadd.s32 s21, s2  }
0x9d: {  	[timem:s6], [sflag:s22] =	dma.local [hbm:s4], s20  }
0x9e: {  	_ =	swait.ge [sflag:s22], s20  }
0x9f: {  	s3 =	ssub.s32 $0x0, s20;
	[sflag:s22] =	ssyncset.done $0x0  }
0xa0: {  	[sflag:s22] =	ssyncadd.s32 s3;
	_ =	sdelay $0x1  }
0xa1: {  	s23 =	simm.s32 $0x1B8B  }
0xa2: {  	_ =	swait.ge [sflag:s23], $0x1  }
0xa3: {  	[sflag:s23] =	ssyncset.done $0x0  }
0xa4: {  	s25 =	simm.s32 $0x1B8E;
	s24 =	sld [smem:$0x3FFE];
	[sflag:s23] =	ssyncadd.s32 $0xFFFFFFFF  }
0xa5: {  	s26 =	simm.s32 $execute0_lowered;
	[smem:$0x3FD2] =	sst s25  }
0xa6: {  	s4 =	sshll.u32 s26, $0x1;
	_ =	strace $0x80000049;
	[dreg:$0x1] =	wrdreg $0xFFFFFFFF  }
0xa7: {  	s28 =	simm.s32 $_size_execute0_lowered;
	s2 =	sadd.s32 s2, s4;
	[dreg:$0x0] =	wrdreg $0x0  }
0xa8: {  	s4 =	sshll.u32 s28, $0x1;
	[dreg:$0x2] =	wrdreg s2  }
0xa9: {  	[dreg:$0x3] =	wrdreg s4  }
0xaa: {  	[dreg:$0x4] =	wrdreg $0xC0  }
0xab: {  	_ =	task [dreg:s6], $0x5FFFF  }
0xac: {  	[dreg:$0x1] =	wrdreg $0xFFFFFFFF  }
0xad: {  	[dreg:$0x0] =	wrdreg $0x60  }
0xae: {  	[dreg:$0x2] =	wrdreg s24  }
0xaf: {  	[dreg:$0x3] =	wrdreg $0x70000  }
0xb0: {  	[dreg:$0x4] =	wrdreg $0x9  }
0xb1: {  	_ =	task.clear_ibuf [dreg:s6], $0x5FFFF;
	_ =	strace $0x90000049  }
0xb2: {  	s29 =	simm.s32 $0x9;
	_ =	strace $0x8000004B  }
0xb3: {  	_ =	swait.ge [sflag:s29], $0x1  }
0xb4: {  	[sflag:s29] =	ssyncadd.s32 $0xFFFFFFFF  }
0xb5: {  	_ =	strace $0x9000004B  }
0xb6: {  	_ =	sfence  }
0xb7: {  	s30 =	sld [smem:$0x0];
	_ =	sdelay $0x2  }
0xb8: {  	s31 =	sshll.u32 s1, $0xD;
	s1 =	sshrl.u32 s1, $0x2  }
0xb9: {  	s3 =	sand.u32 $0x4000, s31;
	s1 =	sadd.s32 s1, s30  }
0xba: {  	s0 =	sor.u32 s3, s0;
	s1 =	sshll.u32 s1, $0x11  }
0xbb: {  	s0 =	sor.u32 s1, s0  }
0xbc: {  	s0 =	sadd.s32 $0x8F2B, s0  }
0xbd: {  	[sflag:s0] =	ssyncadd.remote.s32 $0x1  }
0xbe: {  	_ =	sfence.sel $0xFFFF  }
0xbf: {  	[dreg:$0x0] =	wrdreg $0xFFFFFFFF;
	(pc) =	sbr.abs _section_cstart, $3  }
0xc0: {  	[dreg:$0x1] =	wrdreg $0xFFFFFFFF  }
0xc1: {  	_ =	task.clear_ibuf [dreg:s6], $0x2FFFF;
	_ =	strace $0x9FFFFFFF  }
0xc2: {  	(tm) =	ssettm $0x7FFFFFFF  }
0xc3: {  	_ =	shalt  }
tec
execute0_lowered:
.L_overlay_start_1:
0x0: {  	(tag) =	ssettag $0x1  }
0x1: {  	s8 =	rddreg [dreg:$0x0]  }
0x2: {  	s1 =	rddreg [dreg:$0x1]  }
0x3: {  	s2 =	srdreg.scid;
	s0 =	rddreg [dreg:$0x2]  }
0x4: {  	s3 =	simm.s32 $0x0;
	s15 =	simm.s32 $0x50;
	s16 =	simm.s32 $0x2000  }
0x5: {  	s17 =	simm.s32 $0x80;
	s18 =	simm.s32 $0x4800;
	s19 =	simm.s32 $0x1  }
0x6: {  	s20 =	simm.s32 $0x2;
	s21 =	simm.s32 $0x1080;
	s22 =	simm.s32 $0x3  }
0x7: {  	s23 =	simm.s32 $0x4;
	s24 =	simm.s32 $0xC00;
	s25 =	simm.s32 $0x1C00  }
0x8: {  	s9 =	sand.u32 $0x1, s2;
	s2 =	stileid.u32;
	[smem:$0x7FF] =	sst s3  }
0x9: {  	s4 =	sadd.s32 $0x17000, s8;
	s5 =	sadd.s32 $0x7B600, s8;
	s7 =	smul.u32 $0x140000, s9  }
0xa: {  	s6 =	sadd.s32 $0x67600, s8;
	s10 =	smul.u32 $0x14000, s2;
	_ =	strace $0x8000004A  }
0xb: {  	s26 =	ssub.s32 $0x2, s9;
	s13 =	smul.u32 $0x50000, s2;
	s28 =	sshll.u32 s9, $0x4  }
0xc: {  	s30 =	sshll.u32 s2, $0x6;
	s12 =	sshrl.u32 s26, $0x1;
	s31 =	sor.u32 s2, s28  }
0xd: {  	s7 =	sadd.s32 s10, s7;
	s12 =	ssub.s32 s26, s12;
	s29 =	sshrl.u32 s13, $0x2  }
0xe: {  	s9 =	smul.u32 $0x5000, s31;
	s13 =	simm.s32 $0x5;
	s11 =	sshrl.u32 s7, $0x3  }
0xf: {  	s26 =	simm.s32 $0x0;
	s7 =	sadd.s32 $0x14800, s8;
	s11 =	sadd.s32 s11, s8  }
0x10: {  	s14 =	sadd.s32 s29, s1;
	s8 =	sor.u32 $0x1C05, s30;
	s10 =	sadd.s32 $0x8F600, s11  }
0x11: {  	s11 =	smax.u32 s12, $0x1;
	s12 =	sshrl.u32 s14, $0x3;
	s14 =	simm.s32 $0x1000  }
.LBB2_1:
0x12: {  	[spmem:s12], [sflag:s8] =	dma.local [hbm:s7], $0x2800  }
0x13: {  	_ =	swait.ge [sflag:s13], $0x2800  }
0x14: {  	[sflag:s13] =	ssyncset.done $0x0  }
0x15: {  	[sflag:s13] =	ssyncadd.s32 $0xFFFFD800  }
0x16: {  	s28 =	simm.s32 $0x0;
	[bflag:$0x0] =	sbarrier.arrive $0xFFFF  }
.LBB2_2:
0x17: {  	s29 =	sshll.u32 s28, $0xC  }
0x18: {  	s29 =	sadd.s32 s9, s29  }
0x19: {  	s29 =	sshrl.u32 s29, $0x3  }
0x1a: {  	s30 =	sadd.s32 s5, s29  }
0x1b: {  	[tilespmem:s3], [sflag:$0x5] =	stream.linear.gather [hbm4b:s30+s3], $0xC80, $0x38;
	[tilespmem:$0x1B000] =	vst v63  }
0x1c: {  	_ =	swait.ge [sflag:s13], $0xC80  }
0x1d: {  	[sflag:s13] =	ssyncset.done $0x0  }
0x1e: {  	s29 =	sadd.s32 s6, s29;
	[sflag:s13] =	ssyncadd.s32 $0xFFFFF380  }
0x1f: {  	[tilespmem:s14], [sflag:$0x5] =	stream.linear.gather [hbm4b:s29+s3], $0xC80, $0x38;
	[tilespmem:$0x1B000] =	vst v63  }
0x20: {  	_ =	swait.ge [sflag:s13], $0xC80  }
0x21: {  	[sflag:s13] =	ssyncset.done $0x0  }
0x22: {  	[sflag:s13] =	ssyncadd.s32 $0xFFFFF380  }
0x23: {  	[tilespmem:s16], [sflag:$0x1] =	stream.indirect.gather [hbm4b:s4+s15], $0x80, s3, s15, $0xb8;
	[tilespmem:$0x1B000] =	vst v63  }
0x24: {  	_ = 	snop  }
0x25: {  	[tilespmem:s18], [sflag:$0x2] =	stream.indirect.gather [hbm4b:s4+s15], $0x80, s17, s15, $0xb8;
	[tilespmem:$0x1B000] =	vst v63  }
0x26: {  	_ =	swait.ge [sflag:s19], $0x2800  }
0x27: {  	[sflag:s19] =	ssyncset.done $0x0  }
0x28: {  	[sflag:s19] =	ssyncadd.s32 $0xFFFFD800  }
0x29: {  	[spmem:s1] =	stream.indirect.scatter.add.f32 [tilespmem:s16], [sflag:$0x3], $0x80, s14, s15, $0xb8;
	[tilespmem:$0x1B000] =	vst v63  }
0x2a: {  	_ =	swait.ge [sflag:s20], $0x2800  }
0x2b: {  	[sflag:s20] =	ssyncset.done $0x0  }
0x2c: {  	[sflag:s20] =	ssyncadd.s32 $0xFFFFD800  }
0x2d: {  	[spmem:s1] =	stream.indirect.scatter.add.f32 [tilespmem:s18], [sflag:$0x4], $0x80, s21, s15, $0xb8;
	[tilespmem:$0x1B000] =	vst v63  }
0x2e: {  	_ =	swait.ge [sflag:s22], $0x2800  }
0x2f: {  	[sflag:s22] =	ssyncset.done $0x0  }
0x30: {  	s29 =	simm.s32 $0x100;
	[sflag:s22] =	ssyncadd.s32 $0xFFFFD800  }
0x31: {  	[tilespmem:s16], [sflag:$0x1] =	stream.indirect.gather [hbm4b:s4+s15], $0x80, s29, s15, $0xb8;
	[tilespmem:$0x1B000] =	vst v63  }
0x32: {  	_ =	swait.ge [sflag:s23], $0x2800  }
0x33: {  	[sflag:s23] =	ssyncset.done $0x0  }
0x34: {  	s29 =	simm.s32 $0x180;
	[sflag:s23] =	ssyncadd.s32 $0xFFFFD800  }
0x35: {  	[tilespmem:s18], [sflag:$0x2] =	stream.indirect.gather [hbm4b:s4+s15], $0x80, s29, s15, $0xb8;
	[tilespmem:$0x1B000] =	vst v63  }
0x36: {  	_ =	swait.ge [sflag:s19], $0x2800  }
0x37: {  	[sflag:s19] =	ssyncset.done $0x0  }
0x38: {  	s29 =	simm.s32 $0x1100;
	[sflag:s19] =	ssyncadd.s32 $0xFFFFD800  }
0x39: {  	[spmem:s1] =	stream.indirect.scatter.add.f32 [tilespmem:s16], [sflag:$0x3], $0x80, s29, s15, $0xb8;
	[tilespmem:$0x1B000] =	vst v63  }
0x3a: {  	_ =	swait.ge [sflag:s20], $0x2800  }
0x3b: {  	[sflag:s20] =	ssyncset.done $0x0  }
0x3c: {  	s30 =	simm.s32 $0x1180;
	s29 =	simm.s32 $0xFFFFD800;
	[sflag:s20] =	ssyncadd.s32 $0xFFFFD800  }
.LBB2_3:
0x3d: {  	[spmem:s1] =	stream.indirect.scatter.add.f32 [tilespmem:s18], [sflag:$0x4], $0x80, s30, s15, $0xb8;
	[tilespmem:$0x1B000] =	vst v63  }
0x3e: {  	s30 =	smov.u32 s29  }
0x3f: {  	p0 =	sne.s32 s29, $0xFFFFFC00;
	s29 =	sadd.s32 $0x400, s29;
	_ =	swait.ge [sflag:s22], $0x2800  }
0x40: {  	s30 =	sshra.s32 s30, $0x2;
	[sflag:s22] =	ssyncset.done $0x0  }
0x41: {  	s31 =	sadd.s32 $0xC00, s30;
	[sflag:s22] =	ssyncadd.s32 $0xFFFFD800  }
0x42: {  	[tilespmem:s16], [sflag:$0x1] =	stream.indirect.gather [hbm4b:s4+s15], $0x80, s31, s15, $0xb8;
	[tilespmem:$0x1B000] =	vst v63  }
0x43: {  	_ =	swait.ge [sflag:s23], $0x2800  }
0x44: {  	[sflag:s23] =	ssyncset.done $0x0  }
0x45: {  	s31 =	sadd.s32 $0xC80, s30;
	[sflag:s23] =	ssyncadd.s32 $0xFFFFD800  }
0x46: {  	[tilespmem:s18], [sflag:$0x2] =	stream.indirect.gather [hbm4b:s4+s15], $0x80, s31, s15, $0xb8;
	[tilespmem:$0x1B000] =	vst v63  }
0x47: {  	_ =	swait.ge [sflag:s19], $0x2800  }
0x48: {  	[sflag:s19] =	ssyncset.done $0x0  }
.Ltmp0:
0x49: {  	s31 =	sadd.s32 $0x1C00, s30;
	[sflag:s19] =	ssyncadd.s32 $0xFFFFD800;
	(pc) =	sbr.rel @p0 .LBB2_3-.Ltmp0, $4  }
0x4a: {  	[spmem:s1] =	stream.indirect.scatter.add.f32 [tilespmem:s16], [sflag:$0x3], $0x80, s31, s15, $0xb8;
	[tilespmem:$0x1B000] =	vst v63  }
0x4b: {  	_ =	swait.ge [sflag:s20], $0x2800  }
0x4c: {  	[sflag:s20] =	ssyncset.done $0x0  }
0x4d: {  	s30 =	sadd.s32 $0x1C80, s30;
	[sflag:s20] =	ssyncadd.s32 $0xFFFFD800  }
0x4e: {  	[spmem:s1] =	stream.indirect.scatter.add.f32 [tilespmem:s18], [sflag:$0x4], $0x80, s30, s15, $0xb8;
	[tilespmem:$0x1B000] =	vst v63  }
0x4f: {  	_ =	swait.ge [sflag:s22], $0x2800  }
0x50: {  	[sflag:s22] =	ssyncset.done $0x0  }
0x51: {  	[sflag:s22] =	ssyncadd.s32 $0xFFFFD800  }
0x52: {  	[tilespmem:s16], [sflag:$0x1] =	stream.indirect.gather [hbm4b:s4+s15], $0x80, s24, s15, $0xb8;
	[tilespmem:$0x1B000] =	vst v63  }
0x53: {  	_ =	swait.ge [sflag:s19], $0x2800  }
0x54: {  	[sflag:s19] =	ssyncset.done $0x0  }
0x55: {  	s28 =	sadd.s32 $0x1, s28;
	[sflag:s19] =	ssyncadd.s32 $0xFFFFD800  }
0x56: {  	[spmem:s1] =	stream.indirect.scatter.add.f32 [tilespmem:s16], [sflag:$0x3], $0x80, s25, s15, $0xb8;
	[tilespmem:$0x1B000] =	vst v63  }
0x57: {  	p0 =	sne.s32 s28, $0x5;
	_ =	swait.ge [sflag:s23], $0x2800  }
.Ltmp1:
0x58: {  	[sflag:s23] =	ssyncset.done $0x0;
	(pc) =	sbr.rel @p0 .LBB2_2-.Ltmp1, $4  }
0x59: {  	[sflag:s23] =	ssyncadd.s32 $0xFFFFD800  }
0x5a: {  	_ =	swait.ge [sflag:s22], $0x2800  }
0x5b: {  	[sflag:s22] =	ssyncset.done $0x0  }
0x5c: {  	[sflag:s22] =	ssyncadd.s32 $0xFFFFD800  }
0x5d: {  	s26 =	sadd.s32 $0x1, s26  }
0x5e: {  	p0 =	sne.s32 s26, s11  }
.Ltmp2:
0x5f: {  	[bflag:$0x0] =	sbarrier.arrive $0xFFFF;
	(pc) =	sbr.rel @p0 .LBB2_1-.Ltmp2, $4  }
0x60: {  	[hbm:s10], [sflag:s8] =	dma.local [spmem:s12], $0x2800  }
0x61: {  	_ =	swait.ge [sflag:s13], $0x2800  }
0x62: {  	[sflag:s13] =	ssyncset.done $0x0  }
0x63: {  	[sflag:s13] =	ssyncadd.s32 $0xFFFFD800  }
0x64: {  	_ =	sfence.sel $0x180000  }
0x65: {  	[bflag:$0x0] =	sbarrier.arrive $0xFFFF  }
0x66: {  	p0 =	sne.s32 s2, $0x0;
	_ =	strace $0x9000004A  }
0x67: {  	s0 =	sadd.s32 @!p0 $0x100000, s0;
	[bflag:$0x2] =	sbarrier.arrive $0xFFFF  }
0x68: {  	[sflag:s0] =	ssyncadd.tile.s32 @!p0 $0x1;
	_ =	shalt  }
.Lfunc_end2:
_tile_overlayer_lowered:
.L_overlay_start_2:
0x69: {  	(tag) =	ssettag $0x2  }
0x6a: {  	s0 =	rddreg [dreg:$0x0];
	s2 =	stileid.u32  }
0x6b: {  	s1 =	rddreg [dreg:$0x1];
	p0 =	sne.s32 s2, $0x0  }
0x6c: {  	s3 =	rddreg [dreg:$0x2];
	[bflag:$0x3] =	sbarrier.arrive $0xFFFF;
	s2 =	simm.s32 @!p0 $0x1C05  }
0x6d: {  	[timem:s3], [sflag:s2] =	dma.local @!p0 [hbm:s0], s1  }
0x6e: {  	s0 =	simm.s32 @!p0 $0x5  }
0x6f: {  	_ =	swait.ge @!p0 [sflag:s0], s1  }
0x70: {  	s1 =	ssub.s32 @!p0 $0x0, s1;
	[sflag:s0] =	ssyncset.done @!p0 $0x0  }
0x71: {  	[sflag:s0] =	ssyncadd.s32 @!p0 s1  }
0x72: {  	[bflag:$0x3] =	sbarrier.arrive $0xFFFF  }
0x73: {  	_ =	shalt  }

// kernel: kernel.16.cloned.1.call-start
scs
__scs_entry_jumppad:
0x0: {  	(pc) =	sbr.rel $0x88, $3  }
0x1: {  	(tag) =	ssettag $0x0;
	lr =	simm.s32 $0x1  }
0x2: {  	[smem:$0x3F8A] =	sst lr;
	_ =	strace $0xD0000000  }
0x3: {  	_ = 	snop  }
0x4: {  	_ = 	snop  }
0x5: {  	_ = 	snop  }
0x6: {  	_ = 	snop  }
0x7: {  	_ = 	snop  }
__scs_overlays_trampoline_lowered:
0x8: {  	[smem:$0x3F99] =	sst s0  }
0x9: {  	[smem:$0x3F9A] =	sst s1  }
0xa: {  	[smem:$0x3F9B] =	sst s2  }
0xb: {  	[smem:$0x3F9C] =	sst s3  }
0xc: {  	[smem:$0x3F9D] =	sst s4  }
0xd: {  	[smem:$0x3F9E] =	sst s5  }
0xe: {  	[smem:$0x3F9F] =	sst s6  }
0xf: {  	[smem:$0x3FA0] =	sst s7  }
0x10: {  	[smem:$0x3FA1] =	sst s8  }
0x11: {  	[smem:$0x3FA2] =	sst s9;
	s0 =	simm.s32 @!p0 $0x0  }
0x12: {  	s1 =	sld [smem:$0x3F88];
	s0 =	simm.s32 @p0 $0x1  }
0x13: {  	[smem:$0x3FA3] =	sst s0;
	s0 =	simm.s32 @!p1 $0x0  }
0x14: {  	s2 =	sld [smem:$0x3F87];
	s0 =	simm.s32 @p1 $0x1  }
0x15: {  	[smem:$0x3FA4] =	sst s0;
	s0 =	simm.s32 @!p2 $0x0  }
0x16: {  	s3 =	sld [smem:$0x3FDB];
	s0 =	simm.s32 @p2 $0x1  }
0x17: {  	s4 =	simm.s32 $0x1BF5;
	[smem:$0x3FA6] =	sst s0  }
0x18: {  	s0 =	sld [smem:$0x3F89];
	_ =	swait.ge [sflag:s4], $0x0  }
0x19: {  	s7 =	sld [smem:$0x3F8A]  }
0x1a: {  	s8 =	sadd.s32 $0xFFFFE003, lr  }
0x1b: {  	s9 =	sadd.s32 $0xFFFFFEF7, lr;
	s5 =	simm.s32 $0xFFFFFFFF;
	p2 =	slt.u32 s8, $0xFFFFF086  }
0x1c: {  	p1 =	slt.u32 s9, $0xF7A;
	s5 =	simm.s32 @!p2 $0x0  }
0x1d: {  	s5 =	simm.s32 @p1 $0x1;
	p0 =	seq.s32 s7, s2  }
0x1e: {  	s7 =	smul.u32 @!p0 $0xF7A, s2;
	p2 =	seq.s32 @!p0 s5, $0x0  }
0x1f: {  	s9 =	smul.u32 $0xF7A, s1;
	s8 =	simm.s32 @!p0 $0x1BF5;
	p2 =	por !p2, p0  }
0x20: {  	[sflag:s8] =	ssyncset.s32 @!p0 $0xFFFFF086;
	s6 =	sadd.s32 @!p0 s3, s7;
	s7 =	simm.s32 @!p0 $0x108  }
0x21: {  	s3 =	sadd.s32 s3, s9;
	s6 =	sadd.s32 @!p0 $0x88, s6;
	s7 =	simm.s32 @p2 $0x1082  }
0x22: {  	[simem:s7], [sflag:s8] =	dma.local @!p0 [hbm:s6], $0xF7A  }
0x23: {  	s9 =	sor.u32 $0xD0000000, s2;
	s6 =	simm.s32 $0x108;
	_ =	swait.ge @!p0 [sflag:s8], $0x0  }
0x24: {  	s3 =	sadd.s32 $0x88, s3;
	s6 =	simm.s32 @!p1 $0x1082;
	[sflag:s4] =	ssyncset.s32 $0xFFFFF086  }
0x25: {  	[simem:s6], [sflag:s4] =	dma.local [hbm:s3], $0xF7A  }
0x26: {  	[smem:$0x3F8A] =	sst s1;
	(tag) =	ssettag s2;
	_ =	strace s9  }
0x27: {  	s1 =	sld [smem:$0x3F9A]  }
0x28: {  	s2 =	sld [smem:$0x3F9B]  }
0x29: {  	s4 =	sld [smem:$0x3F9D]  }
0x2a: {  	p0 =	seq.s32 s5, $0x0;
	s5 =	sld [smem:$0x3F9E]  }
0x2b: {  	s6 =	sld [smem:$0x3F9F]  }
0x2c: {  	s7 =	sld [smem:$0x3FA0]  }
0x2d: {  	s3 =	simm.s32 $0x108;
	s8 =	sld [smem:$0x3FA1]  }
0x2e: {  	s3 =	simm.s32 @!p0 $0x1082;
	s9 =	sld [smem:$0x3FA2]  }
0x2f: {  	lr =	sadd.s32 s0, s3;
	s0 =	sld [smem:$0x3F99]  }
0x30: {  	s3 =	sld [smem:$0x3F9C]  }
0x31: {  	[smem:$0x3FA5] =	sst s10  }
0x32: {  	s10 =	sld [smem:$0x3FA3];
	_ =	sdelay $0x3  }
0x33: {  	p0 =	seq.s32 s10, $0x1;
	s10 =	sld [smem:$0x3FA5];
	_ =	sdelay $0x3  }
0x34: {  	[smem:$0x3FA5] =	sst s10  }
0x35: {  	s10 =	sld [smem:$0x3FA4];
	_ =	sdelay $0x3  }
0x36: {  	p1 =	seq.s32 s10, $0x1;
	s10 =	sld [smem:$0x3FA5];
	_ =	sdelay $0x3  }
0x37: {  	[smem:$0x3FA5] =	sst s10  }
0x38: {  	s10 =	sld [smem:$0x3FA6]  }
0x39: {  	_ = 	snop;
	(pc) =	sbr.ind lr, $3  }
0x3a: {  	_ = 	snop  }
0x3b: {  	_ = 	snop  }
0x3c: {  	p2 =	seq.s32 s10, $0x1;
	s10 =	sld [smem:$0x3FA5]  }
0x3d: {  	_ =	shalt  }
0x3e: {  	_ =	shalt  }
0x3f: {  	_ =	shalt  }
0x40: {  	_ =	shalt  }
0x41: {  	_ =	shalt  }
0x42: {  	_ =	shalt  }
0x43: {  	_ =	shalt  }
0x44: {  	_ =	shalt  }
0x45: {  	_ =	shalt  }
0x46: {  	_ =	shalt  }
0x47: {  	_ =	shalt  }
0x48: {  	_ =	shalt  }
0x49: {  	_ =	shalt  }
0x4a: {  	_ =	shalt  }
0x4b: {  	_ =	shalt  }
0x4c: {  	_ =	shalt  }
0x4d: {  	_ =	shalt  }
0x4e: {  	_ =	shalt  }
0x4f: {  	_ =	shalt  }
0x50: {  	_ =	shalt  }
0x51: {  	_ =	shalt  }
0x52: {  	_ =	shalt  }
0x53: {  	_ =	shalt  }
0x54: {  	_ =	shalt  }
0x55: {  	_ =	shalt  }
0x56: {  	_ =	shalt  }
0x57: {  	_ =	shalt  }
0x58: {  	_ =	shalt  }
0x59: {  	_ =	shalt  }
0x5a: {  	_ =	shalt  }
0x5b: {  	_ =	shalt  }
0x5c: {  	_ =	shalt  }
0x5d: {  	_ =	shalt  }
0x5e: {  	_ =	shalt  }
0x5f: {  	_ =	shalt  }
0x60: {  	_ =	shalt  }
0x61: {  	_ =	shalt  }
0x62: {  	_ =	shalt  }
0x63: {  	_ =	shalt  }
0x64: {  	_ =	shalt  }
0x65: {  	_ =	shalt  }
0x66: {  	_ =	shalt  }
0x67: {  	_ =	shalt  }
0x68: {  	_ =	shalt  }
0x69: {  	_ =	shalt  }
0x6a: {  	_ =	shalt  }
0x6b: {  	_ =	shalt  }
0x6c: {  	_ =	shalt  }
0x6d: {  	_ =	shalt  }
0x6e: {  	_ =	shalt  }
0x6f: {  	_ =	shalt  }
0x70: {  	_ =	shalt  }
0x71: {  	_ =	shalt  }
0x72: {  	_ =	shalt  }
0x73: {  	_ =	shalt  }
0x74: {  	_ =	shalt  }
0x75: {  	_ =	shalt  }
0x76: {  	_ =	shalt  }
0x77: {  	_ =	shalt  }
0x78: {  	_ =	shalt  }
0x79: {  	_ =	shalt  }
0x7a: {  	_ =	shalt  }
0x7b: {  	_ =	shalt  }
0x7c: {  	_ =	shalt  }
0x7d: {  	_ =	shalt  }
0x7e: {  	_ =	shalt  }
0x7f: {  	_ =	shalt  }
0x80: {  	_ =	shalt  }
0x81: {  	_ =	shalt  }
0x82: {  	_ =	shalt  }
0x83: {  	_ =	shalt  }
0x84: {  	_ =	shalt  }
0x85: {  	_ =	shalt  }
0x86: {  	_ =	shalt  }
0x87: {  	_ =	shalt  }
.Lfunc_end0:
.L_simem_size_0:
called_computation.2_lowered:
.L_overlay_start_0:
0x88: {  	s2 =	sld [smem:$0x3FD9]  }
0x89: {  	s3 =	sld [smem:$0x3FFE];
	_ =	sdelay $0x1  }
0x8a: {  	s1 =	srdreg.scid  }
0x8b: {  	s0 =	sand.u32 $0x1, s1  }
0x8c: {  	s16 =	sshll.u32 s0, $0xA;
	s2 =	sadd.s32 s3, s2  }
0x8d: {  	s2 =	sadd.s32 s2, s16  }
0x8e: {  	[smem:$0x3FB1] =	sst s2  }
0x8f: {  	_ = 	snop  }
0x90: {  	(tm) =	ssettm $0x1  }
0x91: {  	s17 =	sld [smem:$0x3FFB];
	_ =	sdelay $0x3  }
0x92: {  	_ =	strace s17  }
0x93: {  	s2 =	sld [smem:$0x3FFC];
	_ =	sdelay $0x3  }
0x94: {  	_ =	strace s2  }
0x95: {  	s2 =	sld [smem:$0x3FFD];
	_ =	sdelay $0x3  }
0x96: {  	_ =	strace s2  }
0x97: {  	_ =	strace $0x8FFFFFFF  }
0x98: {  	s18 =	sld [smem:$0x3FDB];
	_ =	sdelay $0x1  }
0x99: {  	s19 =	simm.s32 $_scs_section_size  }
0x9a: {  	s4 =	simm.s32 $_size__tile_overlayer_lowered;
	s5 =	simm.s32 $_tile_overlayer_lowered  }
0x9b: {  	s22 =	simm.s32 $0x1BFF;
	s21 =	sshll.u32 s5, $0x1;
	s2 =	sadd.s32 s19, s18  }
0x9c: {  	s6 =	simm.s32 $0x0;
	s20 =	sshll.u32 s4, $0x1;
	s4 =	sadd.s32 s21, s2  }
0x9d: {  	[timem:s6], [sflag:s22] =	dma.local [hbm:s4], s20  }
0x9e: {  	_ =	swait.ge [sflag:s22], s20  }
0x9f: {  	s3 =	ssub.s32 $0x0, s20;
	[sflag:s22] =	ssyncset.done $0x0  }
0xa0: {  	[sflag:s22] =	ssyncadd.s32 s3;
	_ =	sdelay $0x1  }
0xa1: {  	s23 =	simm.s32 $0x1B8B  }
0xa2: {  	_ =	swait.ge [sflag:s23], $0x1  }
0xa3: {  	[sflag:s23] =	ssyncset.done $0x0  }
0xa4: {  	s25 =	simm.s32 $0x1B8E;
	s24 =	sld [smem:$0x3FFE];
	[sflag:s23] =	ssyncadd.s32 $0xFFFFFFFF  }
0xa5: {  	s26 =	simm.s32 $execute0_lowered;
	[smem:$0x3FD2] =	sst s25  }
0xa6: {  	s4 =	sshll.u32 s26, $0x1;
	_ =	strace $0x8000004C;
	[dreg:$0x1] =	wrdreg $0xFFFFFFFF  }
0xa7: {  	s28 =	simm.s32 $_size_execute0_lowered;
	s2 =	sadd.s32 s2, s4;
	[dreg:$0x0] =	wrdreg $0x0  }
0xa8: {  	s4 =	sshll.u32 s28, $0x1;
	[dreg:$0x2] =	wrdreg s2  }
0xa9: {  	[dreg:$0x3] =	wrdreg s4  }
0xaa: {  	[dreg:$0x4] =	wrdreg $0xC0  }
0xab: {  	_ =	task [dreg:s6], $0x5FFFF  }
0xac: {  	[dreg:$0x1] =	wrdreg $0xFFFFFFFF  }
0xad: {  	[dreg:$0x0] =	wrdreg $0x60  }
0xae: {  	[dreg:$0x2] =	wrdreg s24  }
0xaf: {  	[dreg:$0x3] =	wrdreg $0x70000  }
0xb0: {  	[dreg:$0x4] =	wrdreg $0x9  }
0xb1: {  	_ =	task.clear_ibuf [dreg:s6], $0x5FFFF;
	_ =	strace $0x9000004C  }
0xb2: {  	s29 =	simm.s32 $0x9;
	_ =	strace $0x8000004E  }
0xb3: {  	_ =	swait.ge [sflag:s29], $0x1  }
0xb4: {  	[sflag:s29] =	ssyncadd.s32 $0xFFFFFFFF  }
0xb5: {  	_ =	strace $0x9000004E  }
0xb6: {  	_ =	sfence  }
0xb7: {  	s30 =	sld [smem:$0x0];
	_ =	sdelay $0x2  }
0xb8: {  	s31 =	sshll.u32 s1, $0xD;
	s1 =	sshrl.u32 s1, $0x2  }
0xb9: {  	s3 =	sand.u32 $0x4000, s31;
	s1 =	sadd.s32 s1, s30  }
0xba: {  	s0 =	sor.u32 s3, s0;
	s1 =	sshll.u32 s1, $0x11  }
0xbb: {  	s0 =	sor.u32 s1, s0  }
0xbc: {  	s0 =	sadd.s32 $0x8F2B, s0  }
0xbd: {  	[sflag:s0] =	ssyncadd.remote.s32 $0x1  }
0xbe: {  	_ =	sfence.sel $0xFFFF  }
0xbf: {  	[dreg:$0x0] =	wrdreg $0xFFFFFFFF;
	(pc) =	sbr.abs _section_cstart, $3  }
0xc0: {  	[dreg:$0x1] =	wrdreg $0xFFFFFFFF  }
0xc1: {  	_ =	task.clear_ibuf [dreg:s6], $0x2FFFF;
	_ =	strace $0x9FFFFFFF  }
0xc2: {  	(tm) =	ssettm $0x7FFFFFFF  }
0xc3: {  	_ =	shalt  }
tec
execute0_lowered:
.L_overlay_start_1:
0x0: {  	(tag) =	ssettag $0x1  }
0x1: {  	s8 =	rddreg [dreg:$0x0]  }
0x2: {  	s1 =	rddreg [dreg:$0x1]  }
0x3: {  	s2 =	srdreg.scid;
	s0 =	rddreg [dreg:$0x2]  }
0x4: {  	s3 =	simm.s32 $0x0;
	s15 =	simm.s32 $0x50;
	s16 =	simm.s32 $0x2000  }
0x5: {  	s17 =	simm.s32 $0x80;
	s18 =	simm.s32 $0x4800;
	s19 =	simm.s32 $0x1  }
0x6: {  	s20 =	simm.s32 $0x2;
	s21 =	simm.s32 $0x1080;
	s22 =	simm.s32 $0x3  }
0x7: {  	s23 =	simm.s32 $0x4;
	s24 =	simm.s32 $0xC00;
	s25 =	simm.s32 $0x1C00  }
0x8: {  	s9 =	sand.u32 $0x1, s2;
	s2 =	stileid.u32;
	[smem:$0x7FF] =	sst s3  }
0x9: {  	s4 =	sadd.s32 $0x17000, s8;
	s5 =	sadd.s32 $0x7B600, s8;
	s7 =	smul.u32 $0x140000, s9  }
0xa: {  	s6 =	sadd.s32 $0x67600, s8;
	s10 =	smul.u32 $0x14000, s2;
	_ =	strace $0x8000004D  }
0xb: {  	s26 =	ssub.s32 $0x2, s9;
	s13 =	smul.u32 $0x50000, s2;
	s28 =	sshll.u32 s9, $0x4  }
0xc: {  	s30 =	sshll.u32 s2, $0x6;
	s12 =	sshrl.u32 s26, $0x1;
	s31 =	sor.u32 s2, s28  }
0xd: {  	s7 =	sadd.s32 s10, s7;
	s12 =	ssub.s32 s26, s12;
	s29 =	sshrl.u32 s13, $0x2  }
0xe: {  	s9 =	smul.u32 $0x5000, s31;
	s13 =	simm.s32 $0x5;
	s11 =	sshrl.u32 s7, $0x3  }
0xf: {  	s26 =	simm.s32 $0x0;
	s7 =	sadd.s32 $0x14800, s8;
	s11 =	sadd.s32 s11, s8  }
0x10: {  	s14 =	sadd.s32 s29, s1;
	s8 =	sor.u32 $0x1C05, s30;
	s10 =	sadd.s32 $0x8F600, s11  }
0x11: {  	s11 =	smax.u32 s12, $0x1;
	s12 =	sshrl.u32 s14, $0x3;
	s14 =	simm.s32 $0x1000  }
.LBB2_1:
0x12: {  	[spmem:s12], [sflag:s8] =	dma.local [hbm:s7], $0x2800  }
0x13: {  	_ =	swait.ge [sflag:s13], $0x2800  }
0x14: {  	[sflag:s13] =	ssyncset.done $0x0  }
0x15: {  	[sflag:s13] =	ssyncadd.s32 $0xFFFFD800  }
0x16: {  	s28 =	simm.s32 $0x0;
	[bflag:$0x0] =	sbarrier.arrive $0xFFFF  }
.LBB2_2:
0x17: {  	s29 =	sshll.u32 s28, $0xC  }
0x18: {  	s29 =	sadd.s32 s9, s29  }
0x19: {  	s29 =	sshrl.u32 s29, $0x3  }
0x1a: {  	s30 =	sadd.s32 s5, s29  }
0x1b: {  	[tilespmem:s3], [sflag:$0x5] =	stream.linear.gather [hbm4b:s30+s3], $0xC80, $0x38;
	[tilespmem:$0x1B000] =	vst v63  }
0x1c: {  	_ =	swait.ge [sflag:s13], $0xC80  }
0x1d: {  	[sflag:s13] =	ssyncset.done $0x0  }
0x1e: {  	s29 =	sadd.s32 s6, s29;
	[sflag:s13] =	ssyncadd.s32 $0xFFFFF380  }
0x1f: {  	[tilespmem:s14], [sflag:$0x5] =	stream.linear.gather [hbm4b:s29+s3], $0xC80, $0x38;
	[tilespmem:$0x1B000] =	vst v63  }
0x20: {  	_ =	swait.ge [sflag:s13], $0xC80  }
0x21: {  	[sflag:s13] =	ssyncset.done $0x0  }
0x22: {  	[sflag:s13] =	ssyncadd.s32 $0xFFFFF380  }
0x23: {  	[tilespmem:s16], [sflag:$0x1] =	stream.indirect.gather [hbm4b:s4+s15], $0x80, s3, s15, $0xb8;
	[tilespmem:$0x1B000] =	vst v63  }
0x24: {  	_ = 	snop  }
0x25: {  	[tilespmem:s18], [sflag:$0x2] =	stream.indirect.gather [hbm4b:s4+s15], $0x80, s17, s15, $0xb8;
	[tilespmem:$0x1B000] =	vst v63  }
0x26: {  	_ =	swait.ge [sflag:s19], $0x2800  }
0x27: {  	[sflag:s19] =	ssyncset.done $0x0  }
0x28: {  	[sflag:s19] =	ssyncadd.s32 $0xFFFFD800  }
0x29: {  	[spmem:s1] =	stream.indirect.scatter.add.f32 [tilespmem:s16], [sflag:$0x3], $0x80, s14, s15, $0xb8;
	[tilespmem:$0x1B000] =	vst v63  }
0x2a: {  	_ =	swait.ge [sflag:s20], $0x2800  }
0x2b: {  	[sflag:s20] =	ssyncset.done $0x0  }
0x2c: {  	[sflag:s20] =	ssyncadd.s32 $0xFFFFD800  }
0x2d: {  	[spmem:s1] =	stream.indirect.scatter.add.f32 [tilespmem:s18], [sflag:$0x4], $0x80, s21, s15, $0xb8;
	[tilespmem:$0x1B000] =	vst v63  }
0x2e: {  	_ =	swait.ge [sflag:s22], $0x2800  }
0x2f: {  	[sflag:s22] =	ssyncset.done $0x0  }
0x30: {  	s29 =	simm.s32 $0x100;
	[sflag:s22] =	ssyncadd.s32 $0xFFFFD800  }
0x31: {  	[tilespmem:s16], [sflag:$0x1] =	stream.indirect.gather [hbm4b:s4+s15], $0x80, s29, s15, $0xb8;
	[tilespmem:$0x1B000] =	vst v63  }
0x32: {  	_ =	swait.ge [sflag:s23], $0x2800  }
0x33: {  	[sflag:s23] =	ssyncset.done $0x0  }
0x34: {  	s29 =	simm.s32 $0x180;
	[sflag:s23] =	ssyncadd.s32 $0xFFFFD800  }
0x35: {  	[tilespmem:s18], [sflag:$0x2] =	stream.indirect.gather [hbm4b:s4+s15], $0x80, s29, s15, $0xb8;
	[tilespmem:$0x1B000] =	vst v63  }
0x36: {  	_ =	swait.ge [sflag:s19], $0x2800  }
0x37: {  	[sflag:s19] =	ssyncset.done $0x0  }
0x38: {  	s29 =	simm.s32 $0x1100;
	[sflag:s19] =	ssyncadd.s32 $0xFFFFD800  }
0x39: {  	[spmem:s1] =	stream.indirect.scatter.add.f32 [tilespmem:s16], [sflag:$0x3], $0x80, s29, s15, $0xb8;
	[tilespmem:$0x1B000] =	vst v63  }
0x3a: {  	_ =	swait.ge [sflag:s20], $0x2800  }
0x3b: {  	[sflag:s20] =	ssyncset.done $0x0  }
0x3c: {  	s30 =	simm.s32 $0x1180;
	s29 =	simm.s32 $0xFFFFD800;
	[sflag:s20] =	ssyncadd.s32 $0xFFFFD800  }
.LBB2_3:
0x3d: {  	[spmem:s1] =	stream.indirect.scatter.add.f32 [tilespmem:s18], [sflag:$0x4], $0x80, s30, s15, $0xb8;
	[tilespmem:$0x1B000] =	vst v63  }
0x3e: {  	s30 =	smov.u32 s29  }
0x3f: {  	p0 =	sne.s32 s29, $0xFFFFFC00;
	s29 =	sadd.s32 $0x400, s29;
	_ =	swait.ge [sflag:s22], $0x2800  }
0x40: {  	s30 =	sshra.s32 s30, $0x2;
	[sflag:s22] =	ssyncset.done $0x0  }
0x41: {  	s31 =	sadd.s32 $0xC00, s30;
	[sflag:s22] =	ssyncadd.s32 $0xFFFFD800  }
0x42: {  	[tilespmem:s16], [sflag:$0x1] =	stream.indirect.gather [hbm4b:s4+s15], $0x80, s31, s15, $0xb8;
	[tilespmem:$0x1B000] =	vst v63  }
0x43: {  	_ =	swait.ge [sflag:s23], $0x2800  }
0x44: {  	[sflag:s23] =	ssyncset.done $0x0  }
0x45: {  	s31 =	sadd.s32 $0xC80, s30;
	[sflag:s23] =	ssyncadd.s32 $0xFFFFD800  }
0x46: {  	[tilespmem:s18], [sflag:$0x2] =	stream.indirect.gather [hbm4b:s4+s15], $0x80, s31, s15, $0xb8;
	[tilespmem:$0x1B000] =	vst v63  }
0x47: {  	_ =	swait.ge [sflag:s19], $0x2800  }
0x48: {  	[sflag:s19] =	ssyncset.done $0x0  }
.Ltmp0:
0x49: {  	s31 =	sadd.s32 $0x1C00, s30;
	[sflag:s19] =	ssyncadd.s32 $0xFFFFD800;
	(pc) =	sbr.rel @p0 .LBB2_3-.Ltmp0, $4  }
0x4a: {  	[spmem:s1] =	stream.indirect.scatter.add.f32 [tilespmem:s16], [sflag:$0x3], $0x80, s31, s15, $0xb8;
	[tilespmem:$0x1B000] =	vst v63  }
0x4b: {  	_ =	swait.ge [sflag:s20], $0x2800  }
0x4c: {  	[sflag:s20] =	ssyncset.done $0x0  }
0x4d: {  	s30 =	sadd.s32 $0x1C80, s30;
	[sflag:s20] =	ssyncadd.s32 $0xFFFFD800  }
0x4e: {  	[spmem:s1] =	stream.indirect.scatter.add.f32 [tilespmem:s18], [sflag:$0x4], $0x80, s30, s15, $0xb8;
	[tilespmem:$0x1B000] =	vst v63  }
0x4f: {  	_ =	swait.ge [sflag:s22], $0x2800  }
0x50: {  	[sflag:s22] =	ssyncset.done $0x0  }
0x51: {  	[sflag:s22] =	ssyncadd.s32 $0xFFFFD800  }
0x52: {  	[tilespmem:s16], [sflag:$0x1] =	stream.indirect.gather [hbm4b:s4+s15], $0x80, s24, s15, $0xb8;
	[tilespmem:$0x1B000] =	vst v63  }
0x53: {  	_ =	swait.ge [sflag:s19], $0x2800  }
0x54: {  	[sflag:s19] =	ssyncset.done $0x0  }
0x55: {  	s28 =	sadd.s32 $0x1, s28;
	[sflag:s19] =	ssyncadd.s32 $0xFFFFD800  }
0x56: {  	[spmem:s1] =	stream.indirect.scatter.add.f32 [tilespmem:s16], [sflag:$0x3], $0x80, s25, s15, $0xb8;
	[tilespmem:$0x1B000] =	vst v63  }
0x57: {  	p0 =	sne.s32 s28, $0x5;
	_ =	swait.ge [sflag:s23], $0x2800  }
.Ltmp1:
0x58: {  	[sflag:s23] =	ssyncset.done $0x0;
	(pc) =	sbr.rel @p0 .LBB2_2-.Ltmp1, $4  }
0x59: {  	[sflag:s23] =	ssyncadd.s32 $0xFFFFD800  }
0x5a: {  	_ =	swait.ge [sflag:s22], $0x2800  }
0x5b: {  	[sflag:s22] =	ssyncset.done $0x0  }
0x5c: {  	[sflag:s22] =	ssyncadd.s32 $0xFFFFD800  }
0x5d: {  	s26 =	sadd.s32 $0x1, s26  }
0x5e: {  	p0 =	sne.s32 s26, s11  }
.Ltmp2:
0x5f: {  	[bflag:$0x0] =	sbarrier.arrive $0xFFFF;
	(pc) =	sbr.rel @p0 .LBB2_1-.Ltmp2, $4  }
0x60: {  	[hbm:s10], [sflag:s8] =	dma.local [spmem:s12], $0x2800  }
0x61: {  	_ =	swait.ge [sflag:s13], $0x2800  }
0x62: {  	[sflag:s13] =	ssyncset.done $0x0  }
0x63: {  	[sflag:s13] =	ssyncadd.s32 $0xFFFFD800  }
0x64: {  	_ =	sfence.sel $0x180000  }
0x65: {  	[bflag:$0x0] =	sbarrier.arrive $0xFFFF  }
0x66: {  	p0 =	sne.s32 s2, $0x0;
	_ =	strace $0x9000004D  }
0x67: {  	s0 =	sadd.s32 @!p0 $0x100000, s0;
	[bflag:$0x2] =	sbarrier.arrive $0xFFFF  }
0x68: {  	[sflag:s0] =	ssyncadd.tile.s32 @!p0 $0x1;
	_ =	shalt  }
.Lfunc_end2:
_tile_overlayer_lowered:
.L_overlay_start_2:
0x69: {  	(tag) =	ssettag $0x2  }
0x6a: {  	s0 =	rddreg [dreg:$0x0];
	s2 =	stileid.u32  }
0x6b: {  	s1 =	rddreg [dreg:$0x1];
	p0 =	sne.s32 s2, $0x0  }
0x6c: {  	s3 =	rddreg [dreg:$0x2];
	[bflag:$0x3] =	sbarrier.arrive $0xFFFF;
	s2 =	simm.s32 @!p0 $0x1C05  }
0x6d: {  	[timem:s3], [sflag:s2] =	dma.local @!p0 [hbm:s0], s1  }
0x6e: {  	s0 =	simm.s32 @!p0 $0x5  }
0x6f: {  	_ =	swait.ge @!p0 [sflag:s0], s1  }
0x70: {  	s1 =	ssub.s32 @!p0 $0x0, s1;
	[sflag:s0] =	ssyncset.done @!p0 $0x0  }
0x71: {  	[sflag:s0] =	ssyncadd.s32 @!p0 s1  }
0x72: {  	[bflag:$0x3] =	sbarrier.arrive $0xFFFF  }
0x73: {  	_ =	shalt  }

// kernel: kernel.19.cloned.1.call-start
scs
__scs_entry_jumppad:
0x0: {  	(pc) =	sbr.rel $0x88, $3  }
0x1: {  	(tag) =	ssettag $0x0;
	lr =	simm.s32 $0x1  }
0x2: {  	[smem:$0x3F8A] =	sst lr;
	_ =	strace $0xD0000000  }
0x3: {  	_ = 	snop  }
0x4: {  	_ = 	snop  }
0x5: {  	_ = 	snop  }
0x6: {  	_ = 	snop  }
0x7: {  	_ = 	snop  }
__scs_overlays_trampoline_lowered:
0x8: {  	[smem:$0x3F99] =	sst s0  }
0x9: {  	[smem:$0x3F9A] =	sst s1  }
0xa: {  	[smem:$0x3F9B] =	sst s2  }
0xb: {  	[smem:$0x3F9C] =	sst s3  }
0xc: {  	[smem:$0x3F9D] =	sst s4  }
0xd: {  	[smem:$0x3F9E] =	sst s5  }
0xe: {  	[smem:$0x3F9F] =	sst s6  }
0xf: {  	[smem:$0x3FA0] =	sst s7  }
0x10: {  	[smem:$0x3FA1] =	sst s8  }
0x11: {  	[smem:$0x3FA2] =	sst s9;
	s0 =	simm.s32 @!p0 $0x0  }
0x12: {  	s1 =	sld [smem:$0x3F88];
	s0 =	simm.s32 @p0 $0x1  }
0x13: {  	[smem:$0x3FA3] =	sst s0;
	s0 =	simm.s32 @!p1 $0x0  }
0x14: {  	s2 =	sld [smem:$0x3F87];
	s0 =	simm.s32 @p1 $0x1  }
0x15: {  	[smem:$0x3FA4] =	sst s0;
	s0 =	simm.s32 @!p2 $0x0  }
0x16: {  	s3 =	sld [smem:$0x3FDB];
	s0 =	simm.s32 @p2 $0x1  }
0x17: {  	s4 =	simm.s32 $0x1BF5;
	[smem:$0x3FA6] =	sst s0  }
0x18: {  	s0 =	sld [smem:$0x3F89];
	_ =	swait.ge [sflag:s4], $0x0  }
0x19: {  	s7 =	sld [smem:$0x3F8A]  }
0x1a: {  	s8 =	sadd.s32 $0xFFFFE003, lr  }
0x1b: {  	s9 =	sadd.s32 $0xFFFFFEF7, lr;
	s5 =	simm.s32 $0xFFFFFFFF;
	p2 =	slt.u32 s8, $0xFFFFF086  }
0x1c: {  	p1 =	slt.u32 s9, $0xF7A;
	s5 =	simm.s32 @!p2 $0x0  }
0x1d: {  	s5 =	simm.s32 @p1 $0x1;
	p0 =	seq.s32 s7, s2  }
0x1e: {  	s7 =	smul.u32 @!p0 $0xF7A, s2;
	p2 =	seq.s32 @!p0 s5, $0x0  }
0x1f: {  	s9 =	smul.u32 $0xF7A, s1;
	s8 =	simm.s32 @!p0 $0x1BF5;
	p2 =	por !p2, p0  }
0x20: {  	[sflag:s8] =	ssyncset.s32 @!p0 $0xFFFFF086;
	s6 =	sadd.s32 @!p0 s3, s7;
	s7 =	simm.s32 @!p0 $0x108  }
0x21: {  	s3 =	sadd.s32 s3, s9;
	s6 =	sadd.s32 @!p0 $0x88, s6;
	s7 =	simm.s32 @p2 $0x1082  }
0x22: {  	[simem:s7], [sflag:s8] =	dma.local @!p0 [hbm:s6], $0xF7A  }
0x23: {  	s9 =	sor.u32 $0xD0000000, s2;
	s6 =	simm.s32 $0x108;
	_ =	swait.ge @!p0 [sflag:s8], $0x0  }
0x24: {  	s3 =	sadd.s32 $0x88, s3;
	s6 =	simm.s32 @!p1 $0x1082;
	[sflag:s4] =	ssyncset.s32 $0xFFFFF086  }
0x25: {  	[simem:s6], [sflag:s4] =	dma.local [hbm:s3], $0xF7A  }
0x26: {  	[smem:$0x3F8A] =	sst s1;
	(tag) =	ssettag s2;
	_ =	strace s9  }
0x27: {  	s1 =	sld [smem:$0x3F9A]  }
0x28: {  	s2 =	sld [smem:$0x3F9B]  }
0x29: {  	s4 =	sld [smem:$0x3F9D]  }
0x2a: {  	p0 =	seq.s32 s5, $0x0;
	s5 =	sld [smem:$0x3F9E]  }
0x2b: {  	s6 =	sld [smem:$0x3F9F]  }
0x2c: {  	s7 =	sld [smem:$0x3FA0]  }
0x2d: {  	s3 =	simm.s32 $0x108;
	s8 =	sld [smem:$0x3FA1]  }
0x2e: {  	s3 =	simm.s32 @!p0 $0x1082;
	s9 =	sld [smem:$0x3FA2]  }
0x2f: {  	lr =	sadd.s32 s0, s3;
	s0 =	sld [smem:$0x3F99]  }
0x30: {  	s3 =	sld [smem:$0x3F9C]  }
0x31: {  	[smem:$0x3FA5] =	sst s10  }
0x32: {  	s10 =	sld [smem:$0x3FA3];
	_ =	sdelay $0x3  }
0x33: {  	p0 =	seq.s32 s10, $0x1;
	s10 =	sld [smem:$0x3FA5];
	_ =	sdelay $0x3  }
0x34: {  	[smem:$0x3FA5] =	sst s10  }
0x35: {  	s10 =	sld [smem:$0x3FA4];
	_ =	sdelay $0x3  }
0x36: {  	p1 =	seq.s32 s10, $0x1;
	s10 =	sld [smem:$0x3FA5];
	_ =	sdelay $0x3  }
0x37: {  	[smem:$0x3FA5] =	sst s10  }
0x38: {  	s10 =	sld [smem:$0x3FA6]  }
0x39: {  	_ = 	snop;
	(pc) =	sbr.ind lr, $3  }
0x3a: {  	_ = 	snop  }
0x3b: {  	_ = 	snop  }
0x3c: {  	p2 =	seq.s32 s10, $0x1;
	s10 =	sld [smem:$0x3FA5]  }
0x3d: {  	_ =	shalt  }
0x3e: {  	_ =	shalt  }
0x3f: {  	_ =	shalt  }
0x40: {  	_ =	shalt  }
0x41: {  	_ =	shalt  }
0x42: {  	_ =	shalt  }
0x43: {  	_ =	shalt  }
0x44: {  	_ =	shalt  }
0x45: {  	_ =	shalt  }
0x46: {  	_ =	shalt  }
0x47: {  	_ =	shalt  }
0x48: {  	_ =	shalt  }
0x49: {  	_ =	shalt  }
0x4a: {  	_ =	shalt  }
0x4b: {  	_ =	shalt  }
0x4c: {  	_ =	shalt  }
0x4d: {  	_ =	shalt  }
0x4e: {  	_ =	shalt  }
0x4f: {  	_ =	shalt  }
0x50: {  	_ =	shalt  }
0x51: {  	_ =	shalt  }
0x52: {  	_ =	shalt  }
0x53: {  	_ =	shalt  }
0x54: {  	_ =	shalt  }
0x55: {  	_ =	shalt  }
0x56: {  	_ =	shalt  }
0x57: {  	_ =	shalt  }
0x58: {  	_ =	shalt  }
0x59: {  	_ =	shalt  }
0x5a: {  	_ =	shalt  }
0x5b: {  	_ =	shalt  }
0x5c: {  	_ =	shalt  }
0x5d: {  	_ =	shalt  }
0x5e: {  	_ =	shalt  }
0x5f: {  	_ =	shalt  }
0x60: {  	_ =	shalt  }
0x61: {  	_ =	shalt  }
0x62: {  	_ =	shalt  }
0x63: {  	_ =	shalt  }
0x64: {  	_ =	shalt  }
0x65: {  	_ =	shalt  }
0x66: {  	_ =	shalt  }
0x67: {  	_ =	shalt  }
0x68: {  	_ =	shalt  }
0x69: {  	_ =	shalt  }
0x6a: {  	_ =	shalt  }
0x6b: {  	_ =	shalt  }
0x6c: {  	_ =	shalt  }
0x6d: {  	_ =	shalt  }
0x6e: {  	_ =	shalt  }
0x6f: {  	_ =	shalt  }
0x70: {  	_ =	shalt  }
0x71: {  	_ =	shalt  }
0x72: {  	_ =	shalt  }
0x73: {  	_ =	shalt  }
0x74: {  	_ =	shalt  }
0x75: {  	_ =	shalt  }
0x76: {  	_ =	shalt  }
0x77: {  	_ =	shalt  }
0x78: {  	_ =	shalt  }
0x79: {  	_ =	shalt  }
0x7a: {  	_ =	shalt  }
0x7b: {  	_ =	shalt  }
0x7c: {  	_ =	shalt  }
0x7d: {  	_ =	shalt  }
0x7e: {  	_ =	shalt  }
0x7f: {  	_ =	shalt  }
0x80: {  	_ =	shalt  }
0x81: {  	_ =	shalt  }
0x82: {  	_ =	shalt  }
0x83: {  	_ =	shalt  }
0x84: {  	_ =	shalt  }
0x85: {  	_ =	shalt  }
0x86: {  	_ =	shalt  }
0x87: {  	_ =	shalt  }
.Lfunc_end0:
.L_simem_size_0:
called_computation.3_lowered:
.L_overlay_start_0:
0x88: {  	s2 =	sld [smem:$0x3FD9]  }
0x89: {  	s3 =	sld [smem:$0x3FFE];
	_ =	sdelay $0x1  }
0x8a: {  	s1 =	srdreg.scid  }
0x8b: {  	s0 =	sand.u32 $0x1, s1  }
0x8c: {  	s16 =	sshll.u32 s0, $0xA;
	s2 =	sadd.s32 s3, s2  }
0x8d: {  	s2 =	sadd.s32 s2, s16  }
0x8e: {  	[smem:$0x3FB1] =	sst s2  }
0x8f: {  	_ = 	snop  }
0x90: {  	(tm) =	ssettm $0x1  }
0x91: {  	s17 =	sld [smem:$0x3FFB];
	_ =	sdelay $0x3  }
0x92: {  	_ =	strace s17  }
0x93: {  	s2 =	sld [smem:$0x3FFC];
	_ =	sdelay $0x3  }
0x94: {  	_ =	strace s2  }
0x95: {  	s2 =	sld [smem:$0x3FFD];
	_ =	sdelay $0x3  }
0x96: {  	_ =	strace s2  }
0x97: {  	_ =	strace $0x8FFFFFFF  }
0x98: {  	s18 =	sld [smem:$0x3FDB];
	_ =	sdelay $0x1  }
0x99: {  	s19 =	simm.s32 $_scs_section_size  }
0x9a: {  	s4 =	simm.s32 $_size__tile_overlayer_lowered;
	s5 =	simm.s32 $_tile_overlayer_lowered  }
0x9b: {  	s22 =	simm.s32 $0x1BFF;
	s21 =	sshll.u32 s5, $0x1;
	s2 =	sadd.s32 s19, s18  }
0x9c: {  	s6 =	simm.s32 $0x0;
	s20 =	sshll.u32 s4, $0x1;
	s4 =	sadd.s32 s21, s2  }
0x9d: {  	[timem:s6], [sflag:s22] =	dma.local [hbm:s4], s20  }
0x9e: {  	_ =	swait.ge [sflag:s22], s20  }
0x9f: {  	s3 =	ssub.s32 $0x0, s20;
	[sflag:s22] =	ssyncset.done $0x0  }
0xa0: {  	[sflag:s22] =	ssyncadd.s32 s3;
	_ =	sdelay $0x1  }
0xa1: {  	s23 =	simm.s32 $0x1B8B  }
0xa2: {  	_ =	swait.ge [sflag:s23], $0x1  }
0xa3: {  	[sflag:s23] =	ssyncset.done $0x0  }
0xa4: {  	s25 =	simm.s32 $0x1B8E;
	s24 =	sld [smem:$0x3FFE];
	[sflag:s23] =	ssyncadd.s32 $0xFFFFFFFF  }
0xa5: {  	s26 =	simm.s32 $execute0_lowered;
	[smem:$0x3FD2] =	sst s25  }
0xa6: {  	s4 =	sshll.u32 s26, $0x1;
	_ =	strace $0x8000004F;
	[dreg:$0x1] =	wrdreg $0xFFFFFFFF  }
0xa7: {  	s28 =	simm.s32 $_size_execute0_lowered;
	s2 =	sadd.s32 s2, s4;
	[dreg:$0x0] =	wrdreg $0x0  }
0xa8: {  	s4 =	sshll.u32 s28, $0x1;
	[dreg:$0x2] =	wrdreg s2  }
0xa9: {  	[dreg:$0x3] =	wrdreg s4  }
0xaa: {  	[dreg:$0x4] =	wrdreg $0xC0  }
0xab: {  	_ =	task [dreg:s6], $0x5FFFF  }
0xac: {  	[dreg:$0x1] =	wrdreg $0xFFFFFFFF  }
0xad: {  	[dreg:$0x0] =	wrdreg $0x60  }
0xae: {  	[dreg:$0x2] =	wrdreg s24  }
0xaf: {  	[dreg:$0x3] =	wrdreg $0x70000  }
0xb0: {  	[dreg:$0x4] =	wrdreg $0x9  }
0xb1: {  	_ =	task.clear_ibuf [dreg:s6], $0x5FFFF;
	_ =	strace $0x9000004F  }
0xb2: {  	s29 =	simm.s32 $0x9;
	_ =	strace $0x80000051  }
0xb3: {  	_ =	swait.ge [sflag:s29], $0x1  }
0xb4: {  	[sflag:s29] =	ssyncadd.s32 $0xFFFFFFFF  }
0xb5: {  	_ =	strace $0x90000051  }
0xb6: {  	_ =	sfence  }
0xb7: {  	s30 =	sld [smem:$0x0];
	_ =	sdelay $0x2  }
0xb8: {  	s31 =	sshll.u32 s1, $0xD;
	s1 =	sshrl.u32 s1, $0x2  }
0xb9: {  	s3 =	sand.u32 $0x4000, s31;
	s1 =	sadd.s32 s1, s30  }
0xba: {  	s0 =	sor.u32 s3, s0;
	s1 =	sshll.u32 s1, $0x11  }
0xbb: {  	s0 =	sor.u32 s1, s0  }
0xbc: {  	s0 =	sadd.s32 $0x8F2B, s0  }
0xbd: {  	[sflag:s0] =	ssyncadd.remote.s32 $0x1  }
0xbe: {  	_ =	sfence.sel $0xFFFF  }
0xbf: {  	[dreg:$0x0] =	wrdreg $0xFFFFFFFF;
	(pc) =	sbr.abs _section_cstart, $3  }
0xc0: {  	[dreg:$0x1] =	wrdreg $0xFFFFFFFF  }
0xc1: {  	_ =	task.clear_ibuf [dreg:s6], $0x2FFFF;
	_ =	strace $0x9FFFFFFF  }
0xc2: {  	(tm) =	ssettm $0x7FFFFFFF  }
0xc3: {  	_ =	shalt  }
tec
execute0_lowered:
.L_overlay_start_1:
0x0: {  	(tag) =	ssettag $0x1  }
0x1: {  	s8 =	rddreg [dreg:$0x0]  }
0x2: {  	s1 =	rddreg [dreg:$0x1]  }
0x3: {  	s2 =	srdreg.scid;
	s0 =	rddreg [dreg:$0x2]  }
0x4: {  	s3 =	simm.s32 $0x0;
	s15 =	simm.s32 $0x50;
	s16 =	simm.s32 $0x2000  }
0x5: {  	s17 =	simm.s32 $0x80;
	s18 =	simm.s32 $0x4800;
	s19 =	simm.s32 $0x1  }
0x6: {  	s20 =	simm.s32 $0x2;
	s21 =	simm.s32 $0x1080;
	s22 =	simm.s32 $0x3  }
0x7: {  	s23 =	simm.s32 $0x4;
	s24 =	simm.s32 $0xC00;
	s25 =	simm.s32 $0x1C00  }
0x8: {  	s9 =	sand.u32 $0x1, s2;
	s2 =	stileid.u32;
	[smem:$0x7FF] =	sst s3  }
0x9: {  	s4 =	sadd.s32 $0x17000, s8;
	s5 =	sadd.s32 $0x7B600, s8;
	s7 =	smul.u32 $0x140000, s9  }
0xa: {  	s6 =	sadd.s32 $0x67600, s8;
	s10 =	smul.u32 $0x14000, s2;
	_ =	strace $0x80000050  }
0xb: {  	s26 =	ssub.s32 $0x2, s9;
	s13 =	smul.u32 $0x50000, s2;
	s28 =	sshll.u32 s9, $0x4  }
0xc: {  	s30 =	sshll.u32 s2, $0x6;
	s12 =	sshrl.u32 s26, $0x1;
	s31 =	sor.u32 s2, s28  }
0xd: {  	s7 =	sadd.s32 s10, s7;
	s12 =	ssub.s32 s26, s12;
	s29 =	sshrl.u32 s13, $0x2  }
0xe: {  	s9 =	smul.u32 $0x5000, s31;
	s13 =	simm.s32 $0x5;
	s11 =	sshrl.u32 s7, $0x3  }
0xf: {  	s26 =	simm.s32 $0x0;
	s7 =	sadd.s32 $0x14800, s8;
	s11 =	sadd.s32 s11, s8  }
0x10: {  	s14 =	sadd.s32 s29, s1;
	s8 =	sor.u32 $0x1C05, s30;
	s10 =	sadd.s32 $0x8F600, s11  }
0x11: {  	s11 =	smax.u32 s12, $0x1;
	s12 =	sshrl.u32 s14, $0x3;
	s14 =	simm.s32 $0x1000  }
.LBB2_1:
0x12: {  	[spmem:s12], [sflag:s8] =	dma.local [hbm:s7], $0x2800  }
0x13: {  	_ =	swait.ge [sflag:s13], $0x2800  }
0x14: {  	[sflag:s13] =	ssyncset.done $0x0  }
0x15: {  	[sflag:s13] =	ssyncadd.s32 $0xFFFFD800  }
0x16: {  	s28 =	simm.s32 $0x0;
	[bflag:$0x0] =	sbarrier.arrive $0xFFFF  }
.LBB2_2:
0x17: {  	s29 =	sshll.u32 s28, $0xC  }
0x18: {  	s29 =	sadd.s32 s9, s29  }
0x19: {  	s29 =	sshrl.u32 s29, $0x3  }
0x1a: {  	s30 =	sadd.s32 s5, s29  }
0x1b: {  	[tilespmem:s3], [sflag:$0x5] =	stream.linear.gather [hbm4b:s30+s3], $0xC80, $0x38;
	[tilespmem:$0x1B000] =	vst v63  }
0x1c: {  	_ =	swait.ge [sflag:s13], $0xC80  }
0x1d: {  	[sflag:s13] =	ssyncset.done $0x0  }
0x1e: {  	s29 =	sadd.s32 s6, s29;
	[sflag:s13] =	ssyncadd.s32 $0xFFFFF380  }
0x1f: {  	[tilespmem:s14], [sflag:$0x5] =	stream.linear.gather [hbm4b:s29+s3], $0xC80, $0x38;
	[tilespmem:$0x1B000] =	vst v63  }
0x20: {  	_ =	swait.ge [sflag:s13], $0xC80  }
0x21: {  	[sflag:s13] =	ssyncset.done $0x0  }
0x22: {  	[sflag:s13] =	ssyncadd.s32 $0xFFFFF380  }
0x23: {  	[tilespmem:s16], [sflag:$0x1] =	stream.indirect.gather [hbm4b:s4+s15], $0x80, s3, s15, $0xb8;
	[tilespmem:$0x1B000] =	vst v63  }
0x24: {  	_ = 	snop  }
0x25: {  	[tilespmem:s18], [sflag:$0x2] =	stream.indirect.gather [hbm4b:s4+s15], $0x80, s17, s15, $0xb8;
	[tilespmem:$0x1B000] =	vst v63  }
0x26: {  	_ =	swait.ge [sflag:s19], $0x2800  }
0x27: {  	[sflag:s19] =	ssyncset.done $0x0  }
0x28: {  	[sflag:s19] =	ssyncadd.s32 $0xFFFFD800  }
0x29: {  	[spmem:s1] =	stream.indirect.scatter.add.f32 [tilespmem:s16], [sflag:$0x3], $0x80, s14, s15, $0xb8;
	[tilespmem:$0x1B000] =	vst v63  }
0x2a: {  	_ =	swait.ge [sflag:s20], $0x2800  }
0x2b: {  	[sflag:s20] =	ssyncset.done $0x0  }
0x2c: {  	[sflag:s20] =	ssyncadd.s32 $0xFFFFD800  }
0x2d: {  	[spmem:s1] =	stream.indirect.scatter.add.f32 [tilespmem:s18], [sflag:$0x4], $0x80, s21, s15, $0xb8;
	[tilespmem:$0x1B000] =	vst v63  }
0x2e: {  	_ =	swait.ge [sflag:s22], $0x2800  }
0x2f: {  	[sflag:s22] =	ssyncset.done $0x0  }
0x30: {  	s29 =	simm.s32 $0x100;
	[sflag:s22] =	ssyncadd.s32 $0xFFFFD800  }
0x31: {  	[tilespmem:s16], [sflag:$0x1] =	stream.indirect.gather [hbm4b:s4+s15], $0x80, s29, s15, $0xb8;
	[tilespmem:$0x1B000] =	vst v63  }
0x32: {  	_ =	swait.ge [sflag:s23], $0x2800  }
0x33: {  	[sflag:s23] =	ssyncset.done $0x0  }
0x34: {  	s29 =	simm.s32 $0x180;
	[sflag:s23] =	ssyncadd.s32 $0xFFFFD800  }
0x35: {  	[tilespmem:s18], [sflag:$0x2] =	stream.indirect.gather [hbm4b:s4+s15], $0x80, s29, s15, $0xb8;
	[tilespmem:$0x1B000] =	vst v63  }
0x36: {  	_ =	swait.ge [sflag:s19], $0x2800  }
0x37: {  	[sflag:s19] =	ssyncset.done $0x0  }
0x38: {  	s29 =	simm.s32 $0x1100;
	[sflag:s19] =	ssyncadd.s32 $0xFFFFD800  }
0x39: {  	[spmem:s1] =	stream.indirect.scatter.add.f32 [tilespmem:s16], [sflag:$0x3], $0x80, s29, s15, $0xb8;
	[tilespmem:$0x1B000] =	vst v63  }
0x3a: {  	_ =	swait.ge [sflag:s20], $0x2800  }
0x3b: {  	[sflag:s20] =	ssyncset.done $0x0  }
0x3c: {  	s30 =	simm.s32 $0x1180;
	s29 =	simm.s32 $0xFFFFD800;
	[sflag:s20] =	ssyncadd.s32 $0xFFFFD800  }
.LBB2_3:
0x3d: {  	[spmem:s1] =	stream.indirect.scatter.add.f32 [tilespmem:s18], [sflag:$0x4], $0x80, s30, s15, $0xb8;
	[tilespmem:$0x1B000] =	vst v63  }
0x3e: {  	s30 =	smov.u32 s29  }
0x3f: {  	p0 =	sne.s32 s29, $0xFFFFFC00;
	s29 =	sadd.s32 $0x400, s29;
	_ =	swait.ge [sflag:s22], $0x2800  }
0x40: {  	s30 =	sshra.s32 s30, $0x2;
	[sflag:s22] =	ssyncset.done $0x0  }
0x41: {  	s31 =	sadd.s32 $0xC00, s30;
	[sflag:s22] =	ssyncadd.s32 $0xFFFFD800  }
0x42: {  	[tilespmem:s16], [sflag:$0x1] =	stream.indirect.gather [hbm4b:s4+s15], $0x80, s31, s15, $0xb8;
	[tilespmem:$0x1B000] =	vst v63  }
0x43: {  	_ =	swait.ge [sflag:s23], $0x2800  }
0x44: {  	[sflag:s23] =	ssyncset.done $0x0  }
0x45: {  	s31 =	sadd.s32 $0xC80, s30;
	[sflag:s23] =	ssyncadd.s32 $0xFFFFD800  }
0x46: {  	[tilespmem:s18], [sflag:$0x2] =	stream.indirect.gather [hbm4b:s4+s15], $0x80, s31, s15, $0xb8;
	[tilespmem:$0x1B000] =	vst v63  }
0x47: {  	_ =	swait.ge [sflag:s19], $0x2800  }
0x48: {  	[sflag:s19] =	ssyncset.done $0x0  }
.Ltmp0:
0x49: {  	s31 =	sadd.s32 $0x1C00, s30;
	[sflag:s19] =	ssyncadd.s32 $0xFFFFD800;
	(pc) =	sbr.rel @p0 .LBB2_3-.Ltmp0, $4  }
0x4a: {  	[spmem:s1] =	stream.indirect.scatter.add.f32 [tilespmem:s16], [sflag:$0x3], $0x80, s31, s15, $0xb8;
	[tilespmem:$0x1B000] =	vst v63  }
0x4b: {  	_ =	swait.ge [sflag:s20], $0x2800  }
0x4c: {  	[sflag:s20] =	ssyncset.done $0x0  }
0x4d: {  	s30 =	sadd.s32 $0x1C80, s30;
	[sflag:s20] =	ssyncadd.s32 $0xFFFFD800  }
0x4e: {  	[spmem:s1] =	stream.indirect.scatter.add.f32 [tilespmem:s18], [sflag:$0x4], $0x80, s30, s15, $0xb8;
	[tilespmem:$0x1B000] =	vst v63  }
0x4f: {  	_ =	swait.ge [sflag:s22], $0x2800  }
0x50: {  	[sflag:s22] =	ssyncset.done $0x0  }
0x51: {  	[sflag:s22] =	ssyncadd.s32 $0xFFFFD800  }
0x52: {  	[tilespmem:s16], [sflag:$0x1] =	stream.indirect.gather [hbm4b:s4+s15], $0x80, s24, s15, $0xb8;
	[tilespmem:$0x1B000] =	vst v63  }
0x53: {  	_ =	swait.ge [sflag:s19], $0x2800  }
0x54: {  	[sflag:s19] =	ssyncset.done $0x0  }
0x55: {  	s28 =	sadd.s32 $0x1, s28;
	[sflag:s19] =	ssyncadd.s32 $0xFFFFD800  }
0x56: {  	[spmem:s1] =	stream.indirect.scatter.add.f32 [tilespmem:s16], [sflag:$0x3], $0x80, s25, s15, $0xb8;
	[tilespmem:$0x1B000] =	vst v63  }
0x57: {  	p0 =	sne.s32 s28, $0x5;
	_ =	swait.ge [sflag:s23], $0x2800  }
.Ltmp1:
0x58: {  	[sflag:s23] =	ssyncset.done $0x0;
	(pc) =	sbr.rel @p0 .LBB2_2-.Ltmp1, $4  }
0x59: {  	[sflag:s23] =	ssyncadd.s32 $0xFFFFD800  }
0x5a: {  	_ =	swait.ge [sflag:s22], $0x2800  }
0x5b: {  	[sflag:s22] =	ssyncset.done $0x0  }
0x5c: {  	[sflag:s22] =	ssyncadd.s32 $0xFFFFD800  }
0x5d: {  	s26 =	sadd.s32 $0x1, s26  }
0x5e: {  	p0 =	sne.s32 s26, s11  }
.Ltmp2:
0x5f: {  	[bflag:$0x0] =	sbarrier.arrive $0xFFFF;
	(pc) =	sbr.rel @p0 .LBB2_1-.Ltmp2, $4  }
0x60: {  	[hbm:s10], [sflag:s8] =	dma.local [spmem:s12], $0x2800  }
0x61: {  	_ =	swait.ge [sflag:s13], $0x2800  }
0x62: {  	[sflag:s13] =	ssyncset.done $0x0  }
0x63: {  	[sflag:s13] =	ssyncadd.s32 $0xFFFFD800  }
0x64: {  	_ =	sfence.sel $0x180000  }
0x65: {  	[bflag:$0x0] =	sbarrier.arrive $0xFFFF  }
0x66: {  	p0 =	sne.s32 s2, $0x0;
	_ =	strace $0x90000050  }
0x67: {  	s0 =	sadd.s32 @!p0 $0x100000, s0;
	[bflag:$0x2] =	sbarrier.arrive $0xFFFF  }
0x68: {  	[sflag:s0] =	ssyncadd.tile.s32 @!p0 $0x1;
	_ =	shalt  }
.Lfunc_end2:
_tile_overlayer_lowered:
.L_overlay_start_2:
0x69: {  	(tag) =	ssettag $0x2  }
0x6a: {  	s0 =	rddreg [dreg:$0x0];
	s2 =	stileid.u32  }
0x6b: {  	s1 =	rddreg [dreg:$0x1];
	p0 =	sne.s32 s2, $0x0  }
0x6c: {  	s3 =	rddreg [dreg:$0x2];
	[bflag:$0x3] =	sbarrier.arrive $0xFFFF;
	s2 =	simm.s32 @!p0 $0x1C05  }
0x6d: {  	[timem:s3], [sflag:s2] =	dma.local @!p0 [hbm:s0], s1  }
0x6e: {  	s0 =	simm.s32 @!p0 $0x5  }
0x6f: {  	_ =	swait.ge @!p0 [sflag:s0], s1  }
0x70: {  	s1 =	ssub.s32 @!p0 $0x0, s1;
	[sflag:s0] =	ssyncset.done @!p0 $0x0  }
0x71: {  	[sflag:s0] =	ssyncadd.s32 @!p0 s1  }
0x72: {  	[bflag:$0x3] =	sbarrier.arrive $0xFFFF  }
0x73: {  	_ =	shalt  }

</sc_bundles>
